<compile_context>
chip_gen: v7x
topology: tpu7x:2x2x1
jax: 0.10.2.dev20260603
libtpu: 0.0.44.dev20260713+nightly
codegen_flags: <defaults>
</compile_context>

<pallas_src>
import functools

import jax
import jax.numpy as jnp
from jax import lax
from jax.experimental import pallas as pl
from jax.experimental.pallas import tpu as pltpu
from jax.experimental.pallas import tpu_sc as plsc

N = 10000
E = 320000
D = 128

NC = 2
NS = 16
L = 16
NT = NC * NS
FPT = D // NT

NP = 10240
EC = 2048
EPAD = 323584
NCHE = EPAD // EC
EPT = EPAD // NT

_vec_mesh = plsc.VectorSubcoreMesh(core_axis_name="c", subcore_axis_name="s")



def _deg_body(dst_hbm, w_hbm, degp_hbm, dst_v, w_v, deg_v):
    c = lax.axis_index("c")
    s = lax.axis_index("s")
    tid = c * NS + s

    zero = jnp.zeros((L,), jnp.float32)

    @pl.loop(0, NP // L, unroll=8)
    def _(i):
        deg_v[pl.ds(i * L, L)] = zero

    pltpu.sync_copy(dst_hbm.at[pl.ds(tid * EPT, EPT)], dst_v)
    pltpu.sync_copy(w_hbm.at[pl.ds(tid * EPT, EPT)], w_v)

    @pl.loop(0, EPT // L, unroll=4)
    def _(i):
        sl = pl.ds(i * L, L)
        plsc.addupdate_scatter(deg_v, [dst_v[sl]], w_v[sl])

    pltpu.sync_copy(deg_v, degp_hbm.at[tid])


@functools.partial(
    pl.kernel,
    out_type=jax.ShapeDtypeStruct((NT, NP), jnp.float32),
    mesh=_vec_mesh,
    compiler_params=pltpu.CompilerParams(needs_layout_passes=False),
    scratch_types=[
        pltpu.VMEM((EPT,), jnp.int32),
        pltpu.VMEM((EPT,), jnp.float32),
        pltpu.VMEM((NP,), jnp.float32),
    ],
)
def _deg_kernel(dst_hbm, w_hbm, degp_hbm, dst_v, w_v, deg_v):
    _deg_body(dst_hbm, w_hbm, degp_hbm, dst_v, w_v, deg_v)



def _prop_body(gt_hbm, sd_hbm, w_hbm, acct_hbm,
               gcs, acs, sdb, wb, esems, csem):
    c = lax.axis_index("c")
    s = lax.axis_index("s")
    tid = c * NS + s
    frow = tid * FPT

    for f in range(FPT):
        pltpu.async_copy(gt_hbm.at[frow + f], gcs[f], csem)

    zero = jnp.zeros((L,), jnp.float32)
    for f in range(FPT):
        @pl.loop(0, NP // L, unroll=8)
        def _(i):
            acs[f][pl.ds(i * L, L)] = zero

    for f in range(FPT):
        pltpu.make_async_copy(gt_hbm.at[frow + f], gcs[f], csem).wait()

    def issue_edges(k, b):
        sl = pl.ds(k * EC, EC)
        pltpu.async_copy(sd_hbm.at[sl], sdb[b], esems[b])
        pltpu.async_copy(w_hbm.at[sl], wb[b], esems[b])

    def wait_edges(k, b):
        sl = pl.ds(k * EC, EC)
        pltpu.make_async_copy(sd_hbm.at[sl], sdb[b], esems[b]).wait()
        pltpu.make_async_copy(w_hbm.at[sl], wb[b], esems[b]).wait()

    issue_edges(0, 0)

    @pl.loop(0, NCHE, step=2)
    def _(g):
        for b in range(2):
            k = g + b
            wait_edges(k, b)

            @pl.when(k + 1 < NCHE)
            def _():
                issue_edges(k + 1, 1 - b)

            @plsc.parallel_loop(0, EC // L, unroll=4)
            def _(i):
                sl = pl.ds(i * L, L)
                sd16 = sdb[b][sl]
                src16 = sd16 & 0x3FFF
                dst16 = lax.shift_right_logical(sd16, 14)
                w16 = wb[b][sl]
                for f in range(FPT):
                    v = plsc.load_gather(gcs[f], [src16]) * w16
                    plsc.addupdate_scatter(acs[f], [dst16], v)

    for f in range(FPT):
        pltpu.sync_copy(acs[f], acct_hbm.at[frow + f])


@functools.partial(
    pl.kernel,
    out_type=jax.ShapeDtypeStruct((D, NP), jnp.float32),
    mesh=_vec_mesh,
    compiler_params=pltpu.CompilerParams(needs_layout_passes=False),
    scratch_types=[
        [pltpu.VMEM((NP,), jnp.float32)] * FPT,
        [pltpu.VMEM((NP,), jnp.float32)] * FPT,
        [pltpu.VMEM((EC,), jnp.int32)] * 2,
        [pltpu.VMEM((EC,), jnp.float32)] * 2,
        [pltpu.SemaphoreType.DMA] * 2,
        pltpu.SemaphoreType.DMA,
    ],
)
def _prop_kernel(gt_hbm, sd_hbm, w_hbm, acct_hbm,
                 gcs, acs, sdb, wb, esems, csem):
    _prop_body(gt_hbm, sd_hbm, w_hbm, acct_hbm,
               gcs, acs, sdb, wb, esems, csem)



RB = 1024


def _dinv_block(degp):
    deg = jnp.sum(degp, axis=0) + 1.0
    return jnp.where(deg > 0, lax.rsqrt(jnp.maximum(deg, 1e-12)), 0.0)


def _mmT(w, xT_or_x, dims):
    return lax.dot_general(w, xT_or_x, (dims, ((), ())),
                           preferred_element_type=jnp.float32,
                           precision=lax.Precision.HIGHEST)


def _tc_g1_body(degp_ref, x_ref, w1_ref, g1t_ref):
    dinv = _dinv_block(degp_ref[...])
    gt = _mmT(w1_ref[...], x_ref[...], ((0,), (1,)))
    g1t_ref[...] = gt * dinv[None, :]


def _tc_g2_body(degp_ref, at_ref, g1t_ref, b1_ref, w2_ref, g2t_ref):
    dinv = _dinv_block(degp_ref[...])
    acc = at_ref[...] + g1t_ref[...]
    x2t = jnp.maximum(acc * dinv[None, :] + b1_ref[...], 0.0)
    g2t_ref[...] = _mmT(w2_ref[...], x2t, ((0,), (0,))) * dinv[None, :]


def _tc_out_body(degp_ref, at_ref, g2t_ref, b2_ref, outt_ref):
    dinv = _dinv_block(degp_ref[...])
    acc = at_ref[...] + g2t_ref[...]
    outt_ref[...] = acc * dinv[None, :] + b2_ref[...]


_degp_spec = pl.BlockSpec((NT, RB), lambda i: (0, i))
_xrows_spec = pl.BlockSpec((RB, D), lambda i: (i, 0))
_t_spec = pl.BlockSpec((D, RB), lambda i: (0, i))
_mat_spec = pl.BlockSpec((D, D), lambda i: (0, 0))
_bcol_spec = pl.BlockSpec((D, 1), lambda i: (0, 0))
_grid = (NP // RB,)

_t_out = jax.ShapeDtypeStruct((D, NP), jnp.float32)

_tc_g1 = pl.pallas_call(
    _tc_g1_body,
    grid=_grid,
    in_specs=[_degp_spec, _xrows_spec, _mat_spec],
    out_specs=_t_spec,
    out_shape=_t_out,
)

_tc_g2 = pl.pallas_call(
    _tc_g2_body,
    grid=_grid,
    in_specs=[_degp_spec, _t_spec, _t_spec, _bcol_spec, _mat_spec],
    out_specs=_t_spec,
    out_shape=_t_out,
)

_tc_out = pl.pallas_call(
    _tc_out_body,
    grid=_grid,
    in_specs=[_degp_spec, _t_spec, _t_spec, _bcol_spec],
    out_specs=_t_spec,
    out_shape=_t_out,
)



def kernel(x, edge_index, edge_attr, W1, b1, W2, b2):
    src = edge_index[0]
    dst = edge_index[1]
    pad = EPAD - E
    pad_idx = jnp.full((pad,), NP - 1, jnp.int32)
    src_f = jnp.concatenate([src, pad_idx])
    dst_f = jnp.concatenate([dst, pad_idx])
    w_f = jnp.concatenate([edge_attr, jnp.zeros((pad,), jnp.float32)])
    x_p = jnp.pad(x, ((0, NP - N), (0, 0)))
    sd_f = src_f | (dst_f << 14)

    degp = _deg_kernel(dst_f, w_f)
    g1t = _tc_g1(degp, x_p, W1)
    a1t = _prop_kernel(g1t, sd_f, w_f)
    g2t = _tc_g2(degp, a1t, g1t, b1.reshape(D, 1), W2)
    a2t = _prop_kernel(g2t, sd_f, w_f)
    outt = _tc_out(degp, a2t, g2t, b2.reshape(D, 1))
    return outt.T[:N]

# --- scband reference (transcript-rebuilt; emitter-appended) ---
"""Pipeline reference for scband-gcn-24550033064199 (READ-ONLY COPY).

The authoritative reference and input builder live on the scoring server;
editing this copy changes nothing except your own understanding.
"""

import jax, jax.numpy as jnp
import numpy as np

N = 10000
E = 320000
D_IN = 128
D_H = 128
D_OUT = 128


def setup_inputs(seed: int = 0) -> dict:
    key = jax.random.key(seed)
    ks = jax.random.split(key, 8)
    x = jax.random.normal(ks[0], (N, D_IN), dtype=jnp.float32)
    edge_index = jax.random.randint(ks[1], (2, E), 0, N, dtype=jnp.int32)
    edge_attr = jax.random.uniform(ks[2], (E,), dtype=jnp.float32)
    W1 = jax.random.normal(ks[3], (D_IN, D_H), dtype=jnp.float32) * (1.0 / np.sqrt(D_IN))
    b1 = jnp.zeros((D_H,), dtype=jnp.float32)
    W2 = jax.random.normal(ks[4], (D_H, D_OUT), dtype=jnp.float32) * (1.0 / np.sqrt(D_H))
    b2 = jnp.zeros((D_OUT,), dtype=jnp.float32)
    return {"x": x, "edge_index": edge_index, "edge_attr": edge_attr,
            "W1": W1, "b1": b1, "W2": W2, "b2": b2}


def _gcn_layer(x, W, b, src, dst, ew, num_nodes):
    # PyG GCNConv: add self-loops (weight 1), symmetric normalization, then propagate.
    loop = jnp.arange(num_nodes, dtype=src.dtype)
    s = jnp.concatenate([src, loop])
    d = jnp.concatenate([dst, loop])
    w = jnp.concatenate([ew, jnp.ones((num_nodes,), dtype=ew.dtype)])
    deg = jax.ops.segment_sum(w, d, num_segments=num_nodes)
    deg_inv_sqrt = jnp.where(deg > 0, jax.lax.rsqrt(jnp.maximum(deg, 1e-12)), 0.0)
    norm = deg_inv_sqrt[s] * w * deg_inv_sqrt[d]
    h = x @ W
    msg = h[s] * norm[:, None]
    out = jax.ops.segment_sum(msg, d, num_segments=num_nodes)
    return out + b


def reference(x, edge_index, edge_attr, W1, b1, W2, b2):
    src = edge_index[0]
    dst = edge_index[1]
    h = _gcn_layer(x, W1, b1, src, dst, edge_attr, N)
    h = jax.nn.relu(h)
    # dropout: identity in eval mode
    out = _gcn_layer(h, W2, b2, src, dst, edge_attr, N)
    return out

if __name__ == "__main__":
    import jax
    _d = setup_inputs()
    print(jax.jit(kernel)(*tuple(_d.values())))

</pallas_src>

<mosaic_0001>
#map = affine_map<(d0, d1) -> (0, 0)>
#map1 = affine_map<(d0, d1) -> (0)>
module attributes {stable_mosaic.version = 14 : i64} {
  func.func @_prop_kernel(%arg0: i32, %arg1: i32, %arg2: memref<128x10240xf32, #tpu.memory_space<hbm>>, %arg3: memref<323584xi32, #tpu.memory_space<hbm>>, %arg4: memref<323584xf32, #tpu.memory_space<hbm>>, %arg5: memref<128x10240xf32, #tpu.memory_space<hbm>>, %arg6: memref<10240xf32, #tpu.memory_space<vmem>>, %arg7: memref<10240xf32, #tpu.memory_space<vmem>>, %arg8: memref<10240xf32, #tpu.memory_space<vmem>>, %arg9: memref<10240xf32, #tpu.memory_space<vmem>>, %arg10: memref<10240xf32, #tpu.memory_space<vmem>>, %arg11: memref<10240xf32, #tpu.memory_space<vmem>>, %arg12: memref<10240xf32, #tpu.memory_space<vmem>>, %arg13: memref<10240xf32, #tpu.memory_space<vmem>>, %arg14: memref<2048xi32, #tpu.memory_space<vmem>>, %arg15: memref<2048xi32, #tpu.memory_space<vmem>>, %arg16: memref<2048xf32, #tpu.memory_space<vmem>>, %arg17: memref<2048xf32, #tpu.memory_space<vmem>>, %arg18: memref<!tpu.dma_semaphore, #tpu.memory_space<semaphore_mem>>, %arg19: memref<!tpu.dma_semaphore, #tpu.memory_space<semaphore_mem>>, %arg20: memref<!tpu.dma_semaphore, #tpu.memory_space<semaphore_mem>>) attributes {dimension_semantics = [#tpu.dimension_semantics<core_parallel>, #tpu.dimension_semantics<subcore_parallel>], iteration_bounds = array<i64: 2, 16>, scalar_prefetch = 0 : i64, scratch_operands = 15 : i64, tpu.core_type = #tpu.core_type<sc_vector_subcore>, window_params = [{transform_indices = #map}, {transform_indices = #map1}, {transform_indices = #map1}, {transform_indices = #map}]} {
    %mul3A = arith.constant 16 : i32
    %mul3A_0 = arith.muli %arg0, %mul3A : i32
    %add3A = arith.addi %mul3A_0, %arg1 : i32
    %mul3A_1 = arith.constant 4 : i32
    %mul3A_2 = arith.muli %add3A, %mul3A_1 : i32
    %add3A_3 = arith.constant 0 : i32
    %add3A_4 = arith.addi %mul3A_2, %add3A_3 : i32
    %dma_start3A = arith.constant 0 : i32
    %dma_start3A_5 = tpu.memref_slice %arg2[%add3A_4, %dma_start3A] : memref<128x10240xf32, #tpu.memory_space<hbm>> -> memref<1x10240xf32, #tpu.memory_space<hbm>>
    %dma_start3A_6 = tpu.memref_squeeze %dma_start3A_5 : memref<1x10240xf32, #tpu.memory_space<hbm>> -> memref<10240xf32, #tpu.memory_space<hbm>>
    %dma_start3A_7 = arith.constant 0 : i32
    %dma_start3A_8 = tpu.memref_slice %arg2[%add3A_4, %dma_start3A_7] : memref<128x10240xf32, #tpu.memory_space<hbm>> -> memref<1x10240xf32, #tpu.memory_space<hbm>>
    %dma_start3A_9 = tpu.memref_squeeze %dma_start3A_8 : memref<1x10240xf32, #tpu.memory_space<hbm>> -> memref<10240xf32, #tpu.memory_space<hbm>>
    tpu.enqueue_dma source(%dma_start3A_9 : memref<10240xf32, #tpu.memory_space<hbm>>) target(%arg6 : memref<10240xf32, #tpu.memory_space<vmem>>) target_semaphore(%arg20 : memref<!tpu.dma_semaphore, #tpu.memory_space<semaphore_mem>>)
    %add3A_10 = arith.constant 1 : i32
    %add3A_11 = arith.addi %mul3A_2, %add3A_10 : i32
    %dma_start3A_12 = arith.constant 0 : i32
    %dma_start3A_13 = tpu.memref_slice %arg2[%add3A_11, %dma_start3A_12] : memref<128x10240xf32, #tpu.memory_space<hbm>> -> memref<1x10240xf32, #tpu.memory_space<hbm>>
    %dma_start3A_14 = tpu.memref_squeeze %dma_start3A_13 : memref<1x10240xf32, #tpu.memory_space<hbm>> -> memref<10240xf32, #tpu.memory_space<hbm>>
    %dma_start3A_15 = arith.constant 0 : i32
    %dma_start3A_16 = tpu.memref_slice %arg2[%add3A_11, %dma_start3A_15] : memref<128x10240xf32, #tpu.memory_space<hbm>> -> memref<1x10240xf32, #tpu.memory_space<hbm>>
    %dma_start3A_17 = tpu.memref_squeeze %dma_start3A_16 : memref<1x10240xf32, #tpu.memory_space<hbm>> -> memref<10240xf32, #tpu.memory_space<hbm>>
    tpu.enqueue_dma source(%dma_start3A_17 : memref<10240xf32, #tpu.memory_space<hbm>>) target(%arg7 : memref<10240xf32, #tpu.memory_space<vmem>>) target_semaphore(%arg20 : memref<!tpu.dma_semaphore, #tpu.memory_space<semaphore_mem>>)
    %add3A_18 = arith.constant 2 : i32
    %add3A_19 = arith.addi %mul3A_2, %add3A_18 : i32
    %dma_start3A_20 = arith.constant 0 : i32
    %dma_start3A_21 = tpu.memref_slice %arg2[%add3A_19, %dma_start3A_20] : memref<128x10240xf32, #tpu.memory_space<hbm>> -> memref<1x10240xf32, #tpu.memory_space<hbm>>
    %dma_start3A_22 = tpu.memref_squeeze %dma_start3A_21 : memref<1x10240xf32, #tpu.memory_space<hbm>> -> memref<10240xf32, #tpu.memory_space<hbm>>
    %dma_start3A_23 = arith.constant 0 : i32
    %dma_start3A_24 = tpu.memref_slice %arg2[%add3A_19, %dma_start3A_23] : memref<128x10240xf32, #tpu.memory_space<hbm>> -> memref<1x10240xf32, #tpu.memory_space<hbm>>
    %dma_start3A_25 = tpu.memref_squeeze %dma_start3A_24 : memref<1x10240xf32, #tpu.memory_space<hbm>> -> memref<10240xf32, #tpu.memory_space<hbm>>
    tpu.enqueue_dma source(%dma_start3A_25 : memref<10240xf32, #tpu.memory_space<hbm>>) target(%arg8 : memref<10240xf32, #tpu.memory_space<vmem>>) target_semaphore(%arg20 : memref<!tpu.dma_semaphore, #tpu.memory_space<semaphore_mem>>)
    %add3A_26 = arith.constant 3 : i32
    %add3A_27 = arith.addi %mul3A_2, %add3A_26 : i32
    %dma_start3A_28 = arith.constant 0 : i32
    %dma_start3A_29 = tpu.memref_slice %arg2[%add3A_27, %dma_start3A_28] : memref<128x10240xf32, #tpu.memory_space<hbm>> -> memref<1x10240xf32, #tpu.memory_space<hbm>>
    %dma_start3A_30 = tpu.memref_squeeze %dma_start3A_29 : memref<1x10240xf32, #tpu.memory_space<hbm>> -> memref<10240xf32, #tpu.memory_space<hbm>>
    %dma_start3A_31 = arith.constant 0 : i32
    %dma_start3A_32 = tpu.memref_slice %arg2[%add3A_27, %dma_start3A_31] : memref<128x10240xf32, #tpu.memory_space<hbm>> -> memref<1x10240xf32, #tpu.memory_space<hbm>>
    %dma_start3A_33 = tpu.memref_squeeze %dma_start3A_32 : memref<1x10240xf32, #tpu.memory_space<hbm>> -> memref<10240xf32, #tpu.memory_space<hbm>>
    tpu.enqueue_dma source(%dma_start3A_33 : memref<10240xf32, #tpu.memory_space<hbm>>) target(%arg9 : memref<10240xf32, #tpu.memory_space<vmem>>) target_semaphore(%arg20 : memref<!tpu.dma_semaphore, #tpu.memory_space<semaphore_mem>>)
    %broadcast_in_dim3A = arith.constant 0.000000e+00 : f32
    %broadcast_in_dim3A_34 = vector.broadcast %broadcast_in_dim3A : f32 to vector<16xf32>
    %scan3A = arith.constant 0 : i32
    %scan3A_35 = arith.constant 640 : i32
    %scan3A_36 = arith.addi %scan3A, %scan3A_35 : i32
    %scan3A_37 = arith.constant 8 : i32
    scf.for %scan3A_106 = %scan3A to %scan3A_36 step %scan3A_37  : i32 {
      %mul3A_107 = arith.constant 1 : i32
      %mul3A_108 = arith.muli %scan3A_106, %mul3A_107 : i32
      %add3A_109 = arith.constant 0 : i32
      %add3A_110 = arith.addi %add3A_109, %mul3A_108 : i32
      %mul3A_111 = arith.constant 16 : i32
      %mul3A_112 = arith.muli %add3A_110, %mul3A_111 : i32
      %swap3A = arith.index_cast %mul3A_112 : i32 to index
      %swap3A_113 = tpu.vector_load %arg10[%swap3A] {strides = array<i32>} : memref<10240xf32, #tpu.memory_space<vmem>>, vector<16xf32>,
      tpu.vector_store %arg10[%swap3A], %broadcast_in_dim3A_34 {strides = array<i32>} : memref<10240xf32, #tpu.memory_space<vmem>>, vector<16xf32>,
      %scan3A_114 = arith.constant 1 : i32
      %scan3A_115 = arith.addi %scan3A_106, %scan3A_114 : i32
      %mul3A_116 = arith.constant 1 : i32
      %mul3A_117 = arith.muli %scan3A_115, %mul3A_116 : i32
      %add3A_118 = arith.constant 0 : i32
      %add3A_119 = arith.addi %add3A_118, %mul3A_117 : i32
      %mul3A_120 = arith.constant 16 : i32
      %mul3A_121 = arith.muli %add3A_119, %mul3A_120 : i32
      %swap3A_122 = arith.index_cast %mul3A_121 : i32 to index
      %swap3A_123 = tpu.vector_load %arg10[%swap3A_122] {strides = array<i32>} : memref<10240xf32, #tpu.memory_space<vmem>>, vector<16xf32>,
      tpu.vector_store %arg10[%swap3A_122], %broadcast_in_dim3A_34 {strides = array<i32>} : memref<10240xf32, #tpu.memory_space<vmem>>, vector<16xf32>,
      %scan3A_124 = arith.constant 2 : i32
      %scan3A_125 = arith.addi %scan3A_106, %scan3A_124 : i32
      %mul3A_126 = arith.constant 1 : i32
      %mul3A_127 = arith.muli %scan3A_125, %mul3A_126 : i32
      %add3A_128 = arith.constant 0 : i32
      %add3A_129 = arith.addi %add3A_128, %mul3A_127 : i32
      %mul3A_130 = arith.constant 16 : i32
      %mul3A_131 = arith.muli %add3A_129, %mul3A_130 : i32
      %swap3A_132 = arith.index_cast %mul3A_131 : i32 to index
      %swap3A_133 = tpu.vector_load %arg10[%swap3A_132] {strides = array<i32>} : memref<10240xf32, #tpu.memory_space<vmem>>, vector<16xf32>,
      tpu.vector_store %arg10[%swap3A_132], %broadcast_in_dim3A_34 {strides = array<i32>} : memref<10240xf32, #tpu.memory_space<vmem>>, vector<16xf32>,
      %scan3A_134 = arith.constant 3 : i32
      %scan3A_135 = arith.addi %scan3A_106, %scan3A_134 : i32
      %mul3A_136 = arith.constant 1 : i32
      %mul3A_137 = arith.muli %scan3A_135, %mul3A_136 : i32
      %add3A_138 = arith.constant 0 : i32
      %add3A_139 = arith.addi %add3A_138, %mul3A_137 : i32
      %mul3A_140 = arith.constant 16 : i32
      %mul3A_141 = arith.muli %add3A_139, %mul3A_140 : i32
      %swap3A_142 = arith.index_cast %mul3A_141 : i32 to index
      %swap3A_143 = tpu.vector_load %arg10[%swap3A_142] {strides = array<i32>} : memref<10240xf32, #tpu.memory_space<vmem>>, vector<16xf32>,
      tpu.vector_store %arg10[%swap3A_142], %broadcast_in_dim3A_34 {strides = array<i32>} : memref<10240xf32, #tpu.memory_space<vmem>>, vector<16xf32>,
      %scan3A_144 = arith.constant 4 : i32
      %scan3A_145 = arith.addi %scan3A_106, %scan3A_144 : i32
      %mul3A_146 = arith.constant 1 : i32
      %mul3A_147 = arith.muli %scan3A_145, %mul3A_146 : i32
      %add3A_148 = arith.constant 0 : i32
      %add3A_149 = arith.addi %add3A_148, %mul3A_147 : i32
      %mul3A_150 = arith.constant 16 : i32
      %mul3A_151 = arith.muli %add3A_149, %mul3A_150 : i32
      %swap3A_152 = arith.index_cast %mul3A_151 : i32 to index
      %swap3A_153 = tpu.vector_load %arg10[%swap3A_152] {strides = array<i32>} : memref<10240xf32, #tpu.memory_space<vmem>>, vector<16xf32>,
      tpu.vector_store %arg10[%swap3A_152], %broadcast_in_dim3A_34 {strides = array<i32>} : memref<10240xf32, #tpu.memory_space<vmem>>, vector<16xf32>,
      %scan3A_154 = arith.constant 5 : i32
      %scan3A_155 = arith.addi %scan3A_106, %scan3A_154 : i32
      %mul3A_156 = arith.constant 1 : i32
      %mul3A_157 = arith.muli %scan3A_155, %mul3A_156 : i32
      %add3A_158 = arith.constant 0 : i32
      %add3A_159 = arith.addi %add3A_158, %mul3A_157 : i32
      %mul3A_160 = arith.constant 16 : i32
      %mul3A_161 = arith.muli %add3A_159, %mul3A_160 : i32
      %swap3A_162 = arith.index_cast %mul3A_161 : i32 to index
      %swap3A_163 = tpu.vector_load %arg10[%swap3A_162] {strides = array<i32>} : memref<10240xf32, #tpu.memory_space<vmem>>, vector<16xf32>,
      tpu.vector_store %arg10[%swap3A_162], %broadcast_in_dim3A_34 {strides = array<i32>} : memref<10240xf32, #tpu.memory_space<vmem>>, vector<16xf32>,
      %scan3A_164 = arith.constant 6 : i32
      %scan3A_165 = arith.addi %scan3A_106, %scan3A_164 : i32
      %mul3A_166 = arith.constant 1 : i32
      %mul3A_167 = arith.muli %scan3A_165, %mul3A_166 : i32
      %add3A_168 = arith.constant 0 : i32
      %add3A_169 = arith.addi %add3A_168, %mul3A_167 : i32
      %mul3A_170 = arith.constant 16 : i32
      %mul3A_171 = arith.muli %add3A_169, %mul3A_170 : i32
      %swap3A_172 = arith.index_cast %mul3A_171 : i32 to index
      %swap3A_173 = tpu.vector_load %arg10[%swap3A_172] {strides = array<i32>} : memref<10240xf32, #tpu.memory_space<vmem>>, vector<16xf32>,
      tpu.vector_store %arg10[%swap3A_172], %broadcast_in_dim3A_34 {strides = array<i32>} : memref<10240xf32, #tpu.memory_space<vmem>>, vector<16xf32>,
      %scan3A_174 = arith.constant 7 : i32
      %scan3A_175 = arith.addi %scan3A_106, %scan3A_174 : i32
      %mul3A_176 = arith.constant 1 : i32
      %mul3A_177 = arith.muli %scan3A_175, %mul3A_176 : i32
      %add3A_178 = arith.constant 0 : i32
      %add3A_179 = arith.addi %add3A_178, %mul3A_177 : i32
      %mul3A_180 = arith.constant 16 : i32
      %mul3A_181 = arith.muli %add3A_179, %mul3A_180 : i32
      %swap3A_182 = arith.index_cast %mul3A_181 : i32 to index
      %swap3A_183 = tpu.vector_load %arg10[%swap3A_182] {strides = array<i32>} : memref<10240xf32, #tpu.memory_space<vmem>>, vector<16xf32>,
      tpu.vector_store %arg10[%swap3A_182], %broadcast_in_dim3A_34 {strides = array<i32>} : memref<10240xf32, #tpu.memory_space<vmem>>, vector<16xf32>,
    }
    %scan3A_38 = arith.constant 640 : i32
    %scan3A_39 = arith.constant 0 : i32
    %scan3A_40 = arith.constant 640 : i32
    %scan3A_41 = arith.addi %scan3A_39, %scan3A_40 : i32
    %scan3A_42 = arith.constant 8 : i32
    scf.for %scan3A_106 = %scan3A_39 to %scan3A_41 step %scan3A_42  : i32 {
      %mul3A_107 = arith.constant 1 : i32
      %mul3A_108 = arith.muli %scan3A_106, %mul3A_107 : i32
      %add3A_109 = arith.constant 0 : i32
      %add3A_110 = arith.addi %add3A_109, %mul3A_108 : i32
      %mul3A_111 = arith.constant 16 : i32
      %mul3A_112 = arith.muli %add3A_110, %mul3A_111 : i32
      %swap3A = arith.index_cast %mul3A_112 : i32 to index
      %swap3A_113 = tpu.vector_load %arg11[%swap3A] {strides = array<i32>} : memref<10240xf32, #tpu.memory_space<vmem>>, vector<16xf32>,
      tpu.vector_store %arg11[%swap3A], %broadcast_in_dim3A_34 {strides = array<i32>} : memref<10240xf32, #tpu.memory_space<vmem>>, vector<16xf32>,
      %scan3A_114 = arith.constant 1 : i32
      %scan3A_115 = arith.addi %scan3A_106, %scan3A_114 : i32
      %mul3A_116 = arith.constant 1 : i32
      %mul3A_117 = arith.muli %scan3A_115, %mul3A_116 : i32
      %add3A_118 = arith.constant 0 : i32
      %add3A_119 = arith.addi %add3A_118, %mul3A_117 : i32
      %mul3A_120 = arith.constant 16 : i32
      %mul3A_121 = arith.muli %add3A_119, %mul3A_120 : i32
      %swap3A_122 = arith.index_cast %mul3A_121 : i32 to index
      %swap3A_123 = tpu.vector_load %arg11[%swap3A_122] {strides = array<i32>} : memref<10240xf32, #tpu.memory_space<vmem>>, vector<16xf32>,
      tpu.vector_store %arg11[%swap3A_122], %broadcast_in_dim3A_34 {strides = array<i32>} : memref<10240xf32, #tpu.memory_space<vmem>>, vector<16xf32>,
      %scan3A_124 = arith.constant 2 : i32
      %scan3A_125 = arith.addi %scan3A_106, %scan3A_124 : i32
      %mul3A_126 = arith.constant 1 : i32
      %mul3A_127 = arith.muli %scan3A_125, %mul3A_126 : i32
      %add3A_128 = arith.constant 0 : i32
      %add3A_129 = arith.addi %add3A_128, %mul3A_127 : i32
      %mul3A_130 = arith.constant 16 : i32
      %mul3A_131 = arith.muli %add3A_129, %mul3A_130 : i32
      %swap3A_132 = arith.index_cast %mul3A_131 : i32 to index
      %swap3A_133 = tpu.vector_load %arg11[%swap3A_132] {strides = array<i32>} : memref<10240xf32, #tpu.memory_space<vmem>>, vector<16xf32>,
      tpu.vector_store %arg11[%swap3A_132], %broadcast_in_dim3A_34 {strides = array<i32>} : memref<10240xf32, #tpu.memory_space<vmem>>, vector<16xf32>,
      %scan3A_134 = arith.constant 3 : i32
      %scan3A_135 = arith.addi %scan3A_106, %scan3A_134 : i32
      %mul3A_136 = arith.constant 1 : i32
      %mul3A_137 = arith.muli %scan3A_135, %mul3A_136 : i32
      %add3A_138 = arith.constant 0 : i32
      %add3A_139 = arith.addi %add3A_138, %mul3A_137 : i32
      %mul3A_140 = arith.constant 16 : i32
      %mul3A_141 = arith.muli %add3A_139, %mul3A_140 : i32
      %swap3A_142 = arith.index_cast %mul3A_141 : i32 to index
      %swap3A_143 = tpu.vector_load %arg11[%swap3A_142] {strides = array<i32>} : memref<10240xf32, #tpu.memory_space<vmem>>, vector<16xf32>,
      tpu.vector_store %arg11[%swap3A_142], %broadcast_in_dim3A_34 {strides = array<i32>} : memref<10240xf32, #tpu.memory_space<vmem>>, vector<16xf32>,
      %scan3A_144 = arith.constant 4 : i32
      %scan3A_145 = arith.addi %scan3A_106, %scan3A_144 : i32
      %mul3A_146 = arith.constant 1 : i32
      %mul3A_147 = arith.muli %scan3A_145, %mul3A_146 : i32
      %add3A_148 = arith.constant 0 : i32
      %add3A_149 = arith.addi %add3A_148, %mul3A_147 : i32
      %mul3A_150 = arith.constant 16 : i32
      %mul3A_151 = arith.muli %add3A_149, %mul3A_150 : i32
      %swap3A_152 = arith.index_cast %mul3A_151 : i32 to index
      %swap3A_153 = tpu.vector_load %arg11[%swap3A_152] {strides = array<i32>} : memref<10240xf32, #tpu.memory_space<vmem>>, vector<16xf32>,
      tpu.vector_store %arg11[%swap3A_152], %broadcast_in_dim3A_34 {strides = array<i32>} : memref<10240xf32, #tpu.memory_space<vmem>>, vector<16xf32>,
      %scan3A_154 = arith.constant 5 : i32
      %scan3A_155 = arith.addi %scan3A_106, %scan3A_154 : i32
      %mul3A_156 = arith.constant 1 : i32
      %mul3A_157 = arith.muli %scan3A_155, %mul3A_156 : i32
      %add3A_158 = arith.constant 0 : i32
      %add3A_159 = arith.addi %add3A_158, %mul3A_157 : i32
      %mul3A_160 = arith.constant 16 : i32
      %mul3A_161 = arith.muli %add3A_159, %mul3A_160 : i32
      %swap3A_162 = arith.index_cast %mul3A_161 : i32 to index
      %swap3A_163 = tpu.vector_load %arg11[%swap3A_162] {strides = array<i32>} : memref<10240xf32, #tpu.memory_space<vmem>>, vector<16xf32>,
      tpu.vector_store %arg11[%swap3A_162], %broadcast_in_dim3A_34 {strides = array<i32>} : memref<10240xf32, #tpu.memory_space<vmem>>, vector<16xf32>,
      %scan3A_164 = arith.constant 6 : i32
      %scan3A_165 = arith.addi %scan3A_106, %scan3A_164 : i32
      %mul3A_166 = arith.constant 1 : i32
      %mul3A_167 = arith.muli %scan3A_165, %mul3A_166 : i32
      %add3A_168 = arith.constant 0 : i32
      %add3A_169 = arith.addi %add3A_168, %mul3A_167 : i32
      %mul3A_170 = arith.constant 16 : i32
      %mul3A_171 = arith.muli %add3A_169, %mul3A_170 : i32
      %swap3A_172 = arith.index_cast %mul3A_171 : i32 to index
      %swap3A_173 = tpu.vector_load %arg11[%swap3A_172] {strides = array<i32>} : memref<10240xf32, #tpu.memory_space<vmem>>, vector<16xf32>,
      tpu.vector_store %arg11[%swap3A_172], %broadcast_in_dim3A_34 {strides = array<i32>} : memref<10240xf32, #tpu.memory_space<vmem>>, vector<16xf32>,
      %scan3A_174 = arith.constant 7 : i32
      %scan3A_175 = arith.addi %scan3A_106, %scan3A_174 : i32
      %mul3A_176 = arith.constant 1 : i32
      %mul3A_177 = arith.muli %scan3A_175, %mul3A_176 : i32
      %add3A_178 = arith.constant 0 : i32
      %add3A_179 = arith.addi %add3A_178, %mul3A_177 : i32
      %mul3A_180 = arith.constant 16 : i32
      %mul3A_181 = arith.muli %add3A_179, %mul3A_180 : i32
      %swap3A_182 = arith.index_cast %mul3A_181 : i32 to index
      %swap3A_183 = tpu.vector_load %arg11[%swap3A_182] {strides = array<i32>} : memref<10240xf32, #tpu.memory_space<vmem>>, vector<16xf32>,
      tpu.vector_store %arg11[%swap3A_182], %broadcast_in_dim3A_34 {strides = array<i32>} : memref<10240xf32, #tpu.memory_space<vmem>>, vector<16xf32>,
    }
    %scan3A_43 = arith.constant 640 : i32
    %scan3A_44 = arith.constant 0 : i32
    %scan3A_45 = arith.constant 640 : i32
    %scan3A_46 = arith.addi %scan3A_44, %scan3A_45 : i32
    %scan3A_47 = arith.constant 8 : i32
    scf.for %scan3A_106 = %scan3A_44 to %scan3A_46 step %scan3A_47  : i32 {
      %mul3A_107 = arith.constant 1 : i32
      %mul3A_108 = arith.muli %scan3A_106, %mul3A_107 : i32
      %add3A_109 = arith.constant 0 : i32
      %add3A_110 = arith.addi %add3A_109, %mul3A_108 : i32
      %mul3A_111 = arith.constant 16 : i32
      %mul3A_112 = arith.muli %add3A_110, %mul3A_111 : i32
      %swap3A = arith.index_cast %mul3A_112 : i32 to index
      %swap3A_113 = tpu.vector_load %arg12[%swap3A] {strides = array<i32>} : memref<10240xf32, #tpu.memory_space<vmem>>, vector<16xf32>,
      tpu.vector_store %arg12[%swap3A], %broadcast_in_dim3A_34 {strides = array<i32>} : memref<10240xf32, #tpu.memory_space<vmem>>, vector<16xf32>,
      %scan3A_114 = arith.constant 1 : i32
      %scan3A_115 = arith.addi %scan3A_106, %scan3A_114 : i32
      %mul3A_116 = arith.constant 1 : i32
      %mul3A_117 = arith.muli %scan3A_115, %mul3A_116 : i32
      %add3A_118 = arith.constant 0 : i32
      %add3A_119 = arith.addi %add3A_118, %mul3A_117 : i32
      %mul3A_120 = arith.constant 16 : i32
      %mul3A_121 = arith.muli %add3A_119, %mul3A_120 : i32
      %swap3A_122 = arith.index_cast %mul3A_121 : i32 to index
      %swap3A_123 = tpu.vector_load %arg12[%swap3A_122] {strides = array<i32>} : memref<10240xf32, #tpu.memory_space<vmem>>, vector<16xf32>,
      tpu.vector_store %arg12[%swap3A_122], %broadcast_in_dim3A_34 {strides = array<i32>} : memref<10240xf32, #tpu.memory_space<vmem>>, vector<16xf32>,
      %scan3A_124 = arith.constant 2 : i32
      %scan3A_125 = arith.addi %scan3A_106, %scan3A_124 : i32
      %mul3A_126 = arith.constant 1 : i32
      %mul3A_127 = arith.muli %scan3A_125, %mul3A_126 : i32
      %add3A_128 = arith.constant 0 : i32
      %add3A_129 = arith.addi %add3A_128, %mul3A_127 : i32
      %mul3A_130 = arith.constant 16 : i32
      %mul3A_131 = arith.muli %add3A_129, %mul3A_130 : i32
      %swap3A_132 = arith.index_cast %mul3A_131 : i32 to index
      %swap3A_133 = tpu.vector_load %arg12[%swap3A_132] {strides = array<i32>} : memref<10240xf32, #tpu.memory_space<vmem>>, vector<16xf32>,
      tpu.vector_store %arg12[%swap3A_132], %broadcast_in_dim3A_34 {strides = array<i32>} : memref<10240xf32, #tpu.memory_space<vmem>>, vector<16xf32>,
      %scan3A_134 = arith.constant 3 : i32
      %scan3A_135 = arith.addi %scan3A_106, %scan3A_134 : i32
      %mul3A_136 = arith.constant 1 : i32
      %mul3A_137 = arith.muli %scan3A_135, %mul3A_136 : i32
      %add3A_138 = arith.constant 0 : i32
      %add3A_139 = arith.addi %add3A_138, %mul3A_137 : i32
      %mul3A_140 = arith.constant 16 : i32
      %mul3A_141 = arith.muli %add3A_139, %mul3A_140 : i32
      %swap3A_142 = arith.index_cast %mul3A_141 : i32 to index
      %swap3A_143 = tpu.vector_load %arg12[%swap3A_142] {strides = array<i32>} : memref<10240xf32, #tpu.memory_space<vmem>>, vector<16xf32>,
      tpu.vector_store %arg12[%swap3A_142], %broadcast_in_dim3A_34 {strides = array<i32>} : memref<10240xf32, #tpu.memory_space<vmem>>, vector<16xf32>,
      %scan3A_144 = arith.constant 4 : i32
      %scan3A_145 = arith.addi %scan3A_106, %scan3A_144 : i32
      %mul3A_146 = arith.constant 1 : i32
      %mul3A_147 = arith.muli %scan3A_145, %mul3A_146 : i32
      %add3A_148 = arith.constant 0 : i32
      %add3A_149 = arith.addi %add3A_148, %mul3A_147 : i32
      %mul3A_150 = arith.constant 16 : i32
      %mul3A_151 = arith.muli %add3A_149, %mul3A_150 : i32
      %swap3A_152 = arith.index_cast %mul3A_151 : i32 to index
      %swap3A_153 = tpu.vector_load %arg12[%swap3A_152] {strides = array<i32>} : memref<10240xf32, #tpu.memory_space<vmem>>, vector<16xf32>,
      tpu.vector_store %arg12[%swap3A_152], %broadcast_in_dim3A_34 {strides = array<i32>} : memref<10240xf32, #tpu.memory_space<vmem>>, vector<16xf32>,
      %scan3A_154 = arith.constant 5 : i32
      %scan3A_155 = arith.addi %scan3A_106, %scan3A_154 : i32
      %mul3A_156 = arith.constant 1 : i32
      %mul3A_157 = arith.muli %scan3A_155, %mul3A_156 : i32
      %add3A_158 = arith.constant 0 : i32
      %add3A_159 = arith.addi %add3A_158, %mul3A_157 : i32
      %mul3A_160 = arith.constant 16 : i32
      %mul3A_161 = arith.muli %add3A_159, %mul3A_160 : i32
      %swap3A_162 = arith.index_cast %mul3A_161 : i32 to index
      %swap3A_163 = tpu.vector_load %arg12[%swap3A_162] {strides = array<i32>} : memref<10240xf32, #tpu.memory_space<vmem>>, vector<16xf32>,
      tpu.vector_store %arg12[%swap3A_162], %broadcast_in_dim3A_34 {strides = array<i32>} : memref<10240xf32, #tpu.memory_space<vmem>>, vector<16xf32>,
      %scan3A_164 = arith.constant 6 : i32
      %scan3A_165 = arith.addi %scan3A_106, %scan3A_164 : i32
      %mul3A_166 = arith.constant 1 : i32
      %mul3A_167 = arith.muli %scan3A_165, %mul3A_166 : i32
      %add3A_168 = arith.constant 0 : i32
      %add3A_169 = arith.addi %add3A_168, %mul3A_167 : i32
      %mul3A_170 = arith.constant 16 : i32
      %mul3A_171 = arith.muli %add3A_169, %mul3A_170 : i32
      %swap3A_172 = arith.index_cast %mul3A_171 : i32 to index
      %swap3A_173 = tpu.vector_load %arg12[%swap3A_172] {strides = array<i32>} : memref<10240xf32, #tpu.memory_space<vmem>>, vector<16xf32>,
      tpu.vector_store %arg12[%swap3A_172], %broadcast_in_dim3A_34 {strides = array<i32>} : memref<10240xf32, #tpu.memory_space<vmem>>, vector<16xf32>,
      %scan3A_174 = arith.constant 7 : i32
      %scan3A_175 = arith.addi %scan3A_106, %scan3A_174 : i32
      %mul3A_176 = arith.constant 1 : i32
      %mul3A_177 = arith.muli %scan3A_175, %mul3A_176 : i32
      %add3A_178 = arith.constant 0 : i32
      %add3A_179 = arith.addi %add3A_178, %mul3A_177 : i32
      %mul3A_180 = arith.constant 16 : i32
      %mul3A_181 = arith.muli %add3A_179, %mul3A_180 : i32
      %swap3A_182 = arith.index_cast %mul3A_181 : i32 to index
      %swap3A_183 = tpu.vector_load %arg12[%swap3A_182] {strides = array<i32>} : memref<10240xf32, #tpu.memory_space<vmem>>, vector<16xf32>,
      tpu.vector_store %arg12[%swap3A_182], %broadcast_in_dim3A_34 {strides = array<i32>} : memref<10240xf32, #tpu.memory_space<vmem>>, vector<16xf32>,
    }
    %scan3A_48 = arith.constant 640 : i32
    %scan3A_49 = arith.constant 0 : i32
    %scan3A_50 = arith.constant 640 : i32
    %scan3A_51 = arith.addi %scan3A_49, %scan3A_50 : i32
    %scan3A_52 = arith.constant 8 : i32
    scf.for %scan3A_106 = %scan3A_49 to %scan3A_51 step %scan3A_52  : i32 {
      %mul3A_107 = arith.constant 1 : i32
      %mul3A_108 = arith.muli %scan3A_106, %mul3A_107 : i32
      %add3A_109 = arith.constant 0 : i32
      %add3A_110 = arith.addi %add3A_109, %mul3A_108 : i32
      %mul3A_111 = arith.constant 16 : i32
      %mul3A_112 = arith.muli %add3A_110, %mul3A_111 : i32
      %swap3A = arith.index_cast %mul3A_112 : i32 to index
      %swap3A_113 = tpu.vector_load %arg13[%swap3A] {strides = array<i32>} : memref<10240xf32, #tpu.memory_space<vmem>>, vector<16xf32>,
      tpu.vector_store %arg13[%swap3A], %broadcast_in_dim3A_34 {strides = array<i32>} : memref<10240xf32, #tpu.memory_space<vmem>>, vector<16xf32>,
      %scan3A_114 = arith.constant 1 : i32
      %scan3A_115 = arith.addi %scan3A_106, %scan3A_114 : i32
      %mul3A_116 = arith.constant 1 : i32
      %mul3A_117 = arith.muli %scan3A_115, %mul3A_116 : i32
      %add3A_118 = arith.constant 0 : i32
      %add3A_119 = arith.addi %add3A_118, %mul3A_117 : i32
      %mul3A_120 = arith.constant 16 : i32
      %mul3A_121 = arith.muli %add3A_119, %mul3A_120 : i32
      %swap3A_122 = arith.index_cast %mul3A_121 : i32 to index
      %swap3A_123 = tpu.vector_load %arg13[%swap3A_122] {strides = array<i32>} : memref<10240xf32, #tpu.memory_space<vmem>>, vector<16xf32>,
      tpu.vector_store %arg13[%swap3A_122], %broadcast_in_dim3A_34 {strides = array<i32>} : memref<10240xf32, #tpu.memory_space<vmem>>, vector<16xf32>,
      %scan3A_124 = arith.constant 2 : i32
      %scan3A_125 = arith.addi %scan3A_106, %scan3A_124 : i32
      %mul3A_126 = arith.constant 1 : i32
      %mul3A_127 = arith.muli %scan3A_125, %mul3A_126 : i32
      %add3A_128 = arith.constant 0 : i32
      %add3A_129 = arith.addi %add3A_128, %mul3A_127 : i32
      %mul3A_130 = arith.constant 16 : i32
      %mul3A_131 = arith.muli %add3A_129, %mul3A_130 : i32
      %swap3A_132 = arith.index_cast %mul3A_131 : i32 to index
      %swap3A_133 = tpu.vector_load %arg13[%swap3A_132] {strides = array<i32>} : memref<10240xf32, #tpu.memory_space<vmem>>, vector<16xf32>,
      tpu.vector_store %arg13[%swap3A_132], %broadcast_in_dim3A_34 {strides = array<i32>} : memref<10240xf32, #tpu.memory_space<vmem>>, vector<16xf32>,
      %scan3A_134 = arith.constant 3 : i32
      %scan3A_135 = arith.addi %scan3A_106, %scan3A_134 : i32
      %mul3A_136 = arith.constant 1 : i32
      %mul3A_137 = arith.muli %scan3A_135, %mul3A_136 : i32
      %add3A_138 = arith.constant 0 : i32
      %add3A_139 = arith.addi %add3A_138, %mul3A_137 : i32
      %mul3A_140 = arith.constant 16 : i32
      %mul3A_141 = arith.muli %add3A_139, %mul3A_140 : i32
      %swap3A_142 = arith.index_cast %mul3A_141 : i32 to index
      %swap3A_143 = tpu.vector_load %arg13[%swap3A_142] {strides = array<i32>} : memref<10240xf32, #tpu.memory_space<vmem>>, vector<16xf32>,
      tpu.vector_store %arg13[%swap3A_142], %broadcast_in_dim3A_34 {strides = array<i32>} : memref<10240xf32, #tpu.memory_space<vmem>>, vector<16xf32>,
      %scan3A_144 = arith.constant 4 : i32
      %scan3A_145 = arith.addi %scan3A_106, %scan3A_144 : i32
      %mul3A_146 = arith.constant 1 : i32
      %mul3A_147 = arith.muli %scan3A_145, %mul3A_146 : i32
      %add3A_148 = arith.constant 0 : i32
      %add3A_149 = arith.addi %add3A_148, %mul3A_147 : i32
      %mul3A_150 = arith.constant 16 : i32
      %mul3A_151 = arith.muli %add3A_149, %mul3A_150 : i32
      %swap3A_152 = arith.index_cast %mul3A_151 : i32 to index
      %swap3A_153 = tpu.vector_load %arg13[%swap3A_152] {strides = array<i32>} : memref<10240xf32, #tpu.memory_space<vmem>>, vector<16xf32>,
      tpu.vector_store %arg13[%swap3A_152], %broadcast_in_dim3A_34 {strides = array<i32>} : memref<10240xf32, #tpu.memory_space<vmem>>, vector<16xf32>,
      %scan3A_154 = arith.constant 5 : i32
      %scan3A_155 = arith.addi %scan3A_106, %scan3A_154 : i32
      %mul3A_156 = arith.constant 1 : i32
      %mul3A_157 = arith.muli %scan3A_155, %mul3A_156 : i32
      %add3A_158 = arith.constant 0 : i32
      %add3A_159 = arith.addi %add3A_158, %mul3A_157 : i32
      %mul3A_160 = arith.constant 16 : i32
      %mul3A_161 = arith.muli %add3A_159, %mul3A_160 : i32
      %swap3A_162 = arith.index_cast %mul3A_161 : i32 to index
      %swap3A_163 = tpu.vector_load %arg13[%swap3A_162] {strides = array<i32>} : memref<10240xf32, #tpu.memory_space<vmem>>, vector<16xf32>,
      tpu.vector_store %arg13[%swap3A_162], %broadcast_in_dim3A_34 {strides = array<i32>} : memref<10240xf32, #tpu.memory_space<vmem>>, vector<16xf32>,
      %scan3A_164 = arith.constant 6 : i32
      %scan3A_165 = arith.addi %scan3A_106, %scan3A_164 : i32
      %mul3A_166 = arith.constant 1 : i32
      %mul3A_167 = arith.muli %scan3A_165, %mul3A_166 : i32
      %add3A_168 = arith.constant 0 : i32
      %add3A_169 = arith.addi %add3A_168, %mul3A_167 : i32
      %mul3A_170 = arith.constant 16 : i32
      %mul3A_171 = arith.muli %add3A_169, %mul3A_170 : i32
      %swap3A_172 = arith.index_cast %mul3A_171 : i32 to index
      %swap3A_173 = tpu.vector_load %arg13[%swap3A_172] {strides = array<i32>} : memref<10240xf32, #tpu.memory_space<vmem>>, vector<16xf32>,
      tpu.vector_store %arg13[%swap3A_172], %broadcast_in_dim3A_34 {strides = array<i32>} : memref<10240xf32, #tpu.memory_space<vmem>>, vector<16xf32>,
      %scan3A_174 = arith.constant 7 : i32
      %scan3A_175 = arith.addi %scan3A_106, %scan3A_174 : i32
      %mul3A_176 = arith.constant 1 : i32
      %mul3A_177 = arith.muli %scan3A_175, %mul3A_176 : i32
      %add3A_178 = arith.constant 0 : i32
      %add3A_179 = arith.addi %add3A_178, %mul3A_177 : i32
      %mul3A_180 = arith.constant 16 : i32
      %mul3A_181 = arith.muli %add3A_179, %mul3A_180 : i32
      %swap3A_182 = arith.index_cast %mul3A_181 : i32 to index
      %swap3A_183 = tpu.vector_load %arg13[%swap3A_182] {strides = array<i32>} : memref<10240xf32, #tpu.memory_space<vmem>>, vector<16xf32>,
      tpu.vector_store %arg13[%swap3A_182], %broadcast_in_dim3A_34 {strides = array<i32>} : memref<10240xf32, #tpu.memory_space<vmem>>, vector<16xf32>,
    }
    %scan3A_53 = arith.constant 640 : i32
    %add3A_54 = arith.constant 0 : i32
    %add3A_55 = arith.addi %mul3A_2, %add3A_54 : i32
    %dma_wait3A = arith.constant 0 : i32
    %dma_wait3A_56 = tpu.memref_slice %arg2[%add3A_55, %dma_wait3A] : memref<128x10240xf32, #tpu.memory_space<hbm>> -> memref<1x10240xf32, #tpu.memory_space<hbm>>
    %dma_wait3A_57 = tpu.memref_squeeze %dma_wait3A_56 : memref<1x10240xf32, #tpu.memory_space<hbm>> -> memref<10240xf32, #tpu.memory_space<hbm>>
    %dma_wait3A_58 = arith.constant 0 : i32
    %dma_wait3A_59 = tpu.memref_slice %arg2[%add3A_55, %dma_wait3A_58] : memref<128x10240xf32, #tpu.memory_space<hbm>> -> memref<1x10240xf32, #tpu.memory_space<hbm>>
    %dma_wait3A_60 = tpu.memref_squeeze %dma_wait3A_59 : memref<1x10240xf32, #tpu.memory_space<hbm>> -> memref<10240xf32, #tpu.memory_space<hbm>>
    tpu.wait_dma2 semaphore(%arg20 : memref<!tpu.dma_semaphore, #tpu.memory_space<semaphore_mem>>) src(%dma_wait3A_60 : memref<10240xf32, #tpu.memory_space<hbm>>) dst(%arg6 : memref<10240xf32, #tpu.memory_space<vmem>>)
    %add3A_61 = arith.constant 1 : i32
    %add3A_62 = arith.addi %mul3A_2, %add3A_61 : i32
    %dma_wait3A_63 = arith.constant 0 : i32
    %dma_wait3A_64 = tpu.memref_slice %arg2[%add3A_62, %dma_wait3A_63] : memref<128x10240xf32, #tpu.memory_space<hbm>> -> memref<1x10240xf32, #tpu.memory_space<hbm>>
    %dma_wait3A_65 = tpu.memref_squeeze %dma_wait3A_64 : memref<1x10240xf32, #tpu.memory_space<hbm>> -> memref<10240xf32, #tpu.memory_space<hbm>>
    %dma_wait3A_66 = arith.constant 0 : i32
    %dma_wait3A_67 = tpu.memref_slice %arg2[%add3A_62, %dma_wait3A_66] : memref<128x10240xf32, #tpu.memory_space<hbm>> -> memref<1x10240xf32, #tpu.memory_space<hbm>>
    %dma_wait3A_68 = tpu.memref_squeeze %dma_wait3A_67 : memref<1x10240xf32, #tpu.memory_space<hbm>> -> memref<10240xf32, #tpu.memory_space<hbm>>
    tpu.wait_dma2 semaphore(%arg20 : memref<!tpu.dma_semaphore, #tpu.memory_space<semaphore_mem>>) src(%dma_wait3A_68 : memref<10240xf32, #tpu.memory_space<hbm>>) dst(%arg7 : memref<10240xf32, #tpu.memory_space<vmem>>)
    %add3A_69 = arith.constant 2 : i32
    %add3A_70 = arith.addi %mul3A_2, %add3A_69 : i32
    %dma_wait3A_71 = arith.constant 0 : i32
    %dma_wait3A_72 = tpu.memref_slice %arg2[%add3A_70, %dma_wait3A_71] : memref<128x10240xf32, #tpu.memory_space<hbm>> -> memref<1x10240xf32, #tpu.memory_space<hbm>>
    %dma_wait3A_73 = tpu.memref_squeeze %dma_wait3A_72 : memref<1x10240xf32, #tpu.memory_space<hbm>> -> memref<10240xf32, #tpu.memory_space<hbm>>
    %dma_wait3A_74 = arith.constant 0 : i32
    %dma_wait3A_75 = tpu.memref_slice %arg2[%add3A_70, %dma_wait3A_74] : memref<128x10240xf32, #tpu.memory_space<hbm>> -> memref<1x10240xf32, #tpu.memory_space<hbm>>
    %dma_wait3A_76 = tpu.memref_squeeze %dma_wait3A_75 : memref<1x10240xf32, #tpu.memory_space<hbm>> -> memref<10240xf32, #tpu.memory_space<hbm>>
    tpu.wait_dma2 semaphore(%arg20 : memref<!tpu.dma_semaphore, #tpu.memory_space<semaphore_mem>>) src(%dma_wait3A_76 : memref<10240xf32, #tpu.memory_space<hbm>>) dst(%arg8 : memref<10240xf32, #tpu.memory_space<vmem>>)
    %add3A_77 = arith.constant 3 : i32
    %add3A_78 = arith.addi %mul3A_2, %add3A_77 : i32
    %dma_wait3A_79 = arith.constant 0 : i32
    %dma_wait3A_80 = tpu.memref_slice %arg2[%add3A_78, %dma_wait3A_79] : memref<128x10240xf32, #tpu.memory_space<hbm>> -> memref<1x10240xf32, #tpu.memory_space<hbm>>
    %dma_wait3A_81 = tpu.memref_squeeze %dma_wait3A_80 : memref<1x10240xf32, #tpu.memory_space<hbm>> -> memref<10240xf32, #tpu.memory_space<hbm>>
    %dma_wait3A_82 = arith.constant 0 : i32
    %dma_wait3A_83 = tpu.memref_slice %arg2[%add3A_78, %dma_wait3A_82] : memref<128x10240xf32, #tpu.memory_space<hbm>> -> memref<1x10240xf32, #tpu.memory_space<hbm>>
    %dma_wait3A_84 = tpu.memref_squeeze %dma_wait3A_83 : memref<1x10240xf32, #tpu.memory_space<hbm>> -> memref<10240xf32, #tpu.memory_space<hbm>>
    tpu.wait_dma2 semaphore(%arg20 : memref<!tpu.dma_semaphore, #tpu.memory_space<semaphore_mem>>) src(%dma_wait3A_84 : memref<10240xf32, #tpu.memory_space<hbm>>) dst(%arg9 : memref<10240xf32, #tpu.memory_space<vmem>>)
    %dma_start3A_85 = arith.constant 0 : i32
    %dma_start3A_86 = tpu.memref_slice %arg3[%dma_start3A_85] : memref<323584xi32, #tpu.memory_space<hbm>> -> memref<2048xi32, #tpu.memory_space<hbm>>
    %dma_start3A_87 = arith.constant 0 : i32
    %dma_start3A_88 = tpu.memref_slice %arg3[%dma_start3A_87] : memref<323584xi32, #tpu.memory_space<hbm>> -> memref<2048xi32, #tpu.memory_space<hbm>>
    tpu.enqueue_dma source(%dma_start3A_88 : memref<2048xi32, #tpu.memory_space<hbm>>) target(%arg14 : memref<2048xi32, #tpu.memory_space<vmem>>) target_semaphore(%arg18 : memref<!tpu.dma_semaphore, #tpu.memory_space<semaphore_mem>>)
    %dma_start3A_89 = arith.constant 0 : i32
    %dma_start3A_90 = tpu.memref_slice %arg4[%dma_start3A_89] : memref<323584xf32, #tpu.memory_space<hbm>> -> memref<2048xf32, #tpu.memory_space<hbm>>
    %dma_start3A_91 = arith.constant 0 : i32
    %dma_start3A_92 = tpu.memref_slice %arg4[%dma_start3A_91] : memref<323584xf32, #tpu.memory_space<hbm>> -> memref<2048xf32, #tpu.memory_space<hbm>>
    tpu.enqueue_dma source(%dma_start3A_92 : memref<2048xf32, #tpu.memory_space<hbm>>) target(%arg16 : memref<2048xf32, #tpu.memory_space<vmem>>) target_semaphore(%arg18 : memref<!tpu.dma_semaphore, #tpu.memory_space<semaphore_mem>>)
    %scan3A_93 = arith.constant 0 : i32
    %scan3A_94 = arith.constant 79 : i32
    %scan3A_95 = arith.addi %scan3A_93, %scan3A_94 : i32
    %scan3A_96 = arith.constant 1 : i32
    scf.for %scan3A_106 = %scan3A_93 to %scan3A_95 step %scan3A_96  : i32 {
      %mul3A_107 = arith.constant 2 : i32
      %mul3A_108 = arith.muli %scan3A_106, %mul3A_107 : i32
      %add3A_109 = arith.constant 0 : i32
      %add3A_110 = arith.addi %add3A_109, %mul3A_108 : i32
      %add3A_111 = arith.constant 0 : i32
      %add3A_112 = arith.addi %add3A_110, %add3A_111 : i32
      %mul3A_113 = arith.constant 2048 : i32
      %mul3A_114 = arith.muli %add3A_112, %mul3A_113 : i32
      %dma_wait3A_115 = tpu.memref_slice %arg3[%mul3A_114] : memref<323584xi32, #tpu.memory_space<hbm>> -> memref<2048xi32, #tpu.memory_space<hbm>>
      %dma_wait3A_116 = tpu.memref_slice %arg3[%mul3A_114] : memref<323584xi32, #tpu.memory_space<hbm>> -> memref<2048xi32, #tpu.memory_space<hbm>>
      tpu.wait_dma2 semaphore(%arg18 : memref<!tpu.dma_semaphore, #tpu.memory_space<semaphore_mem>>) src(%dma_wait3A_116 : memref<2048xi32, #tpu.memory_space<hbm>>) dst(%arg14 : memref<2048xi32, #tpu.memory_space<vmem>>)
      %dma_wait3A_117 = tpu.memref_slice %arg4[%mul3A_114] : memref<323584xf32, #tpu.memory_space<hbm>> -> memref<2048xf32, #tpu.memory_space<hbm>>
      %dma_wait3A_118 = tpu.memref_slice %arg4[%mul3A_114] : memref<323584xf32, #tpu.memory_space<hbm>> -> memref<2048xf32, #tpu.memory_space<hbm>>
      tpu.wait_dma2 semaphore(%arg18 : memref<!tpu.dma_semaphore, #tpu.memory_space<semaphore_mem>>) src(%dma_wait3A_118 : memref<2048xf32, #tpu.memory_space<hbm>>) dst(%arg16 : memref<2048xf32, #tpu.memory_space<vmem>>)
      %add3A_119 = arith.constant 1 : i32
      %add3A_120 = arith.addi %add3A_112, %add3A_119 : i32
      %lt3A = arith.constant 158 : i32
      %lt3A_121 = arith.cmpi slt, %add3A_120, %lt3A : i32
      %convert_element_type3A = arith.extui %lt3A_121 : i1 to i32
      %cond3A = arith.constant 0 : i32
      %cond3A_122 = arith.cmpi ne, %convert_element_type3A, %cond3A : i32
      scf.if %cond3A_122 {
        %add3A_143 = arith.constant 1 : i32
        %add3A_144 = arith.addi %add3A_112, %add3A_143 : i32
        %mul3A_145 = arith.constant 2048 : i32
        %mul3A_146 = arith.muli %add3A_144, %mul3A_145 : i32
        %dma_start3A_147 = tpu.memref_slice %arg3[%mul3A_146] : memref<323584xi32, #tpu.memory_space<hbm>> -> memref<2048xi32, #tpu.memory_space<hbm>>
        %dma_start3A_148 = tpu.memref_slice %arg3[%mul3A_146] : memref<323584xi32, #tpu.memory_space<hbm>> -> memref<2048xi32, #tpu.memory_space<hbm>>
        tpu.enqueue_dma source(%dma_start3A_148 : memref<2048xi32, #tpu.memory_space<hbm>>) target(%arg15 : memref<2048xi32, #tpu.memory_space<vmem>>) target_semaphore(%arg19 : memref<!tpu.dma_semaphore, #tpu.memory_space<semaphore_mem>>)
        %dma_start3A_149 = tpu.memref_slice %arg4[%mul3A_146] : memref<323584xf32, #tpu.memory_space<hbm>> -> memref<2048xf32, #tpu.memory_space<hbm>>
        %dma_start3A_150 = tpu.memref_slice %arg4[%mul3A_146] : memref<323584xf32, #tpu.memory_space<hbm>> -> memref<2048xf32, #tpu.memory_space<hbm>>
        tpu.enqueue_dma source(%dma_start3A_150 : memref<2048xf32, #tpu.memory_space<hbm>>) target(%arg17 : memref<2048xf32, #tpu.memory_space<vmem>>) target_semaphore(%arg19 : memref<!tpu.dma_semaphore, #tpu.memory_space<semaphore_mem>>)
      } else {
      }
      %parallel_loop3A = arith.constant 0 : i32
      %parallel_loop3A_123 = arith.constant 128 : i32
      %parallel_loop3A_124 = arith.constant 1 : i32
      scf.for %parallel_loop3A_143 = %parallel_loop3A to %parallel_loop3A_123 step %parallel_loop3A_124  : i32 {
        %parallel_loop3A_144 = arith.constant 16 : i32
        %parallel_loop3A_145 = arith.muli %parallel_loop3A_143, %parallel_loop3A_144 : i32
        %parallel_loop3A_146 = arith.index_cast %parallel_loop3A_145 : i32 to index
        %parallel_loop3A_147 = tpu.vector_load %arg14[%parallel_loop3A_146] {strides = array<i32>} : memref<2048xi32, #tpu.memory_space<vmem>>, vector<16xi32>,
        %parallel_loop3A_148 = arith.constant 16383 : i32
        %parallel_loop3A_149 = vector.broadcast %parallel_loop3A_148 : i32 to vector<16xi32>
        %parallel_loop3A_150 = arith.andi %parallel_loop3A_147, %parallel_loop3A_149 : vector<16xi32>
        %parallel_loop3A_151 = arith.constant 14 : i32
        %parallel_loop3A_152 = vector.broadcast %parallel_loop3A_151 : i32 to vector<16xi32>
        %parallel_loop3A_153 = arith.shrui %parallel_loop3A_147, %parallel_loop3A_152 : vector<16xi32>
        %parallel_loop3A_154 = arith.index_cast %parallel_loop3A_145 : i32 to index
        %parallel_loop3A_155 = tpu.vector_load %arg16[%parallel_loop3A_154] {strides = array<i32>} : memref<2048xf32, #tpu.memory_space<vmem>>, vector<16xf32>,
        %parallel_loop3A_156 = tpu.vector_load_idx %arg6[%parallel_loop3A_150] : memref<10240xf32, #tpu.memory_space<vmem>>[vector<16xi32>], vector<16xf32>,
        %parallel_loop3A_157 = arith.mulf %parallel_loop3A_156, %parallel_loop3A_155 : vector<16xf32>
        tpu.vector_store_idx %arg10[%parallel_loop3A_153], %parallel_loop3A_157 {add = true} : memref<10240xf32, #tpu.memory_space<vmem>>[vector<16xi32>], vector<16xf32>,
        %parallel_loop3A_158 = tpu.vector_load_idx %arg7[%parallel_loop3A_150] : memref<10240xf32, #tpu.memory_space<vmem>>[vector<16xi32>], vector<16xf32>,
        %parallel_loop3A_159 = arith.mulf %parallel_loop3A_158, %parallel_loop3A_155 : vector<16xf32>
        tpu.vector_store_idx %arg11[%parallel_loop3A_153], %parallel_loop3A_159 {add = true} : memref<10240xf32, #tpu.memory_space<vmem>>[vector<16xi32>], vector<16xf32>,
        %parallel_loop3A_160 = tpu.vector_load_idx %arg8[%parallel_loop3A_150] : memref<10240xf32, #tpu.memory_space<vmem>>[vector<16xi32>], vector<16xf32>,
        %parallel_loop3A_161 = arith.mulf %parallel_loop3A_160, %parallel_loop3A_155 : vector<16xf32>
        tpu.vector_store_idx %arg12[%parallel_loop3A_153], %parallel_loop3A_161 {add = true} : memref<10240xf32, #tpu.memory_space<vmem>>[vector<16xi32>], vector<16xf32>,
        %parallel_loop3A_162 = tpu.vector_load_idx %arg9[%parallel_loop3A_150] : memref<10240xf32, #tpu.memory_space<vmem>>[vector<16xi32>], vector<16xf32>,
        %parallel_loop3A_163 = arith.mulf %parallel_loop3A_162, %parallel_loop3A_155 : vector<16xf32>
        tpu.vector_store_idx %arg13[%parallel_loop3A_153], %parallel_loop3A_163 {add = true} : memref<10240xf32, #tpu.memory_space<vmem>>[vector<16xi32>], vector<16xf32>,
      } {sc.loop_unroll_factor = 4 : i64, sc.parallel_access}
      %add3A_125 = arith.constant 1 : i32
      %add3A_126 = arith.addi %add3A_110, %add3A_125 : i32
      %mul3A_127 = arith.constant 2048 : i32
      %mul3A_128 = arith.muli %add3A_126, %mul3A_127 : i32
      %dma_wait3A_129 = tpu.memref_slice %arg3[%mul3A_128] : memref<323584xi32, #tpu.memory_space<hbm>> -> memref<2048xi32, #tpu.memory_space<hbm>>
      %dma_wait3A_130 = tpu.memref_slice %arg3[%mul3A_128] : memref<323584xi32, #tpu.memory_space<hbm>> -> memref<2048xi32, #tpu.memory_space<hbm>>
      tpu.wait_dma2 semaphore(%arg19 : memref<!tpu.dma_semaphore, #tpu.memory_space<semaphore_mem>>) src(%dma_wait3A_130 : memref<2048xi32, #tpu.memory_space<hbm>>) dst(%arg15 : memref<2048xi32, #tpu.memory_space<vmem>>)
      %dma_wait3A_131 = tpu.memref_slice %arg4[%mul3A_128] : memref<323584xf32, #tpu.memory_space<hbm>> -> memref<2048xf32, #tpu.memory_space<hbm>>
      %dma_wait3A_132 = tpu.memref_slice %arg4[%mul3A_128] : memref<323584xf32, #tpu.memory_space<hbm>> -> memref<2048xf32, #tpu.memory_space<hbm>>
      tpu.wait_dma2 semaphore(%arg19 : memref<!tpu.dma_semaphore, #tpu.memory_space<semaphore_mem>>) src(%dma_wait3A_132 : memref<2048xf32, #tpu.memory_space<hbm>>) dst(%arg17 : memref<2048xf32, #tpu.memory_space<vmem>>)
      %add3A_133 = arith.constant 1 : i32
      %add3A_134 = arith.addi %add3A_126, %add3A_133 : i32
      %lt3A_135 = arith.constant 158 : i32
      %lt3A_136 = arith.cmpi slt, %add3A_134, %lt3A_135 : i32
      %convert_element_type3A_137 = arith.extui %lt3A_136 : i1 to i32
      %cond3A_138 = arith.constant 0 : i32
      %cond3A_139 = arith.cmpi ne, %convert_element_type3A_137, %cond3A_138 : i32
      scf.if %cond3A_139 {
        %add3A_143 = arith.constant 1 : i32
        %add3A_144 = arith.addi %add3A_126, %add3A_143 : i32
        %mul3A_145 = arith.constant 2048 : i32
        %mul3A_146 = arith.muli %add3A_144, %mul3A_145 : i32
        %dma_start3A_147 = tpu.memref_slice %arg3[%mul3A_146] : memref<323584xi32, #tpu.memory_space<hbm>> -> memref<2048xi32, #tpu.memory_space<hbm>>
        %dma_start3A_148 = tpu.memref_slice %arg3[%mul3A_146] : memref<323584xi32, #tpu.memory_space<hbm>> -> memref<2048xi32, #tpu.memory_space<hbm>>
        tpu.enqueue_dma source(%dma_start3A_148 : memref<2048xi32, #tpu.memory_space<hbm>>) target(%arg14 : memref<2048xi32, #tpu.memory_space<vmem>>) target_semaphore(%arg18 : memref<!tpu.dma_semaphore, #tpu.memory_space<semaphore_mem>>)
        %dma_start3A_149 = tpu.memref_slice %arg4[%mul3A_146] : memref<323584xf32, #tpu.memory_space<hbm>> -> memref<2048xf32, #tpu.memory_space<hbm>>
        %dma_start3A_150 = tpu.memref_slice %arg4[%mul3A_146] : memref<323584xf32, #tpu.memory_space<hbm>> -> memref<2048xf32, #tpu.memory_space<hbm>>
        tpu.enqueue_dma source(%dma_start3A_150 : memref<2048xf32, #tpu.memory_space<hbm>>) target(%arg16 : memref<2048xf32, #tpu.memory_space<vmem>>) target_semaphore(%arg18 : memref<!tpu.dma_semaphore, #tpu.memory_space<semaphore_mem>>)
      } else {
      }
      %parallel_loop3A_140 = arith.constant 0 : i32
      %parallel_loop3A_141 = arith.constant 128 : i32
      %parallel_loop3A_142 = arith.constant 1 : i32
      scf.for %parallel_loop3A_143 = %parallel_loop3A_140 to %parallel_loop3A_141 step %parallel_loop3A_142  : i32 {
        %parallel_loop3A_144 = arith.constant 16 : i32
        %parallel_loop3A_145 = arith.muli %parallel_loop3A_143, %parallel_loop3A_144 : i32
        %parallel_loop3A_146 = arith.index_cast %parallel_loop3A_145 : i32 to index
        %parallel_loop3A_147 = tpu.vector_load %arg15[%parallel_loop3A_146] {strides = array<i32>} : memref<2048xi32, #tpu.memory_space<vmem>>, vector<16xi32>,
        %parallel_loop3A_148 = arith.constant 16383 : i32
        %parallel_loop3A_149 = vector.broadcast %parallel_loop3A_148 : i32 to vector<16xi32>
        %parallel_loop3A_150 = arith.andi %parallel_loop3A_147, %parallel_loop3A_149 : vector<16xi32>
        %parallel_loop3A_151 = arith.constant 14 : i32
        %parallel_loop3A_152 = vector.broadcast %parallel_loop3A_151 : i32 to vector<16xi32>
        %parallel_loop3A_153 = arith.shrui %parallel_loop3A_147, %parallel_loop3A_152 : vector<16xi32>
        %parallel_loop3A_154 = arith.index_cast %parallel_loop3A_145 : i32 to index
        %parallel_loop3A_155 = tpu.vector_load %arg17[%parallel_loop3A_154] {strides = array<i32>} : memref<2048xf32, #tpu.memory_space<vmem>>, vector<16xf32>,
        %parallel_loop3A_156 = tpu.vector_load_idx %arg6[%parallel_loop3A_150] : memref<10240xf32, #tpu.memory_space<vmem>>[vector<16xi32>], vector<16xf32>,
        %parallel_loop3A_157 = arith.mulf %parallel_loop3A_156, %parallel_loop3A_155 : vector<16xf32>
        tpu.vector_store_idx %arg10[%parallel_loop3A_153], %parallel_loop3A_157 {add = true} : memref<10240xf32, #tpu.memory_space<vmem>>[vector<16xi32>], vector<16xf32>,
        %parallel_loop3A_158 = tpu.vector_load_idx %arg7[%parallel_loop3A_150] : memref<10240xf32, #tpu.memory_space<vmem>>[vector<16xi32>], vector<16xf32>,
        %parallel_loop3A_159 = arith.mulf %parallel_loop3A_158, %parallel_loop3A_155 : vector<16xf32>
        tpu.vector_store_idx %arg11[%parallel_loop3A_153], %parallel_loop3A_159 {add = true} : memref<10240xf32, #tpu.memory_space<vmem>>[vector<16xi32>], vector<16xf32>,
        %parallel_loop3A_160 = tpu.vector_load_idx %arg8[%parallel_loop3A_150] : memref<10240xf32, #tpu.memory_space<vmem>>[vector<16xi32>], vector<16xf32>,
        %parallel_loop3A_161 = arith.mulf %parallel_loop3A_160, %parallel_loop3A_155 : vector<16xf32>
        tpu.vector_store_idx %arg12[%parallel_loop3A_153], %parallel_loop3A_161 {add = true} : memref<10240xf32, #tpu.memory_space<vmem>>[vector<16xi32>], vector<16xf32>,
        %parallel_loop3A_162 = tpu.vector_load_idx %arg9[%parallel_loop3A_150] : memref<10240xf32, #tpu.memory_space<vmem>>[vector<16xi32>], vector<16xf32>,
        %parallel_loop3A_163 = arith.mulf %parallel_loop3A_162, %parallel_loop3A_155 : vector<16xf32>
        tpu.vector_store_idx %arg13[%parallel_loop3A_153], %parallel_loop3A_163 {add = true} : memref<10240xf32, #tpu.memory_space<vmem>>[vector<16xi32>], vector<16xf32>,
      } {sc.loop_unroll_factor = 4 : i64, sc.parallel_access}
    }
    %scan3A_97 = arith.constant 79 : i32
    %add3A_98 = arith.constant 0 : i32
    %add3A_99 = arith.addi %mul3A_2, %add3A_98 : i32
    "tpu.region"() ({
      %run_scoped3A = tpu.sem_alloc : memref<!tpu.dma_semaphore, #tpu.memory_space<semaphore_mem>>
      %dma_start3A_106 = arith.constant 0 : i32
      %dma_start3A_107 = tpu.memref_slice %arg5[%add3A_99, %dma_start3A_106] : memref<128x10240xf32, #tpu.memory_space<hbm>> -> memref<1x10240xf32, #tpu.memory_space<hbm>>
      %dma_start3A_108 = tpu.memref_squeeze %dma_start3A_107 : memref<1x10240xf32, #tpu.memory_space<hbm>> -> memref<10240xf32, #tpu.memory_space<hbm>>
      %dma_start3A_109 = arith.constant 0 : i32
      %dma_start3A_110 = tpu.memref_slice %arg5[%add3A_99, %dma_start3A_109] : memref<128x10240xf32, #tpu.memory_space<hbm>> -> memref<1x10240xf32, #tpu.memory_space<hbm>>
      %dma_start3A_111 = tpu.memref_squeeze %dma_start3A_110 : memref<1x10240xf32, #tpu.memory_space<hbm>> -> memref<10240xf32, #tpu.memory_space<hbm>>
      tpu.enqueue_dma source(%arg10 : memref<10240xf32, #tpu.memory_space<vmem>>) target(%dma_start3A_111 : memref<10240xf32, #tpu.memory_space<hbm>>) target_semaphore(%run_scoped3A : memref<!tpu.dma_semaphore, #tpu.memory_space<semaphore_mem>>)
      %dma_wait3A_112 = arith.constant 0 : i32
      %dma_wait3A_113 = tpu.memref_slice %arg5[%add3A_99, %dma_wait3A_112] : memref<128x10240xf32, #tpu.memory_space<hbm>> -> memref<1x10240xf32, #tpu.memory_space<hbm>>
      %dma_wait3A_114 = tpu.memref_squeeze %dma_wait3A_113 : memref<1x10240xf32, #tpu.memory_space<hbm>> -> memref<10240xf32, #tpu.memory_space<hbm>>
      %dma_wait3A_115 = arith.constant 0 : i32
      %dma_wait3A_116 = tpu.memref_slice %arg5[%add3A_99, %dma_wait3A_115] : memref<128x10240xf32, #tpu.memory_space<hbm>> -> memref<1x10240xf32, #tpu.memory_space<hbm>>
      %dma_wait3A_117 = tpu.memref_squeeze %dma_wait3A_116 : memref<1x10240xf32, #tpu.memory_space<hbm>> -> memref<10240xf32, #tpu.memory_space<hbm>>
      tpu.wait_dma2 semaphore(%run_scoped3A : memref<!tpu.dma_semaphore, #tpu.memory_space<semaphore_mem>>) src(%arg10 : memref<10240xf32, #tpu.memory_space<vmem>>) dst(%dma_wait3A_117 : memref<10240xf32, #tpu.memory_space<hbm>>)
      tpu.yield
    }) : () -> ()
    %add3A_100 = arith.constant 1 : i32
    %add3A_101 = arith.addi %mul3A_2, %add3A_100 : i32
    "tpu.region"() ({
      %run_scoped3A = tpu.sem_alloc : memref<!tpu.dma_semaphore, #tpu.memory_space<semaphore_mem>>
      %dma_start3A_106 = arith.constant 0 : i32
      %dma_start3A_107 = tpu.memref_slice %arg5[%add3A_101, %dma_start3A_106] : memref<128x10240xf32, #tpu.memory_space<hbm>> -> memref<1x10240xf32, #tpu.memory_space<hbm>>
      %dma_start3A_108 = tpu.memref_squeeze %dma_start3A_107 : memref<1x10240xf32, #tpu.memory_space<hbm>> -> memref<10240xf32, #tpu.memory_space<hbm>>
      %dma_start3A_109 = arith.constant 0 : i32
      %dma_start3A_110 = tpu.memref_slice %arg5[%add3A_101, %dma_start3A_109] : memref<128x10240xf32, #tpu.memory_space<hbm>> -> memref<1x10240xf32, #tpu.memory_space<hbm>>
      %dma_start3A_111 = tpu.memref_squeeze %dma_start3A_110 : memref<1x10240xf32, #tpu.memory_space<hbm>> -> memref<10240xf32, #tpu.memory_space<hbm>>
      tpu.enqueue_dma source(%arg11 : memref<10240xf32, #tpu.memory_space<vmem>>) target(%dma_start3A_111 : memref<10240xf32, #tpu.memory_space<hbm>>) target_semaphore(%run_scoped3A : memref<!tpu.dma_semaphore, #tpu.memory_space<semaphore_mem>>)
      %dma_wait3A_112 = arith.constant 0 : i32
      %dma_wait3A_113 = tpu.memref_slice %arg5[%add3A_101, %dma_wait3A_112] : memref<128x10240xf32, #tpu.memory_space<hbm>> -> memref<1x10240xf32, #tpu.memory_space<hbm>>
      %dma_wait3A_114 = tpu.memref_squeeze %dma_wait3A_113 : memref<1x10240xf32, #tpu.memory_space<hbm>> -> memref<10240xf32, #tpu.memory_space<hbm>>
      %dma_wait3A_115 = arith.constant 0 : i32
      %dma_wait3A_116 = tpu.memref_slice %arg5[%add3A_101, %dma_wait3A_115] : memref<128x10240xf32, #tpu.memory_space<hbm>> -> memref<1x10240xf32, #tpu.memory_space<hbm>>
      %dma_wait3A_117 = tpu.memref_squeeze %dma_wait3A_116 : memref<1x10240xf32, #tpu.memory_space<hbm>> -> memref<10240xf32, #tpu.memory_space<hbm>>
      tpu.wait_dma2 semaphore(%run_scoped3A : memref<!tpu.dma_semaphore, #tpu.memory_space<semaphore_mem>>) src(%arg11 : memref<10240xf32, #tpu.memory_space<vmem>>) dst(%dma_wait3A_117 : memref<10240xf32, #tpu.memory_space<hbm>>)
      tpu.yield
    }) : () -> ()
    %add3A_102 = arith.constant 2 : i32
    %add3A_103 = arith.addi %mul3A_2, %add3A_102 : i32
    "tpu.region"() ({
      %run_scoped3A = tpu.sem_alloc : memref<!tpu.dma_semaphore, #tpu.memory_space<semaphore_mem>>
      %dma_start3A_106 = arith.constant 0 : i32
      %dma_start3A_107 = tpu.memref_slice %arg5[%add3A_103, %dma_start3A_106] : memref<128x10240xf32, #tpu.memory_space<hbm>> -> memref<1x10240xf32, #tpu.memory_space<hbm>>
      %dma_start3A_108 = tpu.memref_squeeze %dma_start3A_107 : memref<1x10240xf32, #tpu.memory_space<hbm>> -> memref<10240xf32, #tpu.memory_space<hbm>>
      %dma_start3A_109 = arith.constant 0 : i32
      %dma_start3A_110 = tpu.memref_slice %arg5[%add3A_103, %dma_start3A_109] : memref<128x10240xf32, #tpu.memory_space<hbm>> -> memref<1x10240xf32, #tpu.memory_space<hbm>>
      %dma_start3A_111 = tpu.memref_squeeze %dma_start3A_110 : memref<1x10240xf32, #tpu.memory_space<hbm>> -> memref<10240xf32, #tpu.memory_space<hbm>>
      tpu.enqueue_dma source(%arg12 : memref<10240xf32, #tpu.memory_space<vmem>>) target(%dma_start3A_111 : memref<10240xf32, #tpu.memory_space<hbm>>) target_semaphore(%run_scoped3A : memref<!tpu.dma_semaphore, #tpu.memory_space<semaphore_mem>>)
      %dma_wait3A_112 = arith.constant 0 : i32
      %dma_wait3A_113 = tpu.memref_slice %arg5[%add3A_103, %dma_wait3A_112] : memref<128x10240xf32, #tpu.memory_space<hbm>> -> memref<1x10240xf32, #tpu.memory_space<hbm>>
      %dma_wait3A_114 = tpu.memref_squeeze %dma_wait3A_113 : memref<1x10240xf32, #tpu.memory_space<hbm>> -> memref<10240xf32, #tpu.memory_space<hbm>>
      %dma_wait3A_115 = arith.constant 0 : i32
      %dma_wait3A_116 = tpu.memref_slice %arg5[%add3A_103, %dma_wait3A_115] : memref<128x10240xf32, #tpu.memory_space<hbm>> -> memref<1x10240xf32, #tpu.memory_space<hbm>>
      %dma_wait3A_117 = tpu.memref_squeeze %dma_wait3A_116 : memref<1x10240xf32, #tpu.memory_space<hbm>> -> memref<10240xf32, #tpu.memory_space<hbm>>
      tpu.wait_dma2 semaphore(%run_scoped3A : memref<!tpu.dma_semaphore, #tpu.memory_space<semaphore_mem>>) src(%arg12 : memref<10240xf32, #tpu.memory_space<vmem>>) dst(%dma_wait3A_117 : memref<10240xf32, #tpu.memory_space<hbm>>)
      tpu.yield
    }) : () -> ()
    %add3A_104 = arith.constant 3 : i32
    %add3A_105 = arith.addi %mul3A_2, %add3A_104 : i32
    "tpu.region"() ({
      %run_scoped3A = tpu.sem_alloc : memref<!tpu.dma_semaphore, #tpu.memory_space<semaphore_mem>>
      %dma_start3A_106 = arith.constant 0 : i32
      %dma_start3A_107 = tpu.memref_slice %arg5[%add3A_105, %dma_start3A_106] : memref<128x10240xf32, #tpu.memory_space<hbm>> -> memref<1x10240xf32, #tpu.memory_space<hbm>>
      %dma_start3A_108 = tpu.memref_squeeze %dma_start3A_107 : memref<1x10240xf32, #tpu.memory_space<hbm>> -> memref<10240xf32, #tpu.memory_space<hbm>>
      %dma_start3A_109 = arith.constant 0 : i32
      %dma_start3A_110 = tpu.memref_slice %arg5[%add3A_105, %dma_start3A_109] : memref<128x10240xf32, #tpu.memory_space<hbm>> -> memref<1x10240xf32, #tpu.memory_space<hbm>>
      %dma_start3A_111 = tpu.memref_squeeze %dma_start3A_110 : memref<1x10240xf32, #tpu.memory_space<hbm>> -> memref<10240xf32, #tpu.memory_space<hbm>>
      tpu.enqueue_dma source(%arg13 : memref<10240xf32, #tpu.memory_space<vmem>>) target(%dma_start3A_111 : memref<10240xf32, #tpu.memory_space<hbm>>) target_semaphore(%run_scoped3A : memref<!tpu.dma_semaphore, #tpu.memory_space<semaphore_mem>>)
      %dma_wait3A_112 = arith.constant 0 : i32
      %dma_wait3A_113 = tpu.memref_slice %arg5[%add3A_105, %dma_wait3A_112] : memref<128x10240xf32, #tpu.memory_space<hbm>> -> memref<1x10240xf32, #tpu.memory_space<hbm>>
      %dma_wait3A_114 = tpu.memref_squeeze %dma_wait3A_113 : memref<1x10240xf32, #tpu.memory_space<hbm>> -> memref<10240xf32, #tpu.memory_space<hbm>>
      %dma_wait3A_115 = arith.constant 0 : i32
      %dma_wait3A_116 = tpu.memref_slice %arg5[%add3A_105, %dma_wait3A_115] : memref<128x10240xf32, #tpu.memory_space<hbm>> -> memref<1x10240xf32, #tpu.memory_space<hbm>>
      %dma_wait3A_117 = tpu.memref_squeeze %dma_wait3A_116 : memref<1x10240xf32, #tpu.memory_space<hbm>> -> memref<10240xf32, #tpu.memory_space<hbm>>
      tpu.wait_dma2 semaphore(%run_scoped3A : memref<!tpu.dma_semaphore, #tpu.memory_space<semaphore_mem>>) src(%arg13 : memref<10240xf32, #tpu.memory_space<vmem>>) dst(%dma_wait3A_117 : memref<10240xf32, #tpu.memory_space<hbm>>)
      tpu.yield
    }) : () -> ()
    return
  }
}

#map = affine_map<(d0, d1) -> (0)>
#map1 = affine_map<(d0, d1) -> (0, 0)>
module attributes {stable_mosaic.version = 14 : i64} {
  func.func @_deg_kernel(%arg0: i32, %arg1: i32, %arg2: memref<323584xi32, #tpu.memory_space<hbm>>, %arg3: memref<323584xf32, #tpu.memory_space<hbm>>, %arg4: memref<32x10240xf32, #tpu.memory_space<hbm>>, %arg5: memref<10112xi32, #tpu.memory_space<vmem>>, %arg6: memref<10112xf32, #tpu.memory_space<vmem>>, %arg7: memref<10240xf32, #tpu.memory_space<vmem>>) attributes {dimension_semantics = [#tpu.dimension_semantics<core_parallel>, #tpu.dimension_semantics<subcore_parallel>], iteration_bounds = array<i64: 2, 16>, scalar_prefetch = 0 : i64, scratch_operands = 3 : i64, tpu.core_type = #tpu.core_type<sc_vector_subcore>, window_params = [{transform_indices = #map}, {transform_indices = #map}, {transform_indices = #map1}]} {
    %mul3A = arith.constant 16 : i32
    %mul3A_0 = arith.muli %arg0, %mul3A : i32
    %add3A = arith.addi %mul3A_0, %arg1 : i32
    %broadcast_in_dim3A = arith.constant 0.000000e+00 : f32
    %broadcast_in_dim3A_1 = vector.broadcast %broadcast_in_dim3A : f32 to vector<16xf32>
    %scan3A = arith.constant 0 : i32
    %scan3A_2 = arith.constant 640 : i32
    %scan3A_3 = arith.addi %scan3A, %scan3A_2 : i32
    %scan3A_4 = arith.constant 8 : i32
    scf.for %scan3A_15 = %scan3A to %scan3A_3 step %scan3A_4  : i32 {
      %mul3A_16 = arith.constant 1 : i32
      %mul3A_17 = arith.muli %scan3A_15, %mul3A_16 : i32
      %add3A_18 = arith.constant 0 : i32
      %add3A_19 = arith.addi %add3A_18, %mul3A_17 : i32
      %mul3A_20 = arith.constant 16 : i32
      %mul3A_21 = arith.muli %add3A_19, %mul3A_20 : i32
      %swap3A = arith.index_cast %mul3A_21 : i32 to index
      %swap3A_22 = tpu.vector_load %arg7[%swap3A] {strides = array<i32>} : memref<10240xf32, #tpu.memory_space<vmem>>, vector<16xf32>,
      tpu.vector_store %arg7[%swap3A], %broadcast_in_dim3A_1 {strides = array<i32>} : memref<10240xf32, #tpu.memory_space<vmem>>, vector<16xf32>,
      %scan3A_23 = arith.constant 1 : i32
      %scan3A_24 = arith.addi %scan3A_15, %scan3A_23 : i32
      %mul3A_25 = arith.constant 1 : i32
      %mul3A_26 = arith.muli %scan3A_24, %mul3A_25 : i32
      %add3A_27 = arith.constant 0 : i32
      %add3A_28 = arith.addi %add3A_27, %mul3A_26 : i32
      %mul3A_29 = arith.constant 16 : i32
      %mul3A_30 = arith.muli %add3A_28, %mul3A_29 : i32
      %swap3A_31 = arith.index_cast %mul3A_30 : i32 to index
      %swap3A_32 = tpu.vector_load %arg7[%swap3A_31] {strides = array<i32>} : memref<10240xf32, #tpu.memory_space<vmem>>, vector<16xf32>,
      tpu.vector_store %arg7[%swap3A_31], %broadcast_in_dim3A_1 {strides = array<i32>} : memref<10240xf32, #tpu.memory_space<vmem>>, vector<16xf32>,
      %scan3A_33 = arith.constant 2 : i32
      %scan3A_34 = arith.addi %scan3A_15, %scan3A_33 : i32
      %mul3A_35 = arith.constant 1 : i32
      %mul3A_36 = arith.muli %scan3A_34, %mul3A_35 : i32
      %add3A_37 = arith.constant 0 : i32
      %add3A_38 = arith.addi %add3A_37, %mul3A_36 : i32
      %mul3A_39 = arith.constant 16 : i32
      %mul3A_40 = arith.muli %add3A_38, %mul3A_39 : i32
      %swap3A_41 = arith.index_cast %mul3A_40 : i32 to index
      %swap3A_42 = tpu.vector_load %arg7[%swap3A_41] {strides = array<i32>} : memref<10240xf32, #tpu.memory_space<vmem>>, vector<16xf32>,
      tpu.vector_store %arg7[%swap3A_41], %broadcast_in_dim3A_1 {strides = array<i32>} : memref<10240xf32, #tpu.memory_space<vmem>>, vector<16xf32>,
      %scan3A_43 = arith.constant 3 : i32
      %scan3A_44 = arith.addi %scan3A_15, %scan3A_43 : i32
      %mul3A_45 = arith.constant 1 : i32
      %mul3A_46 = arith.muli %scan3A_44, %mul3A_45 : i32
      %add3A_47 = arith.constant 0 : i32
      %add3A_48 = arith.addi %add3A_47, %mul3A_46 : i32
      %mul3A_49 = arith.constant 16 : i32
      %mul3A_50 = arith.muli %add3A_48, %mul3A_49 : i32
      %swap3A_51 = arith.index_cast %mul3A_50 : i32 to index
      %swap3A_52 = tpu.vector_load %arg7[%swap3A_51] {strides = array<i32>} : memref<10240xf32, #tpu.memory_space<vmem>>, vector<16xf32>,
      tpu.vector_store %arg7[%swap3A_51], %broadcast_in_dim3A_1 {strides = array<i32>} : memref<10240xf32, #tpu.memory_space<vmem>>, vector<16xf32>,
      %scan3A_53 = arith.constant 4 : i32
      %scan3A_54 = arith.addi %scan3A_15, %scan3A_53 : i32
      %mul3A_55 = arith.constant 1 : i32
      %mul3A_56 = arith.muli %scan3A_54, %mul3A_55 : i32
      %add3A_57 = arith.constant 0 : i32
      %add3A_58 = arith.addi %add3A_57, %mul3A_56 : i32
      %mul3A_59 = arith.constant 16 : i32
      %mul3A_60 = arith.muli %add3A_58, %mul3A_59 : i32
      %swap3A_61 = arith.index_cast %mul3A_60 : i32 to index
      %swap3A_62 = tpu.vector_load %arg7[%swap3A_61] {strides = array<i32>} : memref<10240xf32, #tpu.memory_space<vmem>>, vector<16xf32>,
      tpu.vector_store %arg7[%swap3A_61], %broadcast_in_dim3A_1 {strides = array<i32>} : memref<10240xf32, #tpu.memory_space<vmem>>, vector<16xf32>,
      %scan3A_63 = arith.constant 5 : i32
      %scan3A_64 = arith.addi %scan3A_15, %scan3A_63 : i32
      %mul3A_65 = arith.constant 1 : i32
      %mul3A_66 = arith.muli %scan3A_64, %mul3A_65 : i32
      %add3A_67 = arith.constant 0 : i32
      %add3A_68 = arith.addi %add3A_67, %mul3A_66 : i32
      %mul3A_69 = arith.constant 16 : i32
      %mul3A_70 = arith.muli %add3A_68, %mul3A_69 : i32
      %swap3A_71 = arith.index_cast %mul3A_70 : i32 to index
      %swap3A_72 = tpu.vector_load %arg7[%swap3A_71] {strides = array<i32>} : memref<10240xf32, #tpu.memory_space<vmem>>, vector<16xf32>,
      tpu.vector_store %arg7[%swap3A_71], %broadcast_in_dim3A_1 {strides = array<i32>} : memref<10240xf32, #tpu.memory_space<vmem>>, vector<16xf32>,
      %scan3A_73 = arith.constant 6 : i32
      %scan3A_74 = arith.addi %scan3A_15, %scan3A_73 : i32
      %mul3A_75 = arith.constant 1 : i32
      %mul3A_76 = arith.muli %scan3A_74, %mul3A_75 : i32
      %add3A_77 = arith.constant 0 : i32
      %add3A_78 = arith.addi %add3A_77, %mul3A_76 : i32
      %mul3A_79 = arith.constant 16 : i32
      %mul3A_80 = arith.muli %add3A_78, %mul3A_79 : i32
      %swap3A_81 = arith.index_cast %mul3A_80 : i32 to index
      %swap3A_82 = tpu.vector_load %arg7[%swap3A_81] {strides = array<i32>} : memref<10240xf32, #tpu.memory_space<vmem>>, vector<16xf32>,
      tpu.vector_store %arg7[%swap3A_81], %broadcast_in_dim3A_1 {strides = array<i32>} : memref<10240xf32, #tpu.memory_space<vmem>>, vector<16xf32>,
      %scan3A_83 = arith.constant 7 : i32
      %scan3A_84 = arith.addi %scan3A_15, %scan3A_83 : i32
      %mul3A_85 = arith.constant 1 : i32
      %mul3A_86 = arith.muli %scan3A_84, %mul3A_85 : i32
      %add3A_87 = arith.constant 0 : i32
      %add3A_88 = arith.addi %add3A_87, %mul3A_86 : i32
      %mul3A_89 = arith.constant 16 : i32
      %mul3A_90 = arith.muli %add3A_88, %mul3A_89 : i32
      %swap3A_91 = arith.index_cast %mul3A_90 : i32 to index
      %swap3A_92 = tpu.vector_load %arg7[%swap3A_91] {strides = array<i32>} : memref<10240xf32, #tpu.memory_space<vmem>>, vector<16xf32>,
      tpu.vector_store %arg7[%swap3A_91], %broadcast_in_dim3A_1 {strides = array<i32>} : memref<10240xf32, #tpu.memory_space<vmem>>, vector<16xf32>,
    }
    %scan3A_5 = arith.constant 640 : i32
    %mul3A_6 = arith.constant 10112 : i32
    %mul3A_7 = arith.muli %add3A, %mul3A_6 : i32
    "tpu.region"() ({
      %run_scoped3A = tpu.sem_alloc : memref<!tpu.dma_semaphore, #tpu.memory_space<semaphore_mem>>
      %dma_start3A = tpu.memref_slice %arg2[%mul3A_7] : memref<323584xi32, #tpu.memory_space<hbm>> -> memref<10112xi32, #tpu.memory_space<hbm>>
      %dma_start3A_15 = tpu.memref_slice %arg2[%mul3A_7] : memref<323584xi32, #tpu.memory_space<hbm>> -> memref<10112xi32, #tpu.memory_space<hbm>>
      tpu.enqueue_dma source(%dma_start3A_15 : memref<10112xi32, #tpu.memory_space<hbm>>) target(%arg5 : memref<10112xi32, #tpu.memory_space<vmem>>) target_semaphore(%run_scoped3A : memref<!tpu.dma_semaphore, #tpu.memory_space<semaphore_mem>>)
      %dma_wait3A = tpu.memref_slice %arg2[%mul3A_7] : memref<323584xi32, #tpu.memory_space<hbm>> -> memref<10112xi32, #tpu.memory_space<hbm>>
      %dma_wait3A_16 = tpu.memref_slice %arg2[%mul3A_7] : memref<323584xi32, #tpu.memory_space<hbm>> -> memref<10112xi32, #tpu.memory_space<hbm>>
      tpu.wait_dma2 semaphore(%run_scoped3A : memref<!tpu.dma_semaphore, #tpu.memory_space<semaphore_mem>>) src(%dma_wait3A_16 : memref<10112xi32, #tpu.memory_space<hbm>>) dst(%arg5 : memref<10112xi32, #tpu.memory_space<vmem>>)
      tpu.yield
    }) : () -> ()
    %mul3A_8 = arith.constant 10112 : i32
    %mul3A_9 = arith.muli %add3A, %mul3A_8 : i32
    "tpu.region"() ({
      %run_scoped3A = tpu.sem_alloc : memref<!tpu.dma_semaphore, #tpu.memory_space<semaphore_mem>>
      %dma_start3A = tpu.memref_slice %arg3[%mul3A_9] : memref<323584xf32, #tpu.memory_space<hbm>> -> memref<10112xf32, #tpu.memory_space<hbm>>
      %dma_start3A_15 = tpu.memref_slice %arg3[%mul3A_9] : memref<323584xf32, #tpu.memory_space<hbm>> -> memref<10112xf32, #tpu.memory_space<hbm>>
      tpu.enqueue_dma source(%dma_start3A_15 : memref<10112xf32, #tpu.memory_space<hbm>>) target(%arg6 : memref<10112xf32, #tpu.memory_space<vmem>>) target_semaphore(%run_scoped3A : memref<!tpu.dma_semaphore, #tpu.memory_space<semaphore_mem>>)
      %dma_wait3A = tpu.memref_slice %arg3[%mul3A_9] : memref<323584xf32, #tpu.memory_space<hbm>> -> memref<10112xf32, #tpu.memory_space<hbm>>
      %dma_wait3A_16 = tpu.memref_slice %arg3[%mul3A_9] : memref<323584xf32, #tpu.memory_space<hbm>> -> memref<10112xf32, #tpu.memory_space<hbm>>
      tpu.wait_dma2 semaphore(%run_scoped3A : memref<!tpu.dma_semaphore, #tpu.memory_space<semaphore_mem>>) src(%dma_wait3A_16 : memref<10112xf32, #tpu.memory_space<hbm>>) dst(%arg6 : memref<10112xf32, #tpu.memory_space<vmem>>)
      tpu.yield
    }) : () -> ()
    %scan3A_10 = arith.constant 0 : i32
    %scan3A_11 = arith.constant 632 : i32
    %scan3A_12 = arith.addi %scan3A_10, %scan3A_11 : i32
    %scan3A_13 = arith.constant 4 : i32
    scf.for %scan3A_15 = %scan3A_10 to %scan3A_12 step %scan3A_13  : i32 {
      %mul3A_16 = arith.constant 1 : i32
      %mul3A_17 = arith.muli %scan3A_15, %mul3A_16 : i32
      %add3A_18 = arith.constant 0 : i32
      %add3A_19 = arith.addi %add3A_18, %mul3A_17 : i32
      %mul3A_20 = arith.constant 16 : i32
      %mul3A_21 = arith.muli %add3A_19, %mul3A_20 : i32
      %get3A = arith.index_cast %mul3A_21 : i32 to index
      %get3A_22 = tpu.vector_load %arg5[%get3A] {strides = array<i32>} : memref<10112xi32, #tpu.memory_space<vmem>>, vector<16xi32>,
      %get3A_23 = arith.index_cast %mul3A_21 : i32 to index
      %get3A_24 = tpu.vector_load %arg6[%get3A_23] {strides = array<i32>} : memref<10112xf32, #tpu.memory_space<vmem>>, vector<16xf32>,
      tpu.vector_store_idx %arg7[%get3A_22], %get3A_24 {add = true} : memref<10240xf32, #tpu.memory_space<vmem>>[vector<16xi32>], vector<16xf32>,
      %scan3A_25 = arith.constant 1 : i32
      %scan3A_26 = arith.addi %scan3A_15, %scan3A_25 : i32
      %mul3A_27 = arith.constant 1 : i32
      %mul3A_28 = arith.muli %scan3A_26, %mul3A_27 : i32
      %add3A_29 = arith.constant 0 : i32
      %add3A_30 = arith.addi %add3A_29, %mul3A_28 : i32
      %mul3A_31 = arith.constant 16 : i32
      %mul3A_32 = arith.muli %add3A_30, %mul3A_31 : i32
      %get3A_33 = arith.index_cast %mul3A_32 : i32 to index
      %get3A_34 = tpu.vector_load %arg5[%get3A_33] {strides = array<i32>} : memref<10112xi32, #tpu.memory_space<vmem>>, vector<16xi32>,
      %get3A_35 = arith.index_cast %mul3A_32 : i32 to index
      %get3A_36 = tpu.vector_load %arg6[%get3A_35] {strides = array<i32>} : memref<10112xf32, #tpu.memory_space<vmem>>, vector<16xf32>,
      tpu.vector_store_idx %arg7[%get3A_34], %get3A_36 {add = true} : memref<10240xf32, #tpu.memory_space<vmem>>[vector<16xi32>], vector<16xf32>,
      %scan3A_37 = arith.constant 2 : i32
      %scan3A_38 = arith.addi %scan3A_15, %scan3A_37 : i32
      %mul3A_39 = arith.constant 1 : i32
      %mul3A_40 = arith.muli %scan3A_38, %mul3A_39 : i32
      %add3A_41 = arith.constant 0 : i32
      %add3A_42 = arith.addi %add3A_41, %mul3A_40 : i32
      %mul3A_43 = arith.constant 16 : i32
      %mul3A_44 = arith.muli %add3A_42, %mul3A_43 : i32
      %get3A_45 = arith.index_cast %mul3A_44 : i32 to index
      %get3A_46 = tpu.vector_load %arg5[%get3A_45] {strides = array<i32>} : memref<10112xi32, #tpu.memory_space<vmem>>, vector<16xi32>,
      %get3A_47 = arith.index_cast %mul3A_44 : i32 to index
      %get3A_48 = tpu.vector_load %arg6[%get3A_47] {strides = array<i32>} : memref<10112xf32, #tpu.memory_space<vmem>>, vector<16xf32>,
      tpu.vector_store_idx %arg7[%get3A_46], %get3A_48 {add = true} : memref<10240xf32, #tpu.memory_space<vmem>>[vector<16xi32>], vector<16xf32>,
      %scan3A_49 = arith.constant 3 : i32
      %scan3A_50 = arith.addi %scan3A_15, %scan3A_49 : i32
      %mul3A_51 = arith.constant 1 : i32
      %mul3A_52 = arith.muli %scan3A_50, %mul3A_51 : i32
      %add3A_53 = arith.constant 0 : i32
      %add3A_54 = arith.addi %add3A_53, %mul3A_52 : i32
      %mul3A_55 = arith.constant 16 : i32
      %mul3A_56 = arith.muli %add3A_54, %mul3A_55 : i32
      %get3A_57 = arith.index_cast %mul3A_56 : i32 to index
      %get3A_58 = tpu.vector_load %arg5[%get3A_57] {strides = array<i32>} : memref<10112xi32, #tpu.memory_space<vmem>>, vector<16xi32>,
      %get3A_59 = arith.index_cast %mul3A_56 : i32 to index
      %get3A_60 = tpu.vector_load %arg6[%get3A_59] {strides = array<i32>} : memref<10112xf32, #tpu.memory_space<vmem>>, vector<16xf32>,
      tpu.vector_store_idx %arg7[%get3A_58], %get3A_60 {add = true} : memref<10240xf32, #tpu.memory_space<vmem>>[vector<16xi32>], vector<16xf32>,
    }
    %scan3A_14 = arith.constant 632 : i32
    "tpu.region"() ({
      %run_scoped3A = tpu.sem_alloc : memref<!tpu.dma_semaphore, #tpu.memory_space<semaphore_mem>>
      %dma_start3A = arith.constant 0 : i32
      %dma_start3A_15 = tpu.memref_slice %arg4[%add3A, %dma_start3A] : memref<32x10240xf32, #tpu.memory_space<hbm>> -> memref<1x10240xf32, #tpu.memory_space<hbm>>
      %dma_start3A_16 = tpu.memref_squeeze %dma_start3A_15 : memref<1x10240xf32, #tpu.memory_space<hbm>> -> memref<10240xf32, #tpu.memory_space<hbm>>
      %dma_start3A_17 = arith.constant 0 : i32
      %dma_start3A_18 = tpu.memref_slice %arg4[%add3A, %dma_start3A_17] : memref<32x10240xf32, #tpu.memory_space<hbm>> -> memref<1x10240xf32, #tpu.memory_space<hbm>>
      %dma_start3A_19 = tpu.memref_squeeze %dma_start3A_18 : memref<1x10240xf32, #tpu.memory_space<hbm>> -> memref<10240xf32, #tpu.memory_space<hbm>>
      tpu.enqueue_dma source(%arg7 : memref<10240xf32, #tpu.memory_space<vmem>>) target(%dma_start3A_19 : memref<10240xf32, #tpu.memory_space<hbm>>) target_semaphore(%run_scoped3A : memref<!tpu.dma_semaphore, #tpu.memory_space<semaphore_mem>>)
      %dma_wait3A = arith.constant 0 : i32
      %dma_wait3A_20 = tpu.memref_slice %arg4[%add3A, %dma_wait3A] : memref<32x10240xf32, #tpu.memory_space<hbm>> -> memref<1x10240xf32, #tpu.memory_space<hbm>>
      %dma_wait3A_21 = tpu.memref_squeeze %dma_wait3A_20 : memref<1x10240xf32, #tpu.memory_space<hbm>> -> memref<10240xf32, #tpu.memory_space<hbm>>
      %dma_wait3A_22 = arith.constant 0 : i32
      %dma_wait3A_23 = tpu.memref_slice %arg4[%add3A, %dma_wait3A_22] : memref<32x10240xf32, #tpu.memory_space<hbm>> -> memref<1x10240xf32, #tpu.memory_space<hbm>>
      %dma_wait3A_24 = tpu.memref_squeeze %dma_wait3A_23 : memref<1x10240xf32, #tpu.memory_space<hbm>> -> memref<10240xf32, #tpu.memory_space<hbm>>
      tpu.wait_dma2 semaphore(%run_scoped3A : memref<!tpu.dma_semaphore, #tpu.memory_space<semaphore_mem>>) src(%arg7 : memref<10240xf32, #tpu.memory_space<vmem>>) dst(%dma_wait3A_24 : memref<10240xf32, #tpu.memory_space<hbm>>)
      tpu.yield
    }) : () -> ()
    return
  }
}

#map = affine_map<(d0, d1) -> (0, 0)>
#map1 = affine_map<(d0, d1) -> (0)>
module attributes {stable_mosaic.version = 14 : i64} {
  func.func @_prop_kernel(%arg0: i32, %arg1: i32, %arg2: memref<128x10240xf32, #tpu.memory_space<hbm>>, %arg3: memref<323584xi32, #tpu.memory_space<hbm>>, %arg4: memref<323584xf32, #tpu.memory_space<hbm>>, %arg5: memref<128x10240xf32, #tpu.memory_space<hbm>>, %arg6: memref<10240xf32, #tpu.memory_space<vmem>>, %arg7: memref<10240xf32, #tpu.memory_space<vmem>>, %arg8: memref<10240xf32, #tpu.memory_space<vmem>>, %arg9: memref<10240xf32, #tpu.memory_space<vmem>>, %arg10: memref<10240xf32, #tpu.memory_space<vmem>>, %arg11: memref<10240xf32, #tpu.memory_space<vmem>>, %arg12: memref<10240xf32, #tpu.memory_space<vmem>>, %arg13: memref<10240xf32, #tpu.memory_space<vmem>>, %arg14: memref<2048xi32, #tpu.memory_space<vmem>>, %arg15: memref<2048xi32, #tpu.memory_space<vmem>>, %arg16: memref<2048xf32, #tpu.memory_space<vmem>>, %arg17: memref<2048xf32, #tpu.memory_space<vmem>>, %arg18: memref<!tpu.dma_semaphore, #tpu.memory_space<semaphore_mem>>, %arg19: memref<!tpu.dma_semaphore, #tpu.memory_space<semaphore_mem>>, %arg20: memref<!tpu.dma_semaphore, #tpu.memory_space<semaphore_mem>>) attributes {dimension_semantics = [#tpu.dimension_semantics<core_parallel>, #tpu.dimension_semantics<subcore_parallel>], iteration_bounds = array<i64: 2, 16>, scalar_prefetch = 0 : i64, scratch_operands = 15 : i64, tpu.core_type = #tpu.core_type<sc_vector_subcore>, window_params = [{transform_indices = #map}, {transform_indices = #map1}, {transform_indices = #map1}, {transform_indices = #map}]} {
    %mul3A = arith.constant 16 : i32
    %mul3A_0 = arith.muli %arg0, %mul3A : i32
    %add3A = arith.addi %mul3A_0, %arg1 : i32
    %mul3A_1 = arith.constant 4 : i32
    %mul3A_2 = arith.muli %add3A, %mul3A_1 : i32
    %add3A_3 = arith.constant 0 : i32
    %add3A_4 = arith.addi %mul3A_2, %add3A_3 : i32
    %dma_start3A = arith.constant 0 : i32
    %dma_start3A_5 = tpu.memref_slice %arg2[%add3A_4, %dma_start3A] : memref<128x10240xf32, #tpu.memory_space<hbm>> -> memref<1x10240xf32, #tpu.memory_space<hbm>>
    %dma_start3A_6 = tpu.memref_squeeze %dma_start3A_5 : memref<1x10240xf32, #tpu.memory_space<hbm>> -> memref<10240xf32, #tpu.memory_space<hbm>>
    %dma_start3A_7 = arith.constant 0 : i32
    %dma_start3A_8 = tpu.memref_slice %arg2[%add3A_4, %dma_start3A_7] : memref<128x10240xf32, #tpu.memory_space<hbm>> -> memref<1x10240xf32, #tpu.memory_space<hbm>>
    %dma_start3A_9 = tpu.memref_squeeze %dma_start3A_8 : memref<1x10240xf32, #tpu.memory_space<hbm>> -> memref<10240xf32, #tpu.memory_space<hbm>>
    tpu.enqueue_dma source(%dma_start3A_9 : memref<10240xf32, #tpu.memory_space<hbm>>) target(%arg6 : memref<10240xf32, #tpu.memory_space<vmem>>) target_semaphore(%arg20 : memref<!tpu.dma_semaphore, #tpu.memory_space<semaphore_mem>>)
    %add3A_10 = arith.constant 1 : i32
    %add3A_11 = arith.addi %mul3A_2, %add3A_10 : i32
    %dma_start3A_12 = arith.constant 0 : i32
    %dma_start3A_13 = tpu.memref_slice %arg2[%add3A_11, %dma_start3A_12] : memref<128x10240xf32, #tpu.memory_space<hbm>> -> memref<1x10240xf32, #tpu.memory_space<hbm>>
    %dma_start3A_14 = tpu.memref_squeeze %dma_start3A_13 : memref<1x10240xf32, #tpu.memory_space<hbm>> -> memref<10240xf32, #tpu.memory_space<hbm>>
    %dma_start3A_15 = arith.constant 0 : i32
    %dma_start3A_16 = tpu.memref_slice %arg2[%add3A_11, %dma_start3A_15] : memref<128x10240xf32, #tpu.memory_space<hbm>> -> memref<1x10240xf32, #tpu.memory_space<hbm>>
    %dma_start3A_17 = tpu.memref_squeeze %dma_start3A_16 : memref<1x10240xf32, #tpu.memory_space<hbm>> -> memref<10240xf32, #tpu.memory_space<hbm>>
    tpu.enqueue_dma source(%dma_start3A_17 : memref<10240xf32, #tpu.memory_space<hbm>>) target(%arg7 : memref<10240xf32, #tpu.memory_space<vmem>>) target_semaphore(%arg20 : memref<!tpu.dma_semaphore, #tpu.memory_space<semaphore_mem>>)
    %add3A_18 = arith.constant 2 : i32
    %add3A_19 = arith.addi %mul3A_2, %add3A_18 : i32
    %dma_start3A_20 = arith.constant 0 : i32
    %dma_start3A_21 = tpu.memref_slice %arg2[%add3A_19, %dma_start3A_20] : memref<128x10240xf32, #tpu.memory_space<hbm>> -> memref<1x10240xf32, #tpu.memory_space<hbm>>
    %dma_start3A_22 = tpu.memref_squeeze %dma_start3A_21 : memref<1x10240xf32, #tpu.memory_space<hbm>> -> memref<10240xf32, #tpu.memory_space<hbm>>
    %dma_start3A_23 = arith.constant 0 : i32
    %dma_start3A_24 = tpu.memref_slice %arg2[%add3A_19, %dma_start3A_23] : memref<128x10240xf32, #tpu.memory_space<hbm>> -> memref<1x10240xf32, #tpu.memory_space<hbm>>
    %dma_start3A_25 = tpu.memref_squeeze %dma_start3A_24 : memref<1x10240xf32, #tpu.memory_space<hbm>> -> memref<10240xf32, #tpu.memory_space<hbm>>
    tpu.enqueue_dma source(%dma_start3A_25 : memref<10240xf32, #tpu.memory_space<hbm>>) target(%arg8 : memref<10240xf32, #tpu.memory_space<vmem>>) target_semaphore(%arg20 : memref<!tpu.dma_semaphore, #tpu.memory_space<semaphore_mem>>)
    %add3A_26 = arith.constant 3 : i32
    %add3A_27 = arith.addi %mul3A_2, %add3A_26 : i32
    %dma_start3A_28 = arith.constant 0 : i32
    %dma_start3A_29 = tpu.memref_slice %arg2[%add3A_27, %dma_start3A_28] : memref<128x10240xf32, #tpu.memory_space<hbm>> -> memref<1x10240xf32, #tpu.memory_space<hbm>>
    %dma_start3A_30 = tpu.memref_squeeze %dma_start3A_29 : memref<1x10240xf32, #tpu.memory_space<hbm>> -> memref<10240xf32, #tpu.memory_space<hbm>>
    %dma_start3A_31 = arith.constant 0 : i32
    %dma_start3A_32 = tpu.memref_slice %arg2[%add3A_27, %dma_start3A_31] : memref<128x10240xf32, #tpu.memory_space<hbm>> -> memref<1x10240xf32, #tpu.memory_space<hbm>>
    %dma_start3A_33 = tpu.memref_squeeze %dma_start3A_32 : memref<1x10240xf32, #tpu.memory_space<hbm>> -> memref<10240xf32, #tpu.memory_space<hbm>>
    tpu.enqueue_dma source(%dma_start3A_33 : memref<10240xf32, #tpu.memory_space<hbm>>) target(%arg9 : memref<10240xf32, #tpu.memory_space<vmem>>) target_semaphore(%arg20 : memref<!tpu.dma_semaphore, #tpu.memory_space<semaphore_mem>>)
    %broadcast_in_dim3A = arith.constant 0.000000e+00 : f32
    %broadcast_in_dim3A_34 = vector.broadcast %broadcast_in_dim3A : f32 to vector<16xf32>
    %scan3A = arith.constant 0 : i32
    %scan3A_35 = arith.constant 640 : i32
    %scan3A_36 = arith.addi %scan3A, %scan3A_35 : i32
    %scan3A_37 = arith.constant 8 : i32
    scf.for %scan3A_106 = %scan3A to %scan3A_36 step %scan3A_37  : i32 {
      %mul3A_107 = arith.constant 1 : i32
      %mul3A_108 = arith.muli %scan3A_106, %mul3A_107 : i32
      %add3A_109 = arith.constant 0 : i32
      %add3A_110 = arith.addi %add3A_109, %mul3A_108 : i32
      %mul3A_111 = arith.constant 16 : i32
      %mul3A_112 = arith.muli %add3A_110, %mul3A_111 : i32
      %swap3A = arith.index_cast %mul3A_112 : i32 to index
      %swap3A_113 = tpu.vector_load %arg10[%swap3A] {strides = array<i32>} : memref<10240xf32, #tpu.memory_space<vmem>>, vector<16xf32>,
      tpu.vector_store %arg10[%swap3A], %broadcast_in_dim3A_34 {strides = array<i32>} : memref<10240xf32, #tpu.memory_space<vmem>>, vector<16xf32>,
      %scan3A_114 = arith.constant 1 : i32
      %scan3A_115 = arith.addi %scan3A_106, %scan3A_114 : i32
      %mul3A_116 = arith.constant 1 : i32
      %mul3A_117 = arith.muli %scan3A_115, %mul3A_116 : i32
      %add3A_118 = arith.constant 0 : i32
      %add3A_119 = arith.addi %add3A_118, %mul3A_117 : i32
      %mul3A_120 = arith.constant 16 : i32
      %mul3A_121 = arith.muli %add3A_119, %mul3A_120 : i32
      %swap3A_122 = arith.index_cast %mul3A_121 : i32 to index
      %swap3A_123 = tpu.vector_load %arg10[%swap3A_122] {strides = array<i32>} : memref<10240xf32, #tpu.memory_space<vmem>>, vector<16xf32>,
      tpu.vector_store %arg10[%swap3A_122], %broadcast_in_dim3A_34 {strides = array<i32>} : memref<10240xf32, #tpu.memory_space<vmem>>, vector<16xf32>,
      %scan3A_124 = arith.constant 2 : i32
      %scan3A_125 = arith.addi %scan3A_106, %scan3A_124 : i32
      %mul3A_126 = arith.constant 1 : i32
      %mul3A_127 = arith.muli %scan3A_125, %mul3A_126 : i32
      %add3A_128 = arith.constant 0 : i32
      %add3A_129 = arith.addi %add3A_128, %mul3A_127 : i32
      %mul3A_130 = arith.constant 16 : i32
      %mul3A_131 = arith.muli %add3A_129, %mul3A_130 : i32
      %swap3A_132 = arith.index_cast %mul3A_131 : i32 to index
      %swap3A_133 = tpu.vector_load %arg10[%swap3A_132] {strides = array<i32>} : memref<10240xf32, #tpu.memory_space<vmem>>, vector<16xf32>,
      tpu.vector_store %arg10[%swap3A_132], %broadcast_in_dim3A_34 {strides = array<i32>} : memref<10240xf32, #tpu.memory_space<vmem>>, vector<16xf32>,
      %scan3A_134 = arith.constant 3 : i32
      %scan3A_135 = arith.addi %scan3A_106, %scan3A_134 : i32
      %mul3A_136 = arith.constant 1 : i32
      %mul3A_137 = arith.muli %scan3A_135, %mul3A_136 : i32
      %add3A_138 = arith.constant 0 : i32
      %add3A_139 = arith.addi %add3A_138, %mul3A_137 : i32
      %mul3A_140 = arith.constant 16 : i32
      %mul3A_141 = arith.muli %add3A_139, %mul3A_140 : i32
      %swap3A_142 = arith.index_cast %mul3A_141 : i32 to index
      %swap3A_143 = tpu.vector_load %arg10[%swap3A_142] {strides = array<i32>} : memref<10240xf32, #tpu.memory_space<vmem>>, vector<16xf32>,
      tpu.vector_store %arg10[%swap3A_142], %broadcast_in_dim3A_34 {strides = array<i32>} : memref<10240xf32, #tpu.memory_space<vmem>>, vector<16xf32>,
      %scan3A_144 = arith.constant 4 : i32
      %scan3A_145 = arith.addi %scan3A_106, %scan3A_144 : i32
      %mul3A_146 = arith.constant 1 : i32
      %mul3A_147 = arith.muli %scan3A_145, %mul3A_146 : i32
      %add3A_148 = arith.constant 0 : i32
      %add3A_149 = arith.addi %add3A_148, %mul3A_147 : i32
      %mul3A_150 = arith.constant 16 : i32
      %mul3A_151 = arith.muli %add3A_149, %mul3A_150 : i32
      %swap3A_152 = arith.index_cast %mul3A_151 : i32 to index
      %swap3A_153 = tpu.vector_load %arg10[%swap3A_152] {strides = array<i32>} : memref<10240xf32, #tpu.memory_space<vmem>>, vector<16xf32>,
      tpu.vector_store %arg10[%swap3A_152], %broadcast_in_dim3A_34 {strides = array<i32>} : memref<10240xf32, #tpu.memory_space<vmem>>, vector<16xf32>,
      %scan3A_154 = arith.constant 5 : i32
      %scan3A_155 = arith.addi %scan3A_106, %scan3A_154 : i32
      %mul3A_156 = arith.constant 1 : i32
      %mul3A_157 = arith.muli %scan3A_155, %mul3A_156 : i32
      %add3A_158 = arith.constant 0 : i32
      %add3A_159 = arith.addi %add3A_158, %mul3A_157 : i32
      %mul3A_160 = arith.constant 16 : i32
      %mul3A_161 = arith.muli %add3A_159, %mul3A_160 : i32
      %swap3A_162 = arith.index_cast %mul3A_161 : i32 to index
      %swap3A_163 = tpu.vector_load %arg10[%swap3A_162] {strides = array<i32>} : memref<10240xf32, #tpu.memory_space<vmem>>, vector<16xf32>,
      tpu.vector_store %arg10[%swap3A_162], %broadcast_in_dim3A_34 {strides = array<i32>} : memref<10240xf32, #tpu.memory_space<vmem>>, vector<16xf32>,
      %scan3A_164 = arith.constant 6 : i32
      %scan3A_165 = arith.addi %scan3A_106, %scan3A_164 : i32
      %mul3A_166 = arith.constant 1 : i32
      %mul3A_167 = arith.muli %scan3A_165, %mul3A_166 : i32
      %add3A_168 = arith.constant 0 : i32
      %add3A_169 = arith.addi %add3A_168, %mul3A_167 : i32
      %mul3A_170 = arith.constant 16 : i32
      %mul3A_171 = arith.muli %add3A_169, %mul3A_170 : i32
      %swap3A_172 = arith.index_cast %mul3A_171 : i32 to index
      %swap3A_173 = tpu.vector_load %arg10[%swap3A_172] {strides = array<i32>} : memref<10240xf32, #tpu.memory_space<vmem>>, vector<16xf32>,
      tpu.vector_store %arg10[%swap3A_172], %broadcast_in_dim3A_34 {strides = array<i32>} : memref<10240xf32, #tpu.memory_space<vmem>>, vector<16xf32>,
      %scan3A_174 = arith.constant 7 : i32
      %scan3A_175 = arith.addi %scan3A_106, %scan3A_174 : i32
      %mul3A_176 = arith.constant 1 : i32
      %mul3A_177 = arith.muli %scan3A_175, %mul3A_176 : i32
      %add3A_178 = arith.constant 0 : i32
      %add3A_179 = arith.addi %add3A_178, %mul3A_177 : i32
      %mul3A_180 = arith.constant 16 : i32
      %mul3A_181 = arith.muli %add3A_179, %mul3A_180 : i32
      %swap3A_182 = arith.index_cast %mul3A_181 : i32 to index
      %swap3A_183 = tpu.vector_load %arg10[%swap3A_182] {strides = array<i32>} : memref<10240xf32, #tpu.memory_space<vmem>>, vector<16xf32>,
      tpu.vector_store %arg10[%swap3A_182], %broadcast_in_dim3A_34 {strides = array<i32>} : memref<10240xf32, #tpu.memory_space<vmem>>, vector<16xf32>,
    }
    %scan3A_38 = arith.constant 640 : i32
    %scan3A_39 = arith.constant 0 : i32
    %scan3A_40 = arith.constant 640 : i32
    %scan3A_41 = arith.addi %scan3A_39, %scan3A_40 : i32
    %scan3A_42 = arith.constant 8 : i32
    scf.for %scan3A_106 = %scan3A_39 to %scan3A_41 step %scan3A_42  : i32 {
      %mul3A_107 = arith.constant 1 : i32
      %mul3A_108 = arith.muli %scan3A_106, %mul3A_107 : i32
      %add3A_109 = arith.constant 0 : i32
      %add3A_110 = arith.addi %add3A_109, %mul3A_108 : i32
      %mul3A_111 = arith.constant 16 : i32
      %mul3A_112 = arith.muli %add3A_110, %mul3A_111 : i32
      %swap3A = arith.index_cast %mul3A_112 : i32 to index
      %swap3A_113 = tpu.vector_load %arg11[%swap3A] {strides = array<i32>} : memref<10240xf32, #tpu.memory_space<vmem>>, vector<16xf32>,
      tpu.vector_store %arg11[%swap3A], %broadcast_in_dim3A_34 {strides = array<i32>} : memref<10240xf32, #tpu.memory_space<vmem>>, vector<16xf32>,
      %scan3A_114 = arith.constant 1 : i32
      %scan3A_115 = arith.addi %scan3A_106, %scan3A_114 : i32
      %mul3A_116 = arith.constant 1 : i32
      %mul3A_117 = arith.muli %scan3A_115, %mul3A_116 : i32
      %add3A_118 = arith.constant 0 : i32
      %add3A_119 = arith.addi %add3A_118, %mul3A_117 : i32
      %mul3A_120 = arith.constant 16 : i32
      %mul3A_121 = arith.muli %add3A_119, %mul3A_120 : i32
      %swap3A_122 = arith.index_cast %mul3A_121 : i32 to index
      %swap3A_123 = tpu.vector_load %arg11[%swap3A_122] {strides = array<i32>} : memref<10240xf32, #tpu.memory_space<vmem>>, vector<16xf32>,
      tpu.vector_store %arg11[%swap3A_122], %broadcast_in_dim3A_34 {strides = array<i32>} : memref<10240xf32, #tpu.memory_space<vmem>>, vector<16xf32>,
      %scan3A_124 = arith.constant 2 : i32
      %scan3A_125 = arith.addi %scan3A_106, %scan3A_124 : i32
      %mul3A_126 = arith.constant 1 : i32
      %mul3A_127 = arith.muli %scan3A_125, %mul3A_126 : i32
      %add3A_128 = arith.constant 0 : i32
      %add3A_129 = arith.addi %add3A_128, %mul3A_127 : i32
      %mul3A_130 = arith.constant 16 : i32
      %mul3A_131 = arith.muli %add3A_129, %mul3A_130 : i32
      %swap3A_132 = arith.index_cast %mul3A_131 : i32 to index
      %swap3A_133 = tpu.vector_load %arg11[%swap3A_132] {strides = array<i32>} : memref<10240xf32, #tpu.memory_space<vmem>>, vector<16xf32>,
      tpu.vector_store %arg11[%swap3A_132], %broadcast_in_dim3A_34 {strides = array<i32>} : memref<10240xf32, #tpu.memory_space<vmem>>, vector<16xf32>,
      %scan3A_134 = arith.constant 3 : i32
      %scan3A_135 = arith.addi %scan3A_106, %scan3A_134 : i32
      %mul3A_136 = arith.constant 1 : i32
      %mul3A_137 = arith.muli %scan3A_135, %mul3A_136 : i32
      %add3A_138 = arith.constant 0 : i32
      %add3A_139 = arith.addi %add3A_138, %mul3A_137 : i32
      %mul3A_140 = arith.constant 16 : i32
      %mul3A_141 = arith.muli %add3A_139, %mul3A_140 : i32
      %swap3A_142 = arith.index_cast %mul3A_141 : i32 to index
      %swap3A_143 = tpu.vector_load %arg11[%swap3A_142] {strides = array<i32>} : memref<10240xf32, #tpu.memory_space<vmem>>, vector<16xf32>,
      tpu.vector_store %arg11[%swap3A_142], %broadcast_in_dim3A_34 {strides = array<i32>} : memref<10240xf32, #tpu.memory_space<vmem>>, vector<16xf32>,
      %scan3A_144 = arith.constant 4 : i32
      %scan3A_145 = arith.addi %scan3A_106, %scan3A_144 : i32
      %mul3A_146 = arith.constant 1 : i32
      %mul3A_147 = arith.muli %scan3A_145, %mul3A_146 : i32
      %add3A_148 = arith.constant 0 : i32
      %add3A_149 = arith.addi %add3A_148, %mul3A_147 : i32
      %mul3A_150 = arith.constant 16 : i32
      %mul3A_151 = arith.muli %add3A_149, %mul3A_150 : i32
      %swap3A_152 = arith.index_cast %mul3A_151 : i32 to index
      %swap3A_153 = tpu.vector_load %arg11[%swap3A_152] {strides = array<i32>} : memref<10240xf32, #tpu.memory_space<vmem>>, vector<16xf32>,
      tpu.vector_store %arg11[%swap3A_152], %broadcast_in_dim3A_34 {strides = array<i32>} : memref<10240xf32, #tpu.memory_space<vmem>>, vector<16xf32>,
      %scan3A_154 = arith.constant 5 : i32
      %scan3A_155 = arith.addi %scan3A_106, %scan3A_154 : i32
      %mul3A_156 = arith.constant 1 : i32
      %mul3A_157 = arith.muli %scan3A_155, %mul3A_156 : i32
      %add3A_158 = arith.constant 0 : i32
      %add3A_159 = arith.addi %add3A_158, %mul3A_157 : i32
      %mul3A_160 = arith.constant 16 : i32
      %mul3A_161 = arith.muli %add3A_159, %mul3A_160 : i32
      %swap3A_162 = arith.index_cast %mul3A_161 : i32 to index
      %swap3A_163 = tpu.vector_load %arg11[%swap3A_162] {strides = array<i32>} : memref<10240xf32, #tpu.memory_space<vmem>>, vector<16xf32>,
      tpu.vector_store %arg11[%swap3A_162], %broadcast_in_dim3A_34 {strides = array<i32>} : memref<10240xf32, #tpu.memory_space<vmem>>, vector<16xf32>,
      %scan3A_164 = arith.constant 6 : i32
      %scan3A_165 = arith.addi %scan3A_106, %scan3A_164 : i32
      %mul3A_166 = arith.constant 1 : i32
      %mul3A_167 = arith.muli %scan3A_165, %mul3A_166 : i32
      %add3A_168 = arith.constant 0 : i32
      %add3A_169 = arith.addi %add3A_168, %mul3A_167 : i32
      %mul3A_170 = arith.constant 16 : i32
      %mul3A_171 = arith.muli %add3A_169, %mul3A_170 : i32
      %swap3A_172 = arith.index_cast %mul3A_171 : i32 to index
      %swap3A_173 = tpu.vector_load %arg11[%swap3A_172] {strides = array<i32>} : memref<10240xf32, #tpu.memory_space<vmem>>, vector<16xf32>,
      tpu.vector_store %arg11[%swap3A_172], %broadcast_in_dim3A_34 {strides = array<i32>} : memref<10240xf32, #tpu.memory_space<vmem>>, vector<16xf32>,
      %scan3A_174 = arith.constant 7 : i32
      %scan3A_175 = arith.addi %scan3A_106, %scan3A_174 : i32
      %mul3A_176 = arith.constant 1 : i32
      %mul3A_177 = arith.muli %scan3A_175, %mul3A_176 : i32
      %add3A_178 = arith.constant 0 : i32
      %add3A_179 = arith.addi %add3A_178, %mul3A_177 : i32
      %mul3A_180 = arith.constant 16 : i32
      %mul3A_181 = arith.muli %add3A_179, %mul3A_180 : i32
      %swap3A_182 = arith.index_cast %mul3A_181 : i32 to index
      %swap3A_183 = tpu.vector_load %arg11[%swap3A_182] {strides = array<i32>} : memref<10240xf32, #tpu.memory_space<vmem>>, vector<16xf32>,
      tpu.vector_store %arg11[%swap3A_182], %broadcast_in_dim3A_34 {strides = array<i32>} : memref<10240xf32, #tpu.memory_space<vmem>>, vector<16xf32>,
    }
    %scan3A_43 = arith.constant 640 : i32
    %scan3A_44 = arith.constant 0 : i32
    %scan3A_45 = arith.constant 640 : i32
    %scan3A_46 = arith.addi %scan3A_44, %scan3A_45 : i32
    %scan3A_47 = arith.constant 8 : i32
    scf.for %scan3A_106 = %scan3A_44 to %scan3A_46 step %scan3A_47  : i32 {
      %mul3A_107 = arith.constant 1 : i32
      %mul3A_108 = arith.muli %scan3A_106, %mul3A_107 : i32
      %add3A_109 = arith.constant 0 : i32
      %add3A_110 = arith.addi %add3A_109, %mul3A_108 : i32
      %mul3A_111 = arith.constant 16 : i32
      %mul3A_112 = arith.muli %add3A_110, %mul3A_111 : i32
      %swap3A = arith.index_cast %mul3A_112 : i32 to index
      %swap3A_113 = tpu.vector_load %arg12[%swap3A] {strides = array<i32>} : memref<10240xf32, #tpu.memory_space<vmem>>, vector<16xf32>,
      tpu.vector_store %arg12[%swap3A], %broadcast_in_dim3A_34 {strides = array<i32>} : memref<10240xf32, #tpu.memory_space<vmem>>, vector<16xf32>,
      %scan3A_114 = arith.constant 1 : i32
      %scan3A_115 = arith.addi %scan3A_106, %scan3A_114 : i32
      %mul3A_116 = arith.constant 1 : i32
      %mul3A_117 = arith.muli %scan3A_115, %mul3A_116 : i32
      %add3A_118 = arith.constant 0 : i32
      %add3A_119 = arith.addi %add3A_118, %mul3A_117 : i32
      %mul3A_120 = arith.constant 16 : i32
      %mul3A_121 = arith.muli %add3A_119, %mul3A_120 : i32
      %swap3A_122 = arith.index_cast %mul3A_121 : i32 to index
      %swap3A_123 = tpu.vector_load %arg12[%swap3A_122] {strides = array<i32>} : memref<10240xf32, #tpu.memory_space<vmem>>, vector<16xf32>,
      tpu.vector_store %arg12[%swap3A_122], %broadcast_in_dim3A_34 {strides = array<i32>} : memref<10240xf32, #tpu.memory_space<vmem>>, vector<16xf32>,
      %scan3A_124 = arith.constant 2 : i32
      %scan3A_125 = arith.addi %scan3A_106, %scan3A_124 : i32
      %mul3A_126 = arith.constant 1 : i32
      %mul3A_127 = arith.muli %scan3A_125, %mul3A_126 : i32
      %add3A_128 = arith.constant 0 : i32
      %add3A_129 = arith.addi %add3A_128, %mul3A_127 : i32
      %mul3A_130 = arith.constant 16 : i32
      %mul3A_131 = arith.muli %add3A_129, %mul3A_130 : i32
      %swap3A_132 = arith.index_cast %mul3A_131 : i32 to index
      %swap3A_133 = tpu.vector_load %arg12[%swap3A_132] {strides = array<i32>} : memref<10240xf32, #tpu.memory_space<vmem>>, vector<16xf32>,
      tpu.vector_store %arg12[%swap3A_132], %broadcast_in_dim3A_34 {strides = array<i32>} : memref<10240xf32, #tpu.memory_space<vmem>>, vector<16xf32>,
      %scan3A_134 = arith.constant 3 : i32
      %scan3A_135 = arith.addi %scan3A_106, %scan3A_134 : i32
      %mul3A_136 = arith.constant 1 : i32
      %mul3A_137 = arith.muli %scan3A_135, %mul3A_136 : i32
      %add3A_138 = arith.constant 0 : i32
      %add3A_139 = arith.addi %add3A_138, %mul3A_137 : i32
      %mul3A_140 = arith.constant 16 : i32
      %mul3A_141 = arith.muli %add3A_139, %mul3A_140 : i32
      %swap3A_142 = arith.index_cast %mul3A_141 : i32 to index
      %swap3A_143 = tpu.vector_load %arg12[%swap3A_142] {strides = array<i32>} : memref<10240xf32, #tpu.memory_space<vmem>>, vector<16xf32>,
      tpu.vector_store %arg12[%swap3A_142], %broadcast_in_dim3A_34 {strides = array<i32>} : memref<10240xf32, #tpu.memory_space<vmem>>, vector<16xf32>,
      %scan3A_144 = arith.constant 4 : i32
      %scan3A_145 = arith.addi %scan3A_106, %scan3A_144 : i32
      %mul3A_146 = arith.constant 1 : i32
      %mul3A_147 = arith.muli %scan3A_145, %mul3A_146 : i32
      %add3A_148 = arith.constant 0 : i32
      %add3A_149 = arith.addi %add3A_148, %mul3A_147 : i32
      %mul3A_150 = arith.constant 16 : i32
      %mul3A_151 = arith.muli %add3A_149, %mul3A_150 : i32
      %swap3A_152 = arith.index_cast %mul3A_151 : i32 to index
      %swap3A_153 = tpu.vector_load %arg12[%swap3A_152] {strides = array<i32>} : memref<10240xf32, #tpu.memory_space<vmem>>, vector<16xf32>,
      tpu.vector_store %arg12[%swap3A_152], %broadcast_in_dim3A_34 {strides = array<i32>} : memref<10240xf32, #tpu.memory_space<vmem>>, vector<16xf32>,
      %scan3A_154 = arith.constant 5 : i32
      %scan3A_155 = arith.addi %scan3A_106, %scan3A_154 : i32
      %mul3A_156 = arith.constant 1 : i32
      %mul3A_157 = arith.muli %scan3A_155, %mul3A_156 : i32
      %add3A_158 = arith.constant 0 : i32
      %add3A_159 = arith.addi %add3A_158, %mul3A_157 : i32
      %mul3A_160 = arith.constant 16 : i32
      %mul3A_161 = arith.muli %add3A_159, %mul3A_160 : i32
      %swap3A_162 = arith.index_cast %mul3A_161 : i32 to index
      %swap3A_163 = tpu.vector_load %arg12[%swap3A_162] {strides = array<i32>} : memref<10240xf32, #tpu.memory_space<vmem>>, vector<16xf32>,
      tpu.vector_store %arg12[%swap3A_162], %broadcast_in_dim3A_34 {strides = array<i32>} : memref<10240xf32, #tpu.memory_space<vmem>>, vector<16xf32>,
      %scan3A_164 = arith.constant 6 : i32
      %scan3A_165 = arith.addi %scan3A_106, %scan3A_164 : i32
      %mul3A_166 = arith.constant 1 : i32
      %mul3A_167 = arith.muli %scan3A_165, %mul3A_166 : i32
      %add3A_168 = arith.constant 0 : i32
      %add3A_169 = arith.addi %add3A_168, %mul3A_167 : i32
      %mul3A_170 = arith.constant 16 : i32
      %mul3A_171 = arith.muli %add3A_169, %mul3A_170 : i32
      %swap3A_172 = arith.index_cast %mul3A_171 : i32 to index
      %swap3A_173 = tpu.vector_load %arg12[%swap3A_172] {strides = array<i32>} : memref<10240xf32, #tpu.memory_space<vmem>>, vector<16xf32>,
      tpu.vector_store %arg12[%swap3A_172], %broadcast_in_dim3A_34 {strides = array<i32>} : memref<10240xf32, #tpu.memory_space<vmem>>, vector<16xf32>,
      %scan3A_174 = arith.constant 7 : i32
      %scan3A_175 = arith.addi %scan3A_106, %scan3A_174 : i32
      %mul3A_176 = arith.constant 1 : i32
      %mul3A_177 = arith.muli %scan3A_175, %mul3A_176 : i32
      %add3A_178 = arith.constant 0 : i32
      %add3A_179 = arith.addi %add3A_178, %mul3A_177 : i32
      %mul3A_180 = arith.constant 16 : i32
      %mul3A_181 = arith.muli %add3A_179, %mul3A_180 : i32
      %swap3A_182 = arith.index_cast %mul3A_181 : i32 to index
      %swap3A_183 = tpu.vector_load %arg12[%swap3A_182] {strides = array<i32>} : memref<10240xf32, #tpu.memory_space<vmem>>, vector<16xf32>,
      tpu.vector_store %arg12[%swap3A_182], %broadcast_in_dim3A_34 {strides = array<i32>} : memref<10240xf32, #tpu.memory_space<vmem>>, vector<16xf32>,
    }
    %scan3A_48 = arith.constant 640 : i32
    %scan3A_49 = arith.constant 0 : i32
    %scan3A_50 = arith.constant 640 : i32
    %scan3A_51 = arith.addi %scan3A_49, %scan3A_50 : i32
    %scan3A_52 = arith.constant 8 : i32
    scf.for %scan3A_106 = %scan3A_49 to %scan3A_51 step %scan3A_52  : i32 {
      %mul3A_107 = arith.constant 1 : i32
      %mul3A_108 = arith.muli %scan3A_106, %mul3A_107 : i32
      %add3A_109 = arith.constant 0 : i32
      %add3A_110 = arith.addi %add3A_109, %mul3A_108 : i32
      %mul3A_111 = arith.constant 16 : i32
      %mul3A_112 = arith.muli %add3A_110, %mul3A_111 : i32
      %swap3A = arith.index_cast %mul3A_112 : i32 to index
      %swap3A_113 = tpu.vector_load %arg13[%swap3A] {strides = array<i32>} : memref<10240xf32, #tpu.memory_space<vmem>>, vector<16xf32>,
      tpu.vector_store %arg13[%swap3A], %broadcast_in_dim3A_34 {strides = array<i32>} : memref<10240xf32, #tpu.memory_space<vmem>>, vector<16xf32>,
      %scan3A_114 = arith.constant 1 : i32
      %scan3A_115 = arith.addi %scan3A_106, %scan3A_114 : i32
      %mul3A_116 = arith.constant 1 : i32
      %mul3A_117 = arith.muli %scan3A_115, %mul3A_116 : i32
      %add3A_118 = arith.constant 0 : i32
      %add3A_119 = arith.addi %add3A_118, %mul3A_117 : i32
      %mul3A_120 = arith.constant 16 : i32
      %mul3A_121 = arith.muli %add3A_119, %mul3A_120 : i32
      %swap3A_122 = arith.index_cast %mul3A_121 : i32 to index
      %swap3A_123 = tpu.vector_load %arg13[%swap3A_122] {strides = array<i32>} : memref<10240xf32, #tpu.memory_space<vmem>>, vector<16xf32>,
      tpu.vector_store %arg13[%swap3A_122], %broadcast_in_dim3A_34 {strides = array<i32>} : memref<10240xf32, #tpu.memory_space<vmem>>, vector<16xf32>,
      %scan3A_124 = arith.constant 2 : i32
      %scan3A_125 = arith.addi %scan3A_106, %scan3A_124 : i32
      %mul3A_126 = arith.constant 1 : i32
      %mul3A_127 = arith.muli %scan3A_125, %mul3A_126 : i32
      %add3A_128 = arith.constant 0 : i32
      %add3A_129 = arith.addi %add3A_128, %mul3A_127 : i32
      %mul3A_130 = arith.constant 16 : i32
      %mul3A_131 = arith.muli %add3A_129, %mul3A_130 : i32
      %swap3A_132 = arith.index_cast %mul3A_131 : i32 to index
      %swap3A_133 = tpu.vector_load %arg13[%swap3A_132] {strides = array<i32>} : memref<10240xf32, #tpu.memory_space<vmem>>, vector<16xf32>,
      tpu.vector_store %arg13[%swap3A_132], %broadcast_in_dim3A_34 {strides = array<i32>} : memref<10240xf32, #tpu.memory_space<vmem>>, vector<16xf32>,
      %scan3A_134 = arith.constant 3 : i32
      %scan3A_135 = arith.addi %scan3A_106, %scan3A_134 : i32
      %mul3A_136 = arith.constant 1 : i32
      %mul3A_137 = arith.muli %scan3A_135, %mul3A_136 : i32
      %add3A_138 = arith.constant 0 : i32
      %add3A_139 = arith.addi %add3A_138, %mul3A_137 : i32
      %mul3A_140 = arith.constant 16 : i32
      %mul3A_141 = arith.muli %add3A_139, %mul3A_140 : i32
      %swap3A_142 = arith.index_cast %mul3A_141 : i32 to index
      %swap3A_143 = tpu.vector_load %arg13[%swap3A_142] {strides = array<i32>} : memref<10240xf32, #tpu.memory_space<vmem>>, vector<16xf32>,
      tpu.vector_store %arg13[%swap3A_142], %broadcast_in_dim3A_34 {strides = array<i32>} : memref<10240xf32, #tpu.memory_space<vmem>>, vector<16xf32>,
      %scan3A_144 = arith.constant 4 : i32
      %scan3A_145 = arith.addi %scan3A_106, %scan3A_144 : i32
      %mul3A_146 = arith.constant 1 : i32
      %mul3A_147 = arith.muli %scan3A_145, %mul3A_146 : i32
      %add3A_148 = arith.constant 0 : i32
      %add3A_149 = arith.addi %add3A_148, %mul3A_147 : i32
      %mul3A_150 = arith.constant 16 : i32
      %mul3A_151 = arith.muli %add3A_149, %mul3A_150 : i32
      %swap3A_152 = arith.index_cast %mul3A_151 : i32 to index
      %swap3A_153 = tpu.vector_load %arg13[%swap3A_152] {strides = array<i32>} : memref<10240xf32, #tpu.memory_space<vmem>>, vector<16xf32>,
      tpu.vector_store %arg13[%swap3A_152], %broadcast_in_dim3A_34 {strides = array<i32>} : memref<10240xf32, #tpu.memory_space<vmem>>, vector<16xf32>,
      %scan3A_154 = arith.constant 5 : i32
      %scan3A_155 = arith.addi %scan3A_106, %scan3A_154 : i32
      %mul3A_156 = arith.constant 1 : i32
      %mul3A_157 = arith.muli %scan3A_155, %mul3A_156 : i32
      %add3A_158 = arith.constant 0 : i32
      %add3A_159 = arith.addi %add3A_158, %mul3A_157 : i32
      %mul3A_160 = arith.constant 16 : i32
      %mul3A_161 = arith.muli %add3A_159, %mul3A_160 : i32
      %swap3A_162 = arith.index_cast %mul3A_161 : i32 to index
      %swap3A_163 = tpu.vector_load %arg13[%swap3A_162] {strides = array<i32>} : memref<10240xf32, #tpu.memory_space<vmem>>, vector<16xf32>,
      tpu.vector_store %arg13[%swap3A_162], %broadcast_in_dim3A_34 {strides = array<i32>} : memref<10240xf32, #tpu.memory_space<vmem>>, vector<16xf32>,
      %scan3A_164 = arith.constant 6 : i32
      %scan3A_165 = arith.addi %scan3A_106, %scan3A_164 : i32
      %mul3A_166 = arith.constant 1 : i32
      %mul3A_167 = arith.muli %scan3A_165, %mul3A_166 : i32
      %add3A_168 = arith.constant 0 : i32
      %add3A_169 = arith.addi %add3A_168, %mul3A_167 : i32
      %mul3A_170 = arith.constant 16 : i32
      %mul3A_171 = arith.muli %add3A_169, %mul3A_170 : i32
      %swap3A_172 = arith.index_cast %mul3A_171 : i32 to index
      %swap3A_173 = tpu.vector_load %arg13[%swap3A_172] {strides = array<i32>} : memref<10240xf32, #tpu.memory_space<vmem>>, vector<16xf32>,
      tpu.vector_store %arg13[%swap3A_172], %broadcast_in_dim3A_34 {strides = array<i32>} : memref<10240xf32, #tpu.memory_space<vmem>>, vector<16xf32>,
      %scan3A_174 = arith.constant 7 : i32
      %scan3A_175 = arith.addi %scan3A_106, %scan3A_174 : i32
      %mul3A_176 = arith.constant 1 : i32
      %mul3A_177 = arith.muli %scan3A_175, %mul3A_176 : i32
      %add3A_178 = arith.constant 0 : i32
      %add3A_179 = arith.addi %add3A_178, %mul3A_177 : i32
      %mul3A_180 = arith.constant 16 : i32
      %mul3A_181 = arith.muli %add3A_179, %mul3A_180 : i32
      %swap3A_182 = arith.index_cast %mul3A_181 : i32 to index
      %swap3A_183 = tpu.vector_load %arg13[%swap3A_182] {strides = array<i32>} : memref<10240xf32, #tpu.memory_space<vmem>>, vector<16xf32>,
      tpu.vector_store %arg13[%swap3A_182], %broadcast_in_dim3A_34 {strides = array<i32>} : memref<10240xf32, #tpu.memory_space<vmem>>, vector<16xf32>,
    }
    %scan3A_53 = arith.constant 640 : i32
    %add3A_54 = arith.constant 0 : i32
    %add3A_55 = arith.addi %mul3A_2, %add3A_54 : i32
    %dma_wait3A = arith.constant 0 : i32
    %dma_wait3A_56 = tpu.memref_slice %arg2[%add3A_55, %dma_wait3A] : memref<128x10240xf32, #tpu.memory_space<hbm>> -> memref<1x10240xf32, #tpu.memory_space<hbm>>
    %dma_wait3A_57 = tpu.memref_squeeze %dma_wait3A_56 : memref<1x10240xf32, #tpu.memory_space<hbm>> -> memref<10240xf32, #tpu.memory_space<hbm>>
    %dma_wait3A_58 = arith.constant 0 : i32
    %dma_wait3A_59 = tpu.memref_slice %arg2[%add3A_55, %dma_wait3A_58] : memref<128x10240xf32, #tpu.memory_space<hbm>> -> memref<1x10240xf32, #tpu.memory_space<hbm>>
    %dma_wait3A_60 = tpu.memref_squeeze %dma_wait3A_59 : memref<1x10240xf32, #tpu.memory_space<hbm>> -> memref<10240xf32, #tpu.memory_space<hbm>>
    tpu.wait_dma2 semaphore(%arg20 : memref<!tpu.dma_semaphore, #tpu.memory_space<semaphore_mem>>) src(%dma_wait3A_60 : memref<10240xf32, #tpu.memory_space<hbm>>) dst(%arg6 : memref<10240xf32, #tpu.memory_space<vmem>>)
    %add3A_61 = arith.constant 1 : i32
    %add3A_62 = arith.addi %mul3A_2, %add3A_61 : i32
    %dma_wait3A_63 = arith.constant 0 : i32
    %dma_wait3A_64 = tpu.memref_slice %arg2[%add3A_62, %dma_wait3A_63] : memref<128x10240xf32, #tpu.memory_space<hbm>> -> memref<1x10240xf32, #tpu.memory_space<hbm>>
    %dma_wait3A_65 = tpu.memref_squeeze %dma_wait3A_64 : memref<1x10240xf32, #tpu.memory_space<hbm>> -> memref<10240xf32, #tpu.memory_space<hbm>>
    %dma_wait3A_66 = arith.constant 0 : i32
    %dma_wait3A_67 = tpu.memref_slice %arg2[%add3A_62, %dma_wait3A_66] : memref<128x10240xf32, #tpu.memory_space<hbm>> -> memref<1x10240xf32, #tpu.memory_space<hbm>>
    %dma_wait3A_68 = tpu.memref_squeeze %dma_wait3A_67 : memref<1x10240xf32, #tpu.memory_space<hbm>> -> memref<10240xf32, #tpu.memory_space<hbm>>
    tpu.wait_dma2 semaphore(%arg20 : memref<!tpu.dma_semaphore, #tpu.memory_space<semaphore_mem>>) src(%dma_wait3A_68 : memref<10240xf32, #tpu.memory_space<hbm>>) dst(%arg7 : memref<10240xf32, #tpu.memory_space<vmem>>)
    %add3A_69 = arith.constant 2 : i32
    %add3A_70 = arith.addi %mul3A_2, %add3A_69 : i32
    %dma_wait3A_71 = arith.constant 0 : i32
    %dma_wait3A_72 = tpu.memref_slice %arg2[%add3A_70, %dma_wait3A_71] : memref<128x10240xf32, #tpu.memory_space<hbm>> -> memref<1x10240xf32, #tpu.memory_space<hbm>>
    %dma_wait3A_73 = tpu.memref_squeeze %dma_wait3A_72 : memref<1x10240xf32, #tpu.memory_space<hbm>> -> memref<10240xf32, #tpu.memory_space<hbm>>
    %dma_wait3A_74 = arith.constant 0 : i32
    %dma_wait3A_75 = tpu.memref_slice %arg2[%add3A_70, %dma_wait3A_74] : memref<128x10240xf32, #tpu.memory_space<hbm>> -> memref<1x10240xf32, #tpu.memory_space<hbm>>
    %dma_wait3A_76 = tpu.memref_squeeze %dma_wait3A_75 : memref<1x10240xf32, #tpu.memory_space<hbm>> -> memref<10240xf32, #tpu.memory_space<hbm>>
    tpu.wait_dma2 semaphore(%arg20 : memref<!tpu.dma_semaphore, #tpu.memory_space<semaphore_mem>>) src(%dma_wait3A_76 : memref<10240xf32, #tpu.memory_space<hbm>>) dst(%arg8 : memref<10240xf32, #tpu.memory_space<vmem>>)
    %add3A_77 = arith.constant 3 : i32
    %add3A_78 = arith.addi %mul3A_2, %add3A_77 : i32
    %dma_wait3A_79 = arith.constant 0 : i32
    %dma_wait3A_80 = tpu.memref_slice %arg2[%add3A_78, %dma_wait3A_79] : memref<128x10240xf32, #tpu.memory_space<hbm>> -> memref<1x10240xf32, #tpu.memory_space<hbm>>
    %dma_wait3A_81 = tpu.memref_squeeze %dma_wait3A_80 : memref<1x10240xf32, #tpu.memory_space<hbm>> -> memref<10240xf32, #tpu.memory_space<hbm>>
    %dma_wait3A_82 = arith.constant 0 : i32
    %dma_wait3A_83 = tpu.memref_slice %arg2[%add3A_78, %dma_wait3A_82] : memref<128x10240xf32, #tpu.memory_space<hbm>> -> memref<1x10240xf32, #tpu.memory_space<hbm>>
    %dma_wait3A_84 = tpu.memref_squeeze %dma_wait3A_83 : memref<1x10240xf32, #tpu.memory_space<hbm>> -> memref<10240xf32, #tpu.memory_space<hbm>>
    tpu.wait_dma2 semaphore(%arg20 : memref<!tpu.dma_semaphore, #tpu.memory_space<semaphore_mem>>) src(%dma_wait3A_84 : memref<10240xf32, #tpu.memory_space<hbm>>) dst(%arg9 : memref<10240xf32, #tpu.memory_space<vmem>>)
    %dma_start3A_85 = arith.constant 0 : i32
    %dma_start3A_86 = tpu.memref_slice %arg3[%dma_start3A_85] : memref<323584xi32, #tpu.memory_space<hbm>> -> memref<2048xi32, #tpu.memory_space<hbm>>
    %dma_start3A_87 = arith.constant 0 : i32
    %dma_start3A_88 = tpu.memref_slice %arg3[%dma_start3A_87] : memref<323584xi32, #tpu.memory_space<hbm>> -> memref<2048xi32, #tpu.memory_space<hbm>>
    tpu.enqueue_dma source(%dma_start3A_88 : memref<2048xi32, #tpu.memory_space<hbm>>) target(%arg14 : memref<2048xi32, #tpu.memory_space<vmem>>) target_semaphore(%arg18 : memref<!tpu.dma_semaphore, #tpu.memory_space<semaphore_mem>>)
    %dma_start3A_89 = arith.constant 0 : i32
    %dma_start3A_90 = tpu.memref_slice %arg4[%dma_start3A_89] : memref<323584xf32, #tpu.memory_space<hbm>> -> memref<2048xf32, #tpu.memory_space<hbm>>
    %dma_start3A_91 = arith.constant 0 : i32
    %dma_start3A_92 = tpu.memref_slice %arg4[%dma_start3A_91] : memref<323584xf32, #tpu.memory_space<hbm>> -> memref<2048xf32, #tpu.memory_space<hbm>>
    tpu.enqueue_dma source(%dma_start3A_92 : memref<2048xf32, #tpu.memory_space<hbm>>) target(%arg16 : memref<2048xf32, #tpu.memory_space<vmem>>) target_semaphore(%arg18 : memref<!tpu.dma_semaphore, #tpu.memory_space<semaphore_mem>>)
    %scan3A_93 = arith.constant 0 : i32
    %scan3A_94 = arith.constant 79 : i32
    %scan3A_95 = arith.addi %scan3A_93, %scan3A_94 : i32
    %scan3A_96 = arith.constant 1 : i32
    scf.for %scan3A_106 = %scan3A_93 to %scan3A_95 step %scan3A_96  : i32 {
      %mul3A_107 = arith.constant 2 : i32
      %mul3A_108 = arith.muli %scan3A_106, %mul3A_107 : i32
      %add3A_109 = arith.constant 0 : i32
      %add3A_110 = arith.addi %add3A_109, %mul3A_108 : i32
      %add3A_111 = arith.constant 0 : i32
      %add3A_112 = arith.addi %add3A_110, %add3A_111 : i32
      %mul3A_113 = arith.constant 2048 : i32
      %mul3A_114 = arith.muli %add3A_112, %mul3A_113 : i32
      %dma_wait3A_115 = tpu.memref_slice %arg3[%mul3A_114] : memref<323584xi32, #tpu.memory_space<hbm>> -> memref<2048xi32, #tpu.memory_space<hbm>>
      %dma_wait3A_116 = tpu.memref_slice %arg3[%mul3A_114] : memref<323584xi32, #tpu.memory_space<hbm>> -> memref<2048xi32, #tpu.memory_space<hbm>>
      tpu.wait_dma2 semaphore(%arg18 : memref<!tpu.dma_semaphore, #tpu.memory_space<semaphore_mem>>) src(%dma_wait3A_116 : memref<2048xi32, #tpu.memory_space<hbm>>) dst(%arg14 : memref<2048xi32, #tpu.memory_space<vmem>>)
      %dma_wait3A_117 = tpu.memref_slice %arg4[%mul3A_114] : memref<323584xf32, #tpu.memory_space<hbm>> -> memref<2048xf32, #tpu.memory_space<hbm>>
      %dma_wait3A_118 = tpu.memref_slice %arg4[%mul3A_114] : memref<323584xf32, #tpu.memory_space<hbm>> -> memref<2048xf32, #tpu.memory_space<hbm>>
      tpu.wait_dma2 semaphore(%arg18 : memref<!tpu.dma_semaphore, #tpu.memory_space<semaphore_mem>>) src(%dma_wait3A_118 : memref<2048xf32, #tpu.memory_space<hbm>>) dst(%arg16 : memref<2048xf32, #tpu.memory_space<vmem>>)
      %add3A_119 = arith.constant 1 : i32
      %add3A_120 = arith.addi %add3A_112, %add3A_119 : i32
      %lt3A = arith.constant 158 : i32
      %lt3A_121 = arith.cmpi slt, %add3A_120, %lt3A : i32
      %convert_element_type3A = arith.extui %lt3A_121 : i1 to i32
      %cond3A = arith.constant 0 : i32
      %cond3A_122 = arith.cmpi ne, %convert_element_type3A, %cond3A : i32
      scf.if %cond3A_122 {
        %add3A_143 = arith.constant 1 : i32
        %add3A_144 = arith.addi %add3A_112, %add3A_143 : i32
        %mul3A_145 = arith.constant 2048 : i32
        %mul3A_146 = arith.muli %add3A_144, %mul3A_145 : i32
        %dma_start3A_147 = tpu.memref_slice %arg3[%mul3A_146] : memref<323584xi32, #tpu.memory_space<hbm>> -> memref<2048xi32, #tpu.memory_space<hbm>>
        %dma_start3A_148 = tpu.memref_slice %arg3[%mul3A_146] : memref<323584xi32, #tpu.memory_space<hbm>> -> memref<2048xi32, #tpu.memory_space<hbm>>
        tpu.enqueue_dma source(%dma_start3A_148 : memref<2048xi32, #tpu.memory_space<hbm>>) target(%arg15 : memref<2048xi32, #tpu.memory_space<vmem>>) target_semaphore(%arg19 : memref<!tpu.dma_semaphore, #tpu.memory_space<semaphore_mem>>)
        %dma_start3A_149 = tpu.memref_slice %arg4[%mul3A_146] : memref<323584xf32, #tpu.memory_space<hbm>> -> memref<2048xf32, #tpu.memory_space<hbm>>
        %dma_start3A_150 = tpu.memref_slice %arg4[%mul3A_146] : memref<323584xf32, #tpu.memory_space<hbm>> -> memref<2048xf32, #tpu.memory_space<hbm>>
        tpu.enqueue_dma source(%dma_start3A_150 : memref<2048xf32, #tpu.memory_space<hbm>>) target(%arg17 : memref<2048xf32, #tpu.memory_space<vmem>>) target_semaphore(%arg19 : memref<!tpu.dma_semaphore, #tpu.memory_space<semaphore_mem>>)
      } else {
      }
      %parallel_loop3A = arith.constant 0 : i32
      %parallel_loop3A_123 = arith.constant 128 : i32
      %parallel_loop3A_124 = arith.constant 1 : i32
      scf.for %parallel_loop3A_143 = %parallel_loop3A to %parallel_loop3A_123 step %parallel_loop3A_124  : i32 {
        %parallel_loop3A_144 = arith.constant 16 : i32
        %parallel_loop3A_145 = arith.muli %parallel_loop3A_143, %parallel_loop3A_144 : i32
        %parallel_loop3A_146 = arith.index_cast %parallel_loop3A_145 : i32 to index
        %parallel_loop3A_147 = tpu.vector_load %arg14[%parallel_loop3A_146] {strides = array<i32>} : memref<2048xi32, #tpu.memory_space<vmem>>, vector<16xi32>,
        %parallel_loop3A_148 = arith.constant 16383 : i32
        %parallel_loop3A_149 = vector.broadcast %parallel_loop3A_148 : i32 to vector<16xi32>
        %parallel_loop3A_150 = arith.andi %parallel_loop3A_147, %parallel_loop3A_149 : vector<16xi32>
        %parallel_loop3A_151 = arith.constant 14 : i32
        %parallel_loop3A_152 = vector.broadcast %parallel_loop3A_151 : i32 to vector<16xi32>
        %parallel_loop3A_153 = arith.shrui %parallel_loop3A_147, %parallel_loop3A_152 : vector<16xi32>
        %parallel_loop3A_154 = arith.index_cast %parallel_loop3A_145 : i32 to index
        %parallel_loop3A_155 = tpu.vector_load %arg16[%parallel_loop3A_154] {strides = array<i32>} : memref<2048xf32, #tpu.memory_space<vmem>>, vector<16xf32>,
        %parallel_loop3A_156 = tpu.vector_load_idx %arg6[%parallel_loop3A_150] : memref<10240xf32, #tpu.memory_space<vmem>>[vector<16xi32>], vector<16xf32>,
        %parallel_loop3A_157 = arith.mulf %parallel_loop3A_156, %parallel_loop3A_155 : vector<16xf32>
        tpu.vector_store_idx %arg10[%parallel_loop3A_153], %parallel_loop3A_157 {add = true} : memref<10240xf32, #tpu.memory_space<vmem>>[vector<16xi32>], vector<16xf32>,
        %parallel_loop3A_158 = tpu.vector_load_idx %arg7[%parallel_loop3A_150] : memref<10240xf32, #tpu.memory_space<vmem>>[vector<16xi32>], vector<16xf32>,
        %parallel_loop3A_159 = arith.mulf %parallel_loop3A_158, %parallel_loop3A_155 : vector<16xf32>
        tpu.vector_store_idx %arg11[%parallel_loop3A_153], %parallel_loop3A_159 {add = true} : memref<10240xf32, #tpu.memory_space<vmem>>[vector<16xi32>], vector<16xf32>,
        %parallel_loop3A_160 = tpu.vector_load_idx %arg8[%parallel_loop3A_150] : memref<10240xf32, #tpu.memory_space<vmem>>[vector<16xi32>], vector<16xf32>,
        %parallel_loop3A_161 = arith.mulf %parallel_loop3A_160, %parallel_loop3A_155 : vector<16xf32>
        tpu.vector_store_idx %arg12[%parallel_loop3A_153], %parallel_loop3A_161 {add = true} : memref<10240xf32, #tpu.memory_space<vmem>>[vector<16xi32>], vector<16xf32>,
        %parallel_loop3A_162 = tpu.vector_load_idx %arg9[%parallel_loop3A_150] : memref<10240xf32, #tpu.memory_space<vmem>>[vector<16xi32>], vector<16xf32>,
        %parallel_loop3A_163 = arith.mulf %parallel_loop3A_162, %parallel_loop3A_155 : vector<16xf32>
        tpu.vector_store_idx %arg13[%parallel_loop3A_153], %parallel_loop3A_163 {add = true} : memref<10240xf32, #tpu.memory_space<vmem>>[vector<16xi32>], vector<16xf32>,
      } {sc.loop_unroll_factor = 4 : i64, sc.parallel_access}
      %add3A_125 = arith.constant 1 : i32
      %add3A_126 = arith.addi %add3A_110, %add3A_125 : i32
      %mul3A_127 = arith.constant 2048 : i32
      %mul3A_128 = arith.muli %add3A_126, %mul3A_127 : i32
      %dma_wait3A_129 = tpu.memref_slice %arg3[%mul3A_128] : memref<323584xi32, #tpu.memory_space<hbm>> -> memref<2048xi32, #tpu.memory_space<hbm>>
      %dma_wait3A_130 = tpu.memref_slice %arg3[%mul3A_128] : memref<323584xi32, #tpu.memory_space<hbm>> -> memref<2048xi32, #tpu.memory_space<hbm>>
      tpu.wait_dma2 semaphore(%arg19 : memref<!tpu.dma_semaphore, #tpu.memory_space<semaphore_mem>>) src(%dma_wait3A_130 : memref<2048xi32, #tpu.memory_space<hbm>>) dst(%arg15 : memref<2048xi32, #tpu.memory_space<vmem>>)
      %dma_wait3A_131 = tpu.memref_slice %arg4[%mul3A_128] : memref<323584xf32, #tpu.memory_space<hbm>> -> memref<2048xf32, #tpu.memory_space<hbm>>
      %dma_wait3A_132 = tpu.memref_slice %arg4[%mul3A_128] : memref<323584xf32, #tpu.memory_space<hbm>> -> memref<2048xf32, #tpu.memory_space<hbm>>
      tpu.wait_dma2 semaphore(%arg19 : memref<!tpu.dma_semaphore, #tpu.memory_space<semaphore_mem>>) src(%dma_wait3A_132 : memref<2048xf32, #tpu.memory_space<hbm>>) dst(%arg17 : memref<2048xf32, #tpu.memory_space<vmem>>)
      %add3A_133 = arith.constant 1 : i32
      %add3A_134 = arith.addi %add3A_126, %add3A_133 : i32
      %lt3A_135 = arith.constant 158 : i32
      %lt3A_136 = arith.cmpi slt, %add3A_134, %lt3A_135 : i32
      %convert_element_type3A_137 = arith.extui %lt3A_136 : i1 to i32
      %cond3A_138 = arith.constant 0 : i32
      %cond3A_139 = arith.cmpi ne, %convert_element_type3A_137, %cond3A_138 : i32
      scf.if %cond3A_139 {
        %add3A_143 = arith.constant 1 : i32
        %add3A_144 = arith.addi %add3A_126, %add3A_143 : i32
        %mul3A_145 = arith.constant 2048 : i32
        %mul3A_146 = arith.muli %add3A_144, %mul3A_145 : i32
        %dma_start3A_147 = tpu.memref_slice %arg3[%mul3A_146] : memref<323584xi32, #tpu.memory_space<hbm>> -> memref<2048xi32, #tpu.memory_space<hbm>>
        %dma_start3A_148 = tpu.memref_slice %arg3[%mul3A_146] : memref<323584xi32, #tpu.memory_space<hbm>> -> memref<2048xi32, #tpu.memory_space<hbm>>
        tpu.enqueue_dma source(%dma_start3A_148 : memref<2048xi32, #tpu.memory_space<hbm>>) target(%arg14 : memref<2048xi32, #tpu.memory_space<vmem>>) target_semaphore(%arg18 : memref<!tpu.dma_semaphore, #tpu.memory_space<semaphore_mem>>)
        %dma_start3A_149 = tpu.memref_slice %arg4[%mul3A_146] : memref<323584xf32, #tpu.memory_space<hbm>> -> memref<2048xf32, #tpu.memory_space<hbm>>
        %dma_start3A_150 = tpu.memref_slice %arg4[%mul3A_146] : memref<323584xf32, #tpu.memory_space<hbm>> -> memref<2048xf32, #tpu.memory_space<hbm>>
        tpu.enqueue_dma source(%dma_start3A_150 : memref<2048xf32, #tpu.memory_space<hbm>>) target(%arg16 : memref<2048xf32, #tpu.memory_space<vmem>>) target_semaphore(%arg18 : memref<!tpu.dma_semaphore, #tpu.memory_space<semaphore_mem>>)
      } else {
      }
      %parallel_loop3A_140 = arith.constant 0 : i32
      %parallel_loop3A_141 = arith.constant 128 : i32
      %parallel_loop3A_142 = arith.constant 1 : i32
      scf.for %parallel_loop3A_143 = %parallel_loop3A_140 to %parallel_loop3A_141 step %parallel_loop3A_142  : i32 {
        %parallel_loop3A_144 = arith.constant 16 : i32
        %parallel_loop3A_145 = arith.muli %parallel_loop3A_143, %parallel_loop3A_144 : i32
        %parallel_loop3A_146 = arith.index_cast %parallel_loop3A_145 : i32 to index
        %parallel_loop3A_147 = tpu.vector_load %arg15[%parallel_loop3A_146] {strides = array<i32>} : memref<2048xi32, #tpu.memory_space<vmem>>, vector<16xi32>,
        %parallel_loop3A_148 = arith.constant 16383 : i32
        %parallel_loop3A_149 = vector.broadcast %parallel_loop3A_148 : i32 to vector<16xi32>
        %parallel_loop3A_150 = arith.andi %parallel_loop3A_147, %parallel_loop3A_149 : vector<16xi32>
        %parallel_loop3A_151 = arith.constant 14 : i32
        %parallel_loop3A_152 = vector.broadcast %parallel_loop3A_151 : i32 to vector<16xi32>
        %parallel_loop3A_153 = arith.shrui %parallel_loop3A_147, %parallel_loop3A_152 : vector<16xi32>
        %parallel_loop3A_154 = arith.index_cast %parallel_loop3A_145 : i32 to index
        %parallel_loop3A_155 = tpu.vector_load %arg17[%parallel_loop3A_154] {strides = array<i32>} : memref<2048xf32, #tpu.memory_space<vmem>>, vector<16xf32>,
        %parallel_loop3A_156 = tpu.vector_load_idx %arg6[%parallel_loop3A_150] : memref<10240xf32, #tpu.memory_space<vmem>>[vector<16xi32>], vector<16xf32>,
        %parallel_loop3A_157 = arith.mulf %parallel_loop3A_156, %parallel_loop3A_155 : vector<16xf32>
        tpu.vector_store_idx %arg10[%parallel_loop3A_153], %parallel_loop3A_157 {add = true} : memref<10240xf32, #tpu.memory_space<vmem>>[vector<16xi32>], vector<16xf32>,
        %parallel_loop3A_158 = tpu.vector_load_idx %arg7[%parallel_loop3A_150] : memref<10240xf32, #tpu.memory_space<vmem>>[vector<16xi32>], vector<16xf32>,
        %parallel_loop3A_159 = arith.mulf %parallel_loop3A_158, %parallel_loop3A_155 : vector<16xf32>
        tpu.vector_store_idx %arg11[%parallel_loop3A_153], %parallel_loop3A_159 {add = true} : memref<10240xf32, #tpu.memory_space<vmem>>[vector<16xi32>], vector<16xf32>,
        %parallel_loop3A_160 = tpu.vector_load_idx %arg8[%parallel_loop3A_150] : memref<10240xf32, #tpu.memory_space<vmem>>[vector<16xi32>], vector<16xf32>,
        %parallel_loop3A_161 = arith.mulf %parallel_loop3A_160, %parallel_loop3A_155 : vector<16xf32>
        tpu.vector_store_idx %arg12[%parallel_loop3A_153], %parallel_loop3A_161 {add = true} : memref<10240xf32, #tpu.memory_space<vmem>>[vector<16xi32>], vector<16xf32>,
        %parallel_loop3A_162 = tpu.vector_load_idx %arg9[%parallel_loop3A_150] : memref<10240xf32, #tpu.memory_space<vmem>>[vector<16xi32>], vector<16xf32>,
        %parallel_loop3A_163 = arith.mulf %parallel_loop3A_162, %parallel_loop3A_155 : vector<16xf32>
        tpu.vector_store_idx %arg13[%parallel_loop3A_153], %parallel_loop3A_163 {add = true} : memref<10240xf32, #tpu.memory_space<vmem>>[vector<16xi32>], vector<16xf32>,
      } {sc.loop_unroll_factor = 4 : i64, sc.parallel_access}
    }
    %scan3A_97 = arith.constant 79 : i32
    %add3A_98 = arith.constant 0 : i32
    %add3A_99 = arith.addi %mul3A_2, %add3A_98 : i32
    "tpu.region"() ({
      %run_scoped3A = tpu.sem_alloc : memref<!tpu.dma_semaphore, #tpu.memory_space<semaphore_mem>>
      %dma_start3A_106 = arith.constant 0 : i32
      %dma_start3A_107 = tpu.memref_slice %arg5[%add3A_99, %dma_start3A_106] : memref<128x10240xf32, #tpu.memory_space<hbm>> -> memref<1x10240xf32, #tpu.memory_space<hbm>>
      %dma_start3A_108 = tpu.memref_squeeze %dma_start3A_107 : memref<1x10240xf32, #tpu.memory_space<hbm>> -> memref<10240xf32, #tpu.memory_space<hbm>>
      %dma_start3A_109 = arith.constant 0 : i32
      %dma_start3A_110 = tpu.memref_slice %arg5[%add3A_99, %dma_start3A_109] : memref<128x10240xf32, #tpu.memory_space<hbm>> -> memref<1x10240xf32, #tpu.memory_space<hbm>>
      %dma_start3A_111 = tpu.memref_squeeze %dma_start3A_110 : memref<1x10240xf32, #tpu.memory_space<hbm>> -> memref<10240xf32, #tpu.memory_space<hbm>>
      tpu.enqueue_dma source(%arg10 : memref<10240xf32, #tpu.memory_space<vmem>>) target(%dma_start3A_111 : memref<10240xf32, #tpu.memory_space<hbm>>) target_semaphore(%run_scoped3A : memref<!tpu.dma_semaphore, #tpu.memory_space<semaphore_mem>>)
      %dma_wait3A_112 = arith.constant 0 : i32
      %dma_wait3A_113 = tpu.memref_slice %arg5[%add3A_99, %dma_wait3A_112] : memref<128x10240xf32, #tpu.memory_space<hbm>> -> memref<1x10240xf32, #tpu.memory_space<hbm>>
      %dma_wait3A_114 = tpu.memref_squeeze %dma_wait3A_113 : memref<1x10240xf32, #tpu.memory_space<hbm>> -> memref<10240xf32, #tpu.memory_space<hbm>>
      %dma_wait3A_115 = arith.constant 0 : i32
      %dma_wait3A_116 = tpu.memref_slice %arg5[%add3A_99, %dma_wait3A_115] : memref<128x10240xf32, #tpu.memory_space<hbm>> -> memref<1x10240xf32, #tpu.memory_space<hbm>>
      %dma_wait3A_117 = tpu.memref_squeeze %dma_wait3A_116 : memref<1x10240xf32, #tpu.memory_space<hbm>> -> memref<10240xf32, #tpu.memory_space<hbm>>
      tpu.wait_dma2 semaphore(%run_scoped3A : memref<!tpu.dma_semaphore, #tpu.memory_space<semaphore_mem>>) src(%arg10 : memref<10240xf32, #tpu.memory_space<vmem>>) dst(%dma_wait3A_117 : memref<10240xf32, #tpu.memory_space<hbm>>)
      tpu.yield
    }) : () -> ()
    %add3A_100 = arith.constant 1 : i32
    %add3A_101 = arith.addi %mul3A_2, %add3A_100 : i32
    "tpu.region"() ({
      %run_scoped3A = tpu.sem_alloc : memref<!tpu.dma_semaphore, #tpu.memory_space<semaphore_mem>>
      %dma_start3A_106 = arith.constant 0 : i32
      %dma_start3A_107 = tpu.memref_slice %arg5[%add3A_101, %dma_start3A_106] : memref<128x10240xf32, #tpu.memory_space<hbm>> -> memref<1x10240xf32, #tpu.memory_space<hbm>>
      %dma_start3A_108 = tpu.memref_squeeze %dma_start3A_107 : memref<1x10240xf32, #tpu.memory_space<hbm>> -> memref<10240xf32, #tpu.memory_space<hbm>>
      %dma_start3A_109 = arith.constant 0 : i32
      %dma_start3A_110 = tpu.memref_slice %arg5[%add3A_101, %dma_start3A_109] : memref<128x10240xf32, #tpu.memory_space<hbm>> -> memref<1x10240xf32, #tpu.memory_space<hbm>>
      %dma_start3A_111 = tpu.memref_squeeze %dma_start3A_110 : memref<1x10240xf32, #tpu.memory_space<hbm>> -> memref<10240xf32, #tpu.memory_space<hbm>>
      tpu.enqueue_dma source(%arg11 : memref<10240xf32, #tpu.memory_space<vmem>>) target(%dma_start3A_111 : memref<10240xf32, #tpu.memory_space<hbm>>) target_semaphore(%run_scoped3A : memref<!tpu.dma_semaphore, #tpu.memory_space<semaphore_mem>>)
      %dma_wait3A_112 = arith.constant 0 : i32
      %dma_wait3A_113 = tpu.memref_slice %arg5[%add3A_101, %dma_wait3A_112] : memref<128x10240xf32, #tpu.memory_space<hbm>> -> memref<1x10240xf32, #tpu.memory_space<hbm>>
      %dma_wait3A_114 = tpu.memref_squeeze %dma_wait3A_113 : memref<1x10240xf32, #tpu.memory_space<hbm>> -> memref<10240xf32, #tpu.memory_space<hbm>>
      %dma_wait3A_115 = arith.constant 0 : i32
      %dma_wait3A_116 = tpu.memref_slice %arg5[%add3A_101, %dma_wait3A_115] : memref<128x10240xf32, #tpu.memory_space<hbm>> -> memref<1x10240xf32, #tpu.memory_space<hbm>>
      %dma_wait3A_117 = tpu.memref_squeeze %dma_wait3A_116 : memref<1x10240xf32, #tpu.memory_space<hbm>> -> memref<10240xf32, #tpu.memory_space<hbm>>
      tpu.wait_dma2 semaphore(%run_scoped3A : memref<!tpu.dma_semaphore, #tpu.memory_space<semaphore_mem>>) src(%arg11 : memref<10240xf32, #tpu.memory_space<vmem>>) dst(%dma_wait3A_117 : memref<10240xf32, #tpu.memory_space<hbm>>)
      tpu.yield
    }) : () -> ()
    %add3A_102 = arith.constant 2 : i32
    %add3A_103 = arith.addi %mul3A_2, %add3A_102 : i32
    "tpu.region"() ({
      %run_scoped3A = tpu.sem_alloc : memref<!tpu.dma_semaphore, #tpu.memory_space<semaphore_mem>>
      %dma_start3A_106 = arith.constant 0 : i32
      %dma_start3A_107 = tpu.memref_slice %arg5[%add3A_103, %dma_start3A_106] : memref<128x10240xf32, #tpu.memory_space<hbm>> -> memref<1x10240xf32, #tpu.memory_space<hbm>>
      %dma_start3A_108 = tpu.memref_squeeze %dma_start3A_107 : memref<1x10240xf32, #tpu.memory_space<hbm>> -> memref<10240xf32, #tpu.memory_space<hbm>>
      %dma_start3A_109 = arith.constant 0 : i32
      %dma_start3A_110 = tpu.memref_slice %arg5[%add3A_103, %dma_start3A_109] : memref<128x10240xf32, #tpu.memory_space<hbm>> -> memref<1x10240xf32, #tpu.memory_space<hbm>>
      %dma_start3A_111 = tpu.memref_squeeze %dma_start3A_110 : memref<1x10240xf32, #tpu.memory_space<hbm>> -> memref<10240xf32, #tpu.memory_space<hbm>>
      tpu.enqueue_dma source(%arg12 : memref<10240xf32, #tpu.memory_space<vmem>>) target(%dma_start3A_111 : memref<10240xf32, #tpu.memory_space<hbm>>) target_semaphore(%run_scoped3A : memref<!tpu.dma_semaphore, #tpu.memory_space<semaphore_mem>>)
      %dma_wait3A_112 = arith.constant 0 : i32
      %dma_wait3A_113 = tpu.memref_slice %arg5[%add3A_103, %dma_wait3A_112] : memref<128x10240xf32, #tpu.memory_space<hbm>> -> memref<1x10240xf32, #tpu.memory_space<hbm>>
      %dma_wait3A_114 = tpu.memref_squeeze %dma_wait3A_113 : memref<1x10240xf32, #tpu.memory_space<hbm>> -> memref<10240xf32, #tpu.memory_space<hbm>>
      %dma_wait3A_115 = arith.constant 0 : i32
      %dma_wait3A_116 = tpu.memref_slice %arg5[%add3A_103, %dma_wait3A_115] : memref<128x10240xf32, #tpu.memory_space<hbm>> -> memref<1x10240xf32, #tpu.memory_space<hbm>>
      %dma_wait3A_117 = tpu.memref_squeeze %dma_wait3A_116 : memref<1x10240xf32, #tpu.memory_space<hbm>> -> memref<10240xf32, #tpu.memory_space<hbm>>
      tpu.wait_dma2 semaphore(%run_scoped3A : memref<!tpu.dma_semaphore, #tpu.memory_space<semaphore_mem>>) src(%arg12 : memref<10240xf32, #tpu.memory_space<vmem>>) dst(%dma_wait3A_117 : memref<10240xf32, #tpu.memory_space<hbm>>)
      tpu.yield
    }) : () -> ()
    %add3A_104 = arith.constant 3 : i32
    %add3A_105 = arith.addi %mul3A_2, %add3A_104 : i32
    "tpu.region"() ({
      %run_scoped3A = tpu.sem_alloc : memref<!tpu.dma_semaphore, #tpu.memory_space<semaphore_mem>>
      %dma_start3A_106 = arith.constant 0 : i32
      %dma_start3A_107 = tpu.memref_slice %arg5[%add3A_105, %dma_start3A_106] : memref<128x10240xf32, #tpu.memory_space<hbm>> -> memref<1x10240xf32, #tpu.memory_space<hbm>>
      %dma_start3A_108 = tpu.memref_squeeze %dma_start3A_107 : memref<1x10240xf32, #tpu.memory_space<hbm>> -> memref<10240xf32, #tpu.memory_space<hbm>>
      %dma_start3A_109 = arith.constant 0 : i32
      %dma_start3A_110 = tpu.memref_slice %arg5[%add3A_105, %dma_start3A_109] : memref<128x10240xf32, #tpu.memory_space<hbm>> -> memref<1x10240xf32, #tpu.memory_space<hbm>>
      %dma_start3A_111 = tpu.memref_squeeze %dma_start3A_110 : memref<1x10240xf32, #tpu.memory_space<hbm>> -> memref<10240xf32, #tpu.memory_space<hbm>>
      tpu.enqueue_dma source(%arg13 : memref<10240xf32, #tpu.memory_space<vmem>>) target(%dma_start3A_111 : memref<10240xf32, #tpu.memory_space<hbm>>) target_semaphore(%run_scoped3A : memref<!tpu.dma_semaphore, #tpu.memory_space<semaphore_mem>>)
      %dma_wait3A_112 = arith.constant 0 : i32
      %dma_wait3A_113 = tpu.memref_slice %arg5[%add3A_105, %dma_wait3A_112] : memref<128x10240xf32, #tpu.memory_space<hbm>> -> memref<1x10240xf32, #tpu.memory_space<hbm>>
      %dma_wait3A_114 = tpu.memref_squeeze %dma_wait3A_113 : memref<1x10240xf32, #tpu.memory_space<hbm>> -> memref<10240xf32, #tpu.memory_space<hbm>>
      %dma_wait3A_115 = arith.constant 0 : i32
      %dma_wait3A_116 = tpu.memref_slice %arg5[%add3A_105, %dma_wait3A_115] : memref<128x10240xf32, #tpu.memory_space<hbm>> -> memref<1x10240xf32, #tpu.memory_space<hbm>>
      %dma_wait3A_117 = tpu.memref_squeeze %dma_wait3A_116 : memref<1x10240xf32, #tpu.memory_space<hbm>> -> memref<10240xf32, #tpu.memory_space<hbm>>
      tpu.wait_dma2 semaphore(%run_scoped3A : memref<!tpu.dma_semaphore, #tpu.memory_space<semaphore_mem>>) src(%arg13 : memref<10240xf32, #tpu.memory_space<vmem>>) dst(%dma_wait3A_117 : memref<10240xf32, #tpu.memory_space<hbm>>)
      tpu.yield
    }) : () -> ()
    return
  }
}

module attributes {stable_mosaic.version = 14 : i64} {
  func.func @_tc_g1_body(%arg0: i32, %arg1: memref<32x1024xf32, #tpu.memory_space<vmem>>, %arg2: memref<1024x128xf32, #tpu.memory_space<vmem>>, %arg3: memref<128x128xf32, #tpu.memory_space<vmem>>, %arg4: memref<128x1024xf32, #tpu.memory_space<vmem>>) attributes {dimension_semantics = [#tpu.dimension_semantics<arbitrary>], iteration_bounds = array<i64: 10>, scalar_prefetch = 0 : i64, scratch_operands = 0 : i64, tpu.core_type = #tpu.core_type<tc>, window_params = [{transform_indices = @transform_0, window_bounds = array<i64: 32, 1024>}, {transform_indices = @transform_1, window_bounds = array<i64: 1024, 128>}, {pipeline_mode = #tpu.pipeline_mode<synchronous>, transform_indices = @transform_2, window_bounds = array<i64: 128, 128>}, {transform_indices = @transform_3, window_bounds = array<i64: 128, 1024>}]} {
    %get3A = arith.constant 0 : index
    %get3A_0 = arith.constant 0 : index
    %get3A_1 = vector.load %arg1[%get3A, %get3A_0] : memref<32x1024xf32, #tpu.memory_space<vmem>>, vector<32x1024xf32>
    %reduce_sum3A = arith.constant dense<0.000000e+00> : vector<1024xf32>
    %reduce_sum3A_2 = vector.multi_reduction <add>, %get3A_1, %reduce_sum3A [0] : vector<32x1024xf32> to vector<1024xf32>
    %add3A = arith.constant 1.000000e+00 : f32
    %add3A_3 = vector.broadcast %add3A : f32 to vector<1024xf32>
    %add3A_4 = arith.addf %reduce_sum3A_2, %add3A_3 : vector<1024xf32>
    %gt3A = arith.constant 0.000000e+00 : f32
    %gt3A_5 = vector.broadcast %gt3A : f32 to vector<1024xf32>
    %gt3A_6 = arith.cmpf ogt, %add3A_4, %gt3A_5 : vector<1024xf32>
    %max3A = arith.constant 9.99999996E-13 : f32
    %max3A_7 = vector.broadcast %max3A : f32 to vector<1024xf32>
    %max3A_8 = arith.maximumf %add3A_4, %max3A_7 : vector<1024xf32>
    %rsqrt3A = math.rsqrt %max3A_8 : vector<1024xf32>
    %jit3A = arith.constant 0.000000e+00 : f32
    %broadcast_in_dim3A = vector.broadcast %jit3A : f32 to vector<1024xf32>
    %select_n3A = arith.select %gt3A_6, %rsqrt3A, %broadcast_in_dim3A : vector<1024xi1>, vector<1024xf32>
    %get3A_9 = arith.constant 0 : index
    %get3A_10 = arith.constant 0 : index
    %get3A_11 = vector.load %arg3[%get3A_9, %get3A_10] : memref<128x128xf32, #tpu.memory_space<vmem>>, vector<128x128xf32>
    %get3A_12 = arith.constant 0 : index
    %get3A_13 = arith.constant 0 : index
    %get3A_14 = vector.load %arg2[%get3A_12, %get3A_13] : memref<1024x128xf32, #tpu.memory_space<vmem>>, vector<1024x128xf32>
    %dot_general3A = arith.constant dense<0.000000e+00> : vector<128x1024xf32>
    %dot_general3A_15 = tpu.matmul %get3A_11, %get3A_14, %dot_general3A {dimension_numbers = #tpu.dot_dimension_numbers<[0], [1], [1], [0], [0, 1, 1, 0], [], []>, precision = #tpu.contract_precision<fp32>, transpose_lhs_hint = false} : vector<128x128xf32>, vector<1024x128xf32>, vector<128x1024xf32> -> vector<128x1024xf32>
    %broadcast_in_dim3A_16 = vector.shape_cast %select_n3A : vector<1024xf32> to vector<1x1024xf32>
    %mul3A = vector.broadcast %broadcast_in_dim3A_16 : vector<1x1024xf32> to vector<128x1024xf32>
    %mul3A_17 = arith.mulf %dot_general3A_15, %mul3A : vector<128x1024xf32>
    %swap3A = arith.constant 0 : index
    %swap3A_18 = arith.constant 0 : index
    %swap3A_19 = vector.load %arg4[%swap3A, %swap3A_18] : memref<128x1024xf32, #tpu.memory_space<vmem>>, vector<128x1024xf32>
    tpu.vector_store %arg4[%swap3A, %swap3A_18], %mul3A_17 {strides = array<i32>} : memref<128x1024xf32, #tpu.memory_space<vmem>>, vector<128x1024xf32>,
    return
  }
  func.func @transform_0(%arg0: i32) -> (i32, i32) {
    %c0_i32 = arith.constant 0 : i32
    %c0_i32_0 = arith.constant 0 : i32
    return %c0_i32, %arg0 : i32, i32
  }
  func.func @transform_1(%arg0: i32) -> (i32, i32) {
    %c0_i32 = arith.constant 0 : i32
    %c0_i32_0 = arith.constant 0 : i32
    return %arg0, %c0_i32 : i32, i32
  }
  func.func @transform_2(%arg0: i32) -> (i32, i32) {
    %c0_i32 = arith.constant 0 : i32
    %c0_i32_0 = arith.constant 0 : i32
    %c0_i32_1 = arith.constant 0 : i32
    return %c0_i32, %c0_i32_0 : i32, i32
  }
  func.func @transform_3(%arg0: i32) -> (i32, i32) {
    %c0_i32 = arith.constant 0 : i32
    %c0_i32_0 = arith.constant 0 : i32
    return %c0_i32, %arg0 : i32, i32
  }
}

module attributes {stable_mosaic.version = 14 : i64} {
  func.func @_tc_g2_body(%arg0: i32, %arg1: memref<32x1024xf32, #tpu.memory_space<vmem>>, %arg2: memref<128x1024xf32, #tpu.memory_space<vmem>>, %arg3: memref<128x1024xf32, #tpu.memory_space<vmem>>, %arg4: memref<128x1xf32, #tpu.memory_space<vmem>>, %arg5: memref<128x128xf32, #tpu.memory_space<vmem>>, %arg6: memref<128x1024xf32, #tpu.memory_space<vmem>>) attributes {dimension_semantics = [#tpu.dimension_semantics<arbitrary>], iteration_bounds = array<i64: 10>, scalar_prefetch = 0 : i64, scratch_operands = 0 : i64, tpu.core_type = #tpu.core_type<tc>, window_params = [{transform_indices = @transform_0, window_bounds = array<i64: 32, 1024>}, {transform_indices = @transform_1, window_bounds = array<i64: 128, 1024>}, {transform_indices = @transform_2, window_bounds = array<i64: 128, 1024>}, {pipeline_mode = #tpu.pipeline_mode<synchronous>, transform_indices = @transform_3, window_bounds = array<i64: 128, 1>}, {pipeline_mode = #tpu.pipeline_mode<synchronous>, transform_indices = @transform_4, window_bounds = array<i64: 128, 128>}, {transform_indices = @transform_5, window_bounds = array<i64: 128, 1024>}]} {
    %get3A = arith.constant 0 : index
    %get3A_0 = arith.constant 0 : index
    %get3A_1 = vector.load %arg1[%get3A, %get3A_0] : memref<32x1024xf32, #tpu.memory_space<vmem>>, vector<32x1024xf32>
    %reduce_sum3A = arith.constant dense<0.000000e+00> : vector<1024xf32>
    %reduce_sum3A_2 = vector.multi_reduction <add>, %get3A_1, %reduce_sum3A [0] : vector<32x1024xf32> to vector<1024xf32>
    %add3A = arith.constant 1.000000e+00 : f32
    %add3A_3 = vector.broadcast %add3A : f32 to vector<1024xf32>
    %add3A_4 = arith.addf %reduce_sum3A_2, %add3A_3 : vector<1024xf32>
    %gt3A = arith.constant 0.000000e+00 : f32
    %gt3A_5 = vector.broadcast %gt3A : f32 to vector<1024xf32>
    %gt3A_6 = arith.cmpf ogt, %add3A_4, %gt3A_5 : vector<1024xf32>
    %max3A = arith.constant 9.99999996E-13 : f32
    %max3A_7 = vector.broadcast %max3A : f32 to vector<1024xf32>
    %max3A_8 = arith.maximumf %add3A_4, %max3A_7 : vector<1024xf32>
    %rsqrt3A = math.rsqrt %max3A_8 : vector<1024xf32>
    %jit3A = arith.constant 0.000000e+00 : f32
    %broadcast_in_dim3A = vector.broadcast %jit3A : f32 to vector<1024xf32>
    %select_n3A = arith.select %gt3A_6, %rsqrt3A, %broadcast_in_dim3A : vector<1024xi1>, vector<1024xf32>
    %get3A_9 = arith.constant 0 : index
    %get3A_10 = arith.constant 0 : index
    %get3A_11 = vector.load %arg2[%get3A_9, %get3A_10] : memref<128x1024xf32, #tpu.memory_space<vmem>>, vector<128x1024xf32>
    %get3A_12 = arith.constant 0 : index
    %get3A_13 = arith.constant 0 : index
    %get3A_14 = vector.load %arg3[%get3A_12, %get3A_13] : memref<128x1024xf32, #tpu.memory_space<vmem>>, vector<128x1024xf32>
    %add3A_15 = arith.addf %get3A_11, %get3A_14 : vector<128x1024xf32>
    %broadcast_in_dim3A_16 = vector.shape_cast %select_n3A : vector<1024xf32> to vector<1x1024xf32>
    %mul3A = vector.broadcast %broadcast_in_dim3A_16 : vector<1x1024xf32> to vector<128x1024xf32>
    %mul3A_17 = arith.mulf %add3A_15, %mul3A : vector<128x1024xf32>
    %get3A_18 = arith.constant 0 : index
    %get3A_19 = arith.constant 0 : index
    %get3A_20 = vector.load %arg4[%get3A_18, %get3A_19] : memref<128x1xf32, #tpu.memory_space<vmem>>, vector<128x1xf32>
    %add3A_21 = vector.broadcast %get3A_20 : vector<128x1xf32> to vector<128x1024xf32>
    %add3A_22 = arith.addf %mul3A_17, %add3A_21 : vector<128x1024xf32>
    %max3A_23 = arith.constant 0.000000e+00 : f32
    %max3A_24 = vector.broadcast %max3A_23 : f32 to vector<128x1024xf32>
    %max3A_25 = arith.maximumf %add3A_22, %max3A_24 : vector<128x1024xf32>
    %get3A_26 = arith.constant 0 : index
    %get3A_27 = arith.constant 0 : index
    %get3A_28 = vector.load %arg5[%get3A_26, %get3A_27] : memref<128x128xf32, #tpu.memory_space<vmem>>, vector<128x128xf32>
    %dot_general3A = arith.constant dense<0.000000e+00> : vector<128x1024xf32>
    %dot_general3A_29 = tpu.matmul %get3A_28, %max3A_25, %dot_general3A {dimension_numbers = #tpu.dot_dimension_numbers<[0], [0], [1], [1], [0, 1, 1, 1], [], []>, precision = #tpu.contract_precision<fp32>, transpose_lhs_hint = false} : vector<128x128xf32>, vector<128x1024xf32>, vector<128x1024xf32> -> vector<128x1024xf32>
    %broadcast_in_dim3A_30 = vector.shape_cast %select_n3A : vector<1024xf32> to vector<1x1024xf32>
    %mul3A_31 = vector.broadcast %broadcast_in_dim3A_30 : vector<1x1024xf32> to vector<128x1024xf32>
    %mul3A_32 = arith.mulf %dot_general3A_29, %mul3A_31 : vector<128x1024xf32>
    %swap3A = arith.constant 0 : index
    %swap3A_33 = arith.constant 0 : index
    %swap3A_34 = vector.load %arg6[%swap3A, %swap3A_33] : memref<128x1024xf32, #tpu.memory_space<vmem>>, vector<128x1024xf32>
    tpu.vector_store %arg6[%swap3A, %swap3A_33], %mul3A_32 {strides = array<i32>} : memref<128x1024xf32, #tpu.memory_space<vmem>>, vector<128x1024xf32>,
    return
  }
  func.func @transform_0(%arg0: i32) -> (i32, i32) {
    %c0_i32 = arith.constant 0 : i32
    %c0_i32_0 = arith.constant 0 : i32
    return %c0_i32, %arg0 : i32, i32
  }
  func.func @transform_1(%arg0: i32) -> (i32, i32) {
    %c0_i32 = arith.constant 0 : i32
    %c0_i32_0 = arith.constant 0 : i32
    return %c0_i32, %arg0 : i32, i32
  }
  func.func @transform_2(%arg0: i32) -> (i32, i32) {
    %c0_i32 = arith.constant 0 : i32
    %c0_i32_0 = arith.constant 0 : i32
    return %c0_i32, %arg0 : i32, i32
  }
  func.func @transform_3(%arg0: i32) -> (i32, i32) {
    %c0_i32 = arith.constant 0 : i32
    %c0_i32_0 = arith.constant 0 : i32
    %c0_i32_1 = arith.constant 0 : i32
    return %c0_i32, %c0_i32_0 : i32, i32
  }
  func.func @transform_4(%arg0: i32) -> (i32, i32) {
    %c0_i32 = arith.constant 0 : i32
    %c0_i32_0 = arith.constant 0 : i32
    %c0_i32_1 = arith.constant 0 : i32
    return %c0_i32, %c0_i32_0 : i32, i32
  }
  func.func @transform_5(%arg0: i32) -> (i32, i32) {
    %c0_i32 = arith.constant 0 : i32
    %c0_i32_0 = arith.constant 0 : i32
    return %c0_i32, %arg0 : i32, i32
  }
}

module attributes {stable_mosaic.version = 14 : i64} {
  func.func @_tc_out_body(%arg0: i32, %arg1: memref<32x1024xf32, #tpu.memory_space<vmem>>, %arg2: memref<128x1024xf32, #tpu.memory_space<vmem>>, %arg3: memref<128x1024xf32, #tpu.memory_space<vmem>>, %arg4: memref<128x1xf32, #tpu.memory_space<vmem>>, %arg5: memref<128x1024xf32, #tpu.memory_space<vmem>>) attributes {dimension_semantics = [#tpu.dimension_semantics<arbitrary>], iteration_bounds = array<i64: 10>, scalar_prefetch = 0 : i64, scratch_operands = 0 : i64, tpu.core_type = #tpu.core_type<tc>, window_params = [{transform_indices = @transform_0, window_bounds = array<i64: 32, 1024>}, {transform_indices = @transform_1, window_bounds = array<i64: 128, 1024>}, {transform_indices = @transform_2, window_bounds = array<i64: 128, 1024>}, {pipeline_mode = #tpu.pipeline_mode<synchronous>, transform_indices = @transform_3, window_bounds = array<i64: 128, 1>}, {transform_indices = @transform_4, window_bounds = array<i64: 128, 1024>}]} {
    %get3A = arith.constant 0 : index
    %get3A_0 = arith.constant 0 : index
    %get3A_1 = vector.load %arg1[%get3A, %get3A_0] : memref<32x1024xf32, #tpu.memory_space<vmem>>, vector<32x1024xf32>
    %reduce_sum3A = arith.constant dense<0.000000e+00> : vector<1024xf32>
    %reduce_sum3A_2 = vector.multi_reduction <add>, %get3A_1, %reduce_sum3A [0] : vector<32x1024xf32> to vector<1024xf32>
    %add3A = arith.constant 1.000000e+00 : f32
    %add3A_3 = vector.broadcast %add3A : f32 to vector<1024xf32>
    %add3A_4 = arith.addf %reduce_sum3A_2, %add3A_3 : vector<1024xf32>
    %gt3A = arith.constant 0.000000e+00 : f32
    %gt3A_5 = vector.broadcast %gt3A : f32 to vector<1024xf32>
    %gt3A_6 = arith.cmpf ogt, %add3A_4, %gt3A_5 : vector<1024xf32>
    %max3A = arith.constant 9.99999996E-13 : f32
    %max3A_7 = vector.broadcast %max3A : f32 to vector<1024xf32>
    %max3A_8 = arith.maximumf %add3A_4, %max3A_7 : vector<1024xf32>
    %rsqrt3A = math.rsqrt %max3A_8 : vector<1024xf32>
    %jit3A = arith.constant 0.000000e+00 : f32
    %broadcast_in_dim3A = vector.broadcast %jit3A : f32 to vector<1024xf32>
    %select_n3A = arith.select %gt3A_6, %rsqrt3A, %broadcast_in_dim3A : vector<1024xi1>, vector<1024xf32>
    %get3A_9 = arith.constant 0 : index
    %get3A_10 = arith.constant 0 : index
    %get3A_11 = vector.load %arg2[%get3A_9, %get3A_10] : memref<128x1024xf32, #tpu.memory_space<vmem>>, vector<128x1024xf32>
    %get3A_12 = arith.constant 0 : index
    %get3A_13 = arith.constant 0 : index
    %get3A_14 = vector.load %arg3[%get3A_12, %get3A_13] : memref<128x1024xf32, #tpu.memory_space<vmem>>, vector<128x1024xf32>
    %add3A_15 = arith.addf %get3A_11, %get3A_14 : vector<128x1024xf32>
    %broadcast_in_dim3A_16 = vector.shape_cast %select_n3A : vector<1024xf32> to vector<1x1024xf32>
    %mul3A = vector.broadcast %broadcast_in_dim3A_16 : vector<1x1024xf32> to vector<128x1024xf32>
    %mul3A_17 = arith.mulf %add3A_15, %mul3A : vector<128x1024xf32>
    %get3A_18 = arith.constant 0 : index
    %get3A_19 = arith.constant 0 : index
    %get3A_20 = vector.load %arg4[%get3A_18, %get3A_19] : memref<128x1xf32, #tpu.memory_space<vmem>>, vector<128x1xf32>
    %add3A_21 = vector.broadcast %get3A_20 : vector<128x1xf32> to vector<128x1024xf32>
    %add3A_22 = arith.addf %mul3A_17, %add3A_21 : vector<128x1024xf32>
    %swap3A = arith.constant 0 : index
    %swap3A_23 = arith.constant 0 : index
    %swap3A_24 = vector.load %arg5[%swap3A, %swap3A_23] : memref<128x1024xf32, #tpu.memory_space<vmem>>, vector<128x1024xf32>
    tpu.vector_store %arg5[%swap3A, %swap3A_23], %add3A_22 {strides = array<i32>} : memref<128x1024xf32, #tpu.memory_space<vmem>>, vector<128x1024xf32>,
    return
  }
  func.func @transform_0(%arg0: i32) -> (i32, i32) {
    %c0_i32 = arith.constant 0 : i32
    %c0_i32_0 = arith.constant 0 : i32
    return %c0_i32, %arg0 : i32, i32
  }
  func.func @transform_1(%arg0: i32) -> (i32, i32) {
    %c0_i32 = arith.constant 0 : i32
    %c0_i32_0 = arith.constant 0 : i32
    return %c0_i32, %arg0 : i32, i32
  }
  func.func @transform_2(%arg0: i32) -> (i32, i32) {
    %c0_i32 = arith.constant 0 : i32
    %c0_i32_0 = arith.constant 0 : i32
    return %c0_i32, %arg0 : i32, i32
  }
  func.func @transform_3(%arg0: i32) -> (i32, i32) {
    %c0_i32 = arith.constant 0 : i32
    %c0_i32_0 = arith.constant 0 : i32
    %c0_i32_1 = arith.constant 0 : i32
    return %c0_i32, %c0_i32_0 : i32, i32
  }
  func.func @transform_4(%arg0: i32) -> (i32, i32) {
    %c0_i32 = arith.constant 0 : i32
    %c0_i32_0 = arith.constant 0 : i32
    return %c0_i32, %arg0 : i32, i32
  }
}

</mosaic_0001>

<sc_bundles>
// kernel: kernel.11.cloned.1.call-start
scs
__scs_entry_jumppad:
0x0: {  	(pc) =	sbr.rel $0x88, $3  }
0x1: {  	(tag) =	ssettag $0x0;
	lr =	simm.s32 $0x1  }
0x2: {  	[smem:$0x3F9A] =	sst lr;
	_ =	strace $0xD0000000  }
0x3: {  	_ = 	snop  }
0x4: {  	_ = 	snop  }
0x5: {  	_ = 	snop  }
0x6: {  	_ = 	snop  }
0x7: {  	_ = 	snop  }
__scs_overlays_trampoline_lowered:
0x8: {  	[smem:$0x3FA9] =	sst s0  }
0x9: {  	[smem:$0x3FAA] =	sst s1  }
0xa: {  	[smem:$0x3FAB] =	sst s2  }
0xb: {  	[smem:$0x3FAC] =	sst s3  }
0xc: {  	[smem:$0x3FAD] =	sst s4  }
0xd: {  	[smem:$0x3FAE] =	sst s5  }
0xe: {  	[smem:$0x3FAF] =	sst s6  }
0xf: {  	[smem:$0x3FB0] =	sst s7  }
0x10: {  	[smem:$0x3FB1] =	sst s8  }
0x11: {  	[smem:$0x3FB2] =	sst s9;
	s0 =	simm.s32 @!p0 $0x0  }
0x12: {  	s1 =	sld [smem:$0x3F98];
	s0 =	simm.s32 @p0 $0x1  }
0x13: {  	[smem:$0x3FB3] =	sst s0;
	s0 =	simm.s32 @!p1 $0x0  }
0x14: {  	s2 =	sld [smem:$0x3F97];
	s0 =	simm.s32 @p1 $0x1  }
0x15: {  	[smem:$0x3FB4] =	sst s0;
	s0 =	simm.s32 @!p2 $0x0  }
0x16: {  	s3 =	sld [smem:$0x3FDB];
	s0 =	simm.s32 @p2 $0x1  }
0x17: {  	s4 =	simm.s32 $0x1BF5;
	[smem:$0x3FB6] =	sst s0  }
0x18: {  	s0 =	sld [smem:$0x3F99];
	_ =	swait.ge [sflag:s4], $0x0  }
0x19: {  	s7 =	sld [smem:$0x3F9A]  }
0x1a: {  	s8 =	sadd.s32 $0xFFFFE003, lr  }
0x1b: {  	s9 =	sadd.s32 $0xFFFFFEF7, lr;
	s5 =	simm.s32 $0xFFFFFFFF;
	p2 =	slt.u32 s8, $0xFFFFF086  }
0x1c: {  	p1 =	slt.u32 s9, $0xF7A;
	s5 =	simm.s32 @!p2 $0x0  }
0x1d: {  	s5 =	simm.s32 @p1 $0x1;
	p0 =	seq.s32 s7, s2  }
0x1e: {  	s7 =	smul.u32 @!p0 $0xF7A, s2;
	p2 =	seq.s32 @!p0 s5, $0x0  }
0x1f: {  	s9 =	smul.u32 $0xF7A, s1;
	s8 =	simm.s32 @!p0 $0x1BF5;
	p2 =	por !p2, p0  }
0x20: {  	[sflag:s8] =	ssyncset.s32 @!p0 $0xFFFFF086;
	s6 =	sadd.s32 @!p0 s3, s7;
	s7 =	simm.s32 @!p0 $0x108  }
0x21: {  	s3 =	sadd.s32 s3, s9;
	s6 =	sadd.s32 @!p0 $0x88, s6;
	s7 =	simm.s32 @p2 $0x1082  }
0x22: {  	[simem:s7], [sflag:s8] =	dma.local @!p0 [hbm:s6], $0xF7A  }
0x23: {  	s9 =	sor.u32 $0xD0000000, s2;
	s6 =	simm.s32 $0x108;
	_ =	swait.ge @!p0 [sflag:s8], $0x0  }
0x24: {  	s3 =	sadd.s32 $0x88, s3;
	s6 =	simm.s32 @!p1 $0x1082;
	[sflag:s4] =	ssyncset.s32 $0xFFFFF086  }
0x25: {  	[simem:s6], [sflag:s4] =	dma.local [hbm:s3], $0xF7A  }
0x26: {  	[smem:$0x3F9A] =	sst s1;
	(tag) =	ssettag s2;
	_ =	strace s9  }
0x27: {  	s1 =	sld [smem:$0x3FAA]  }
0x28: {  	s2 =	sld [smem:$0x3FAB]  }
0x29: {  	s4 =	sld [smem:$0x3FAD]  }
0x2a: {  	p0 =	seq.s32 s5, $0x0;
	s5 =	sld [smem:$0x3FAE]  }
0x2b: {  	s6 =	sld [smem:$0x3FAF]  }
0x2c: {  	s7 =	sld [smem:$0x3FB0]  }
0x2d: {  	s3 =	simm.s32 $0x108;
	s8 =	sld [smem:$0x3FB1]  }
0x2e: {  	s3 =	simm.s32 @!p0 $0x1082;
	s9 =	sld [smem:$0x3FB2]  }
0x2f: {  	lr =	sadd.s32 s0, s3;
	s0 =	sld [smem:$0x3FA9]  }
0x30: {  	s3 =	sld [smem:$0x3FAC]  }
0x31: {  	[smem:$0x3FB5] =	sst s10  }
0x32: {  	s10 =	sld [smem:$0x3FB3];
	_ =	sdelay $0x3  }
0x33: {  	p0 =	seq.s32 s10, $0x1;
	s10 =	sld [smem:$0x3FB5];
	_ =	sdelay $0x3  }
0x34: {  	[smem:$0x3FB5] =	sst s10  }
0x35: {  	s10 =	sld [smem:$0x3FB4];
	_ =	sdelay $0x3  }
0x36: {  	p1 =	seq.s32 s10, $0x1;
	s10 =	sld [smem:$0x3FB5];
	_ =	sdelay $0x3  }
0x37: {  	[smem:$0x3FB5] =	sst s10  }
0x38: {  	s10 =	sld [smem:$0x3FB6]  }
0x39: {  	_ = 	snop;
	(pc) =	sbr.ind lr, $3  }
0x3a: {  	_ = 	snop  }
0x3b: {  	_ = 	snop  }
0x3c: {  	p2 =	seq.s32 s10, $0x1;
	s10 =	sld [smem:$0x3FB5]  }
0x3d: {  	_ =	shalt  }
0x3e: {  	_ =	shalt  }
0x3f: {  	_ =	shalt  }
0x40: {  	_ =	shalt  }
0x41: {  	_ =	shalt  }
0x42: {  	_ =	shalt  }
0x43: {  	_ =	shalt  }
0x44: {  	_ =	shalt  }
0x45: {  	_ =	shalt  }
0x46: {  	_ =	shalt  }
0x47: {  	_ =	shalt  }
0x48: {  	_ =	shalt  }
0x49: {  	_ =	shalt  }
0x4a: {  	_ =	shalt  }
0x4b: {  	_ =	shalt  }
0x4c: {  	_ =	shalt  }
0x4d: {  	_ =	shalt  }
0x4e: {  	_ =	shalt  }
0x4f: {  	_ =	shalt  }
0x50: {  	_ =	shalt  }
0x51: {  	_ =	shalt  }
0x52: {  	_ =	shalt  }
0x53: {  	_ =	shalt  }
0x54: {  	_ =	shalt  }
0x55: {  	_ =	shalt  }
0x56: {  	_ =	shalt  }
0x57: {  	_ =	shalt  }
0x58: {  	_ =	shalt  }
0x59: {  	_ =	shalt  }
0x5a: {  	_ =	shalt  }
0x5b: {  	_ =	shalt  }
0x5c: {  	_ =	shalt  }
0x5d: {  	_ =	shalt  }
0x5e: {  	_ =	shalt  }
0x5f: {  	_ =	shalt  }
0x60: {  	_ =	shalt  }
0x61: {  	_ =	shalt  }
0x62: {  	_ =	shalt  }
0x63: {  	_ =	shalt  }
0x64: {  	_ =	shalt  }
0x65: {  	_ =	shalt  }
0x66: {  	_ =	shalt  }
0x67: {  	_ =	shalt  }
0x68: {  	_ =	shalt  }
0x69: {  	_ =	shalt  }
0x6a: {  	_ =	shalt  }
0x6b: {  	_ =	shalt  }
0x6c: {  	_ =	shalt  }
0x6d: {  	_ =	shalt  }
0x6e: {  	_ =	shalt  }
0x6f: {  	_ =	shalt  }
0x70: {  	_ =	shalt  }
0x71: {  	_ =	shalt  }
0x72: {  	_ =	shalt  }
0x73: {  	_ =	shalt  }
0x74: {  	_ =	shalt  }
0x75: {  	_ =	shalt  }
0x76: {  	_ =	shalt  }
0x77: {  	_ =	shalt  }
0x78: {  	_ =	shalt  }
0x79: {  	_ =	shalt  }
0x7a: {  	_ =	shalt  }
0x7b: {  	_ =	shalt  }
0x7c: {  	_ =	shalt  }
0x7d: {  	_ =	shalt  }
0x7e: {  	_ =	shalt  }
0x7f: {  	_ =	shalt  }
0x80: {  	_ =	shalt  }
0x81: {  	_ =	shalt  }
0x82: {  	_ =	shalt  }
0x83: {  	_ =	shalt  }
0x84: {  	_ =	shalt  }
0x85: {  	_ =	shalt  }
0x86: {  	_ =	shalt  }
0x87: {  	_ =	shalt  }
.Lfunc_end0:
.L_simem_size_0:
called_computation.1_lowered:
.L_overlay_start_0:
0x88: {  	s2 =	sld [smem:$0x3FD9]  }
0x89: {  	s3 =	sld [smem:$0x3FFE];
	_ =	sdelay $0x1  }
0x8a: {  	s1 =	srdreg.scid  }
0x8b: {  	s0 =	sand.u32 $0x1, s1  }
0x8c: {  	s16 =	sshll.u32 s0, $0xA;
	s2 =	sadd.s32 s3, s2  }
0x8d: {  	s2 =	sadd.s32 s2, s16  }
0x8e: {  	[smem:$0x3FC1] =	sst s2  }
0x8f: {  	_ = 	snop  }
0x90: {  	(tm) =	ssettm $0x1  }
0x91: {  	s17 =	sld [smem:$0x3FFB];
	_ =	sdelay $0x3  }
0x92: {  	_ =	strace s17  }
0x93: {  	s2 =	sld [smem:$0x3FFC];
	_ =	sdelay $0x3  }
0x94: {  	_ =	strace s2  }
0x95: {  	s2 =	sld [smem:$0x3FFD];
	_ =	sdelay $0x3  }
0x96: {  	_ =	strace s2  }
0x97: {  	_ =	strace $0x8FFFFFFF  }
0x98: {  	s18 =	sld [smem:$0x3FDB];
	_ =	sdelay $0x1  }
0x99: {  	s19 =	simm.s32 $_scs_section_size  }
0x9a: {  	s4 =	simm.s32 $_size__tile_overlayer_lowered;
	s5 =	simm.s32 $_tile_overlayer_lowered  }
0x9b: {  	s22 =	simm.s32 $0x1BFF;
	s21 =	sshll.u32 s5, $0x1;
	s2 =	sadd.s32 s19, s18  }
0x9c: {  	s6 =	simm.s32 $0x0;
	s20 =	sshll.u32 s4, $0x1;
	s4 =	sadd.s32 s21, s2  }
0x9d: {  	[timem:s6], [sflag:s22] =	dma.local [hbm:s4], s20  }
0x9e: {  	_ =	swait.ge [sflag:s22], s20  }
0x9f: {  	s3 =	ssub.s32 $0x0, s20;
	[sflag:s22] =	ssyncset.done $0x0  }
0xa0: {  	[sflag:s22] =	ssyncadd.s32 s3;
	_ =	sdelay $0x1  }
0xa1: {  	s23 =	simm.s32 $0x1B8B  }
0xa2: {  	_ =	swait.ge [sflag:s23], $0x1  }
0xa3: {  	[sflag:s23] =	ssyncset.done $0x0  }
0xa4: {  	s25 =	simm.s32 $0x1B8E;
	s24 =	sld [smem:$0x3FFE];
	[sflag:s23] =	ssyncadd.s32 $0xFFFFFFFF  }
0xa5: {  	s26 =	simm.s32 $execute0_lowered;
	[smem:$0x3FD2] =	sst s25  }
0xa6: {  	s4 =	sshll.u32 s26, $0x1;
	_ =	strace $0x80000049;
	[dreg:$0x1] =	wrdreg $0xFFFFFFFF  }
0xa7: {  	s28 =	simm.s32 $_size_execute0_lowered;
	s2 =	sadd.s32 s2, s4;
	[dreg:$0x0] =	wrdreg $0x0  }
0xa8: {  	s4 =	sshll.u32 s28, $0x1;
	[dreg:$0x2] =	wrdreg s2  }
0xa9: {  	[dreg:$0x3] =	wrdreg s4  }
0xaa: {  	[dreg:$0x4] =	wrdreg $0xC0  }
0xab: {  	_ =	task [dreg:s6], $0x5FFFF  }
0xac: {  	[dreg:$0x1] =	wrdreg $0xFFFFFFFF  }
0xad: {  	[dreg:$0x0] =	wrdreg $0x60  }
0xae: {  	[dreg:$0x2] =	wrdreg s24  }
0xaf: {  	[dreg:$0x3] =	wrdreg $0x9  }
0xb0: {  	_ =	task.clear_ibuf [dreg:s6], $0x4FFFF;
	_ =	strace $0x90000049  }
0xb1: {  	s29 =	simm.s32 $0x9;
	_ =	strace $0x8000004B  }
0xb2: {  	_ =	swait.ge [sflag:s29], $0x1  }
0xb3: {  	[sflag:s29] =	ssyncadd.s32 $0xFFFFFFFF  }
0xb4: {  	_ =	strace $0x9000004B  }
0xb5: {  	_ =	sfence  }
0xb6: {  	s30 =	sld [smem:$0x0];
	_ =	sdelay $0x2  }
0xb7: {  	s31 =	sshll.u32 s1, $0xD;
	s1 =	sshrl.u32 s1, $0x2  }
0xb8: {  	s3 =	sand.u32 $0x4000, s31;
	s1 =	sadd.s32 s1, s30  }
0xb9: {  	s0 =	sor.u32 s3, s0;
	s1 =	sshll.u32 s1, $0x11  }
0xba: {  	s0 =	sor.u32 s1, s0  }
0xbb: {  	s0 =	sadd.s32 $0x8F2B, s0  }
0xbc: {  	[sflag:s0] =	ssyncadd.remote.s32 $0x1  }
0xbd: {  	_ =	sfence.sel $0xFFFF  }
0xbe: {  	[dreg:$0x0] =	wrdreg $0xFFFFFFFF;
	(pc) =	sbr.abs _section_cstart, $3  }
0xbf: {  	[dreg:$0x1] =	wrdreg $0xFFFFFFFF  }
0xc0: {  	_ =	task.clear_ibuf [dreg:s6], $0x2FFFF;
	_ =	strace $0x9FFFFFFF  }
0xc1: {  	(tm) =	ssettm $0x7FFFFFFF  }
tec
execute0_lowered:
.L_overlay_start_1:
0x0: {  	(tag) =	ssettag $0x1  }
0x1: {  	s0 =	rddreg [dreg:$0x0];
	s1 =	srdreg.scid  }
0x2: {  	s7 =	stileid.u32;
	s2 =	simm.s32 $0x0;
	s14 =	simm.s32 $0x80  }
0x3: {  	s15 =	simm.s32 $0x400;
	s16 =	simm.s32 $0x2800;
	s17 =	simm.s32 $0x5000  }
0x4: {  	s18 =	simm.s32 $0x7800;
	s19 =	simm.s32 $0x3;
	s22 =	simm.s32 $0x1  }
0x5: {  	s23 =	simm.s32 $0x14800;
	s28 =	simm.s32 $0xF000;
	s1 =	sand.u32 $0x1, s1  }
0x6: {  	s29 =	simm.s32 $0x11800;
	s4 =	sshll.u32 s7, $0x2;
	s3 =	sshll.u32 s1, $0x6  }
0x7: {  	s30 =	simm.s32 $0x2;
	s31 =	simm.s32 $0x4;
	s3 =	sor.u32 s4, s3  }
0x8: {  	[smem:$0x7FF] =	sst s2;
	s5 =	sadd.s32 $0x20600, s0;
	s3 =	sshrl.u32 s3, $0x3  }
0x9: {  	s24 =	sshll.u32 s7, $0x9;
	_ =	strace $0x8000004A;
	s6 =	smul.u32 $0x14000, s3  }
0xa: {  	s1 =	ssub.s32 $0x2, s1;
	s7 =	sand.u32 $0x200, s24;
	s24 =	simm.s32 $0x15800  }
0xb: {  	s4 =	sadd.s32 $0x16800, s0;
	s8 =	sshrl.u32 s1, $0x1;
	s6 =	sor.u32 s7, s6  }
0xc: {  	s1 =	ssub.s32 s1, s8;
	s3 =	sadd.s32 $0xCA00, s0;
	s6 =	sshrl.u32 s6, $0x3  }
0xd: {  	s0 =	sadd.s32 $0x48600, s0;
	s13 =	smax.u32 s1, $0x1;
	s25 =	sadd.s32 s5, s6  }
0xe: {  	s10 =	sor.u32 $0x10, s6;
	s11 =	sor.u32 $0x20, s6;
	s12 =	sor.u32 $0x30, s6  }
0xf: {  	s9 =	sadd.s32 s0, s6;
	[dreg:$0x2] =	wrdreg s25;
	s26 =	sadd.s32 s5, s10  }
0x10: {  	s7 =	sadd.s32 s5, s11;
	s8 =	sadd.s32 s5, s12;
	s10 =	sadd.s32 s0, s10  }
0x11: {  	s11 =	sadd.s32 s0, s11;
	s12 =	sadd.s32 s0, s12;
	s25 =	simm.s32 $0xA000  }
0x12: {  	v0 =	vimm.f32 $0.0e+00;
	s0 =	simm.s32 $0x0;
	[dreg:$0x3] =	wrdreg s26;
	s26 =	simm.s32 $0xC800  }
.LBB2_1:
0x13: {  	s1 =	rddreg [dreg:$0x2]  }
0x14: {  	[tilespmem:s2], [sflag:$0x3] =	stream.strided.gather [hbm4b:s1+s14], $0x2800, s15, s14, $0x38;
	[tilespmem:$0x16000] =	vst v63  }
0x15: {  	s21 =	rddreg [dreg:$0x3]  }
0x16: {  	[tilespmem:s16], [sflag:$0x3] =	stream.strided.gather [hbm4b:s21+s14], $0x2800, s15, s14, $0x38;
	[tilespmem:$0x16000] =	vst v63  }
0x17: {  	_ = 	snop  }
0x18: {  	[tilespmem:s17], [sflag:$0x3] =	stream.strided.gather [hbm4b:s7+s14], $0x2800, s15, s14, $0x38;
	[tilespmem:$0x16000] =	vst v63  }
0x19: {  	s1 =	simm.s32 $0xA040  }
0x1a: {  	[tilespmem:s18], [sflag:$0x3] =	stream.strided.gather [hbm4b:s8+s14], $0x2800, s15, s14, $0x38;
	[tilespmem:$0x16000] =	vst v63  }
0x1b: {  	[tilespmem:s1+$0xFFFFFFC0] =	vst v0  }
0x1c: {  	[tilespmem:s1+$0x30] =	vst v0  }
0x1d: {  	[tilespmem:s1+$0x20] =	vst v0  }
0x1e: {  	[tilespmem:s1+$0x10] =	vst v0  }
0x1f: {  	[tilespmem:s1+$0x0] =	vst v0  }
0x20: {  	[tilespmem:s1+$0xFFFFFFF0] =	vst v0  }
0x21: {  	s6 =	simm.s32 $0x0;
	[tilespmem:s1+$0xFFFFFFE0] =	vst v0  }
.LBB2_2:
0x22: {  	s6 =	sadd.s32 $0x8, s6;
	[tilespmem:s1+$0xFFFFFFD0] =	vst v0;
	s1 =	sadd.s32 $0x80, s1;
	s5 =	simm.s32 $0xC840  }
0x23: {  	[tilespmem:s1+$0xFFFFFFC0] =	vst v0;
	p0 =	slt.u32 s6, $0x278  }
0x24: {  	[tilespmem:s1+$0x30] =	vst v0  }
.Ltmp0:
0x25: {  	[tilespmem:s1+$0x20] =	vst v0;
	(pc) =	sbr.rel @p0 .LBB2_2-.Ltmp0, $4  }
0x26: {  	[tilespmem:s1+$0x10] =	vst v0  }
0x27: {  	[tilespmem:s1+$0x0] =	vst v0  }
0x28: {  	[tilespmem:s1+$0xFFFFFFF0] =	vst v0  }
0x29: {  	[tilespmem:s1+$0xFFFFFFE0] =	vst v0  }
0x2a: {  	[tilespmem:s1+$0xFFFFFFD0] =	vst v0  }
0x2b: {  	[tilespmem:s5+$0xFFFFFFC0] =	vst v0  }
0x2c: {  	[tilespmem:s5+$0x30] =	vst v0  }
0x2d: {  	[tilespmem:s5+$0x20] =	vst v0  }
0x2e: {  	[tilespmem:s5+$0x10] =	vst v0  }
0x2f: {  	[tilespmem:s5+$0x0] =	vst v0  }
0x30: {  	[tilespmem:s5+$0xFFFFFFF0] =	vst v0  }
0x31: {  	s6 =	simm.s32 $0x0;
	s1 =	simm.s32 $0xF040;
	[tilespmem:s5+$0xFFFFFFE0] =	vst v0  }
.LBB2_4:
0x32: {  	s6 =	sadd.s32 $0x8, s6;
	[tilespmem:s5+$0xFFFFFFD0] =	vst v0;
	s5 =	sadd.s32 $0x80, s5  }
0x33: {  	[tilespmem:s5+$0xFFFFFFC0] =	vst v0;
	p0 =	slt.u32 s6, $0x278  }
0x34: {  	[tilespmem:s5+$0x30] =	vst v0  }
.Ltmp1:
0x35: {  	[tilespmem:s5+$0x20] =	vst v0;
	(pc) =	sbr.rel @p0 .LBB2_4-.Ltmp1, $4  }
0x36: {  	[tilespmem:s5+$0x10] =	vst v0  }
0x37: {  	[tilespmem:s5+$0x0] =	vst v0  }
0x38: {  	[tilespmem:s5+$0xFFFFFFF0] =	vst v0  }
0x39: {  	[tilespmem:s5+$0xFFFFFFE0] =	vst v0  }
0x3a: {  	[tilespmem:s5+$0xFFFFFFD0] =	vst v0  }
0x3b: {  	[tilespmem:s1+$0xFFFFFFC0] =	vst v0  }
0x3c: {  	[tilespmem:s1+$0x30] =	vst v0  }
0x3d: {  	[tilespmem:s1+$0x20] =	vst v0  }
0x3e: {  	[tilespmem:s1+$0x10] =	vst v0  }
0x3f: {  	[tilespmem:s1+$0x0] =	vst v0  }
0x40: {  	[tilespmem:s1+$0xFFFFFFF0] =	vst v0  }
0x41: {  	s6 =	simm.s32 $0x0;
	[tilespmem:s1+$0xFFFFFFE0] =	vst v0  }
.LBB2_6:
0x42: {  	s6 =	sadd.s32 $0x8, s6;
	[tilespmem:s1+$0xFFFFFFD0] =	vst v0;
	s1 =	sadd.s32 $0x80, s1;
	s5 =	simm.s32 $0x11840  }
0x43: {  	[tilespmem:s1+$0xFFFFFFC0] =	vst v0;
	p0 =	slt.u32 s6, $0x278  }
0x44: {  	[tilespmem:s1+$0x30] =	vst v0  }
.Ltmp2:
0x45: {  	[tilespmem:s1+$0x20] =	vst v0;
	(pc) =	sbr.rel @p0 .LBB2_6-.Ltmp2, $4  }
0x46: {  	[tilespmem:s1+$0x10] =	vst v0  }
0x47: {  	[tilespmem:s1+$0x0] =	vst v0  }
0x48: {  	[tilespmem:s1+$0xFFFFFFF0] =	vst v0  }
0x49: {  	[tilespmem:s1+$0xFFFFFFE0] =	vst v0  }
0x4a: {  	[tilespmem:s1+$0xFFFFFFD0] =	vst v0  }
0x4b: {  	[tilespmem:s5+$0xFFFFFFC0] =	vst v0  }
0x4c: {  	[tilespmem:s5+$0x30] =	vst v0  }
0x4d: {  	[tilespmem:s5+$0x20] =	vst v0  }
0x4e: {  	[tilespmem:s5+$0x10] =	vst v0  }
0x4f: {  	[tilespmem:s5+$0x0] =	vst v0  }
0x50: {  	[tilespmem:s5+$0xFFFFFFF0] =	vst v0  }
0x51: {  	s1 =	simm.s32 $0x0;
	[tilespmem:s5+$0xFFFFFFE0] =	vst v0  }
.LBB2_8:
0x52: {  	s1 =	sadd.s32 $0x8, s1;
	[tilespmem:s5+$0xFFFFFFD0] =	vst v0;
	s5 =	sadd.s32 $0x80, s5  }
0x53: {  	[tilespmem:s5+$0xFFFFFFC0] =	vst v0;
	p0 =	slt.u32 s1, $0x278  }
0x54: {  	[tilespmem:s5+$0x30] =	vst v0  }
.Ltmp3:
0x55: {  	[tilespmem:s5+$0x20] =	vst v0;
	(pc) =	sbr.rel @p0 .LBB2_8-.Ltmp3, $4  }
0x56: {  	[tilespmem:s5+$0x10] =	vst v0  }
0x57: {  	[tilespmem:s5+$0x0] =	vst v0  }
0x58: {  	[tilespmem:s5+$0xFFFFFFF0] =	vst v0  }
0x59: {  	[tilespmem:s5+$0xFFFFFFE0] =	vst v0  }
0x5a: {  	[tilespmem:s5+$0xFFFFFFD0] =	vst v0  }
0x5b: {  	_ =	swait.ge [sflag:s19], $0x2800  }
0x5c: {  	[sflag:s19] =	ssyncset.done $0x0  }
0x5d: {  	[sflag:s19] =	ssyncadd.s32 $0xFFFFD800  }
0x5e: {  	_ =	swait.ge [sflag:s19], $0x2800  }
0x5f: {  	[sflag:s19] =	ssyncset.done $0x0  }
0x60: {  	[sflag:s19] =	ssyncadd.s32 $0xFFFFD800  }
0x61: {  	_ =	swait.ge [sflag:s19], $0x2800  }
0x62: {  	[sflag:s19] =	ssyncset.done $0x0  }
0x63: {  	[sflag:s19] =	ssyncadd.s32 $0xFFFFD800  }
0x64: {  	_ =	swait.ge [sflag:s19], $0x2800  }
0x65: {  	[sflag:s19] =	ssyncset.done $0x0  }
0x66: {  	s1 =	simm.s32 $0x0;
	s20 =	simm.s32 $0x14000;
	[sflag:s19] =	ssyncadd.s32 $0xFFFFD800  }
0x67: {  	[tilespmem:s20], [sflag:$0x1] =	stream.linear.gather [hbm4b:s3+s1], $0x800, $0x38;
	[tilespmem:$0x16000] =	vst v63  }
0x68: {  	s21 =	simm.s32 $0x15000  }
0x69: {  	[tilespmem:s21], [sflag:$0x1] =	stream.linear.gather [hbm4b:s4+s1], $0x800, $0x38;
	[tilespmem:$0x16000] =	vst v63  }
.LBB2_10:
0x6a: {  	_ =	swait.ge [sflag:s22], $0x800  }
0x6b: {  	[sflag:s22] =	ssyncset.done $0x0  }
0x6c: {  	[sflag:s22] =	ssyncadd.s32 $0xFFFFF800  }
0x6d: {  	s20 =	sshll.u32 s1, $0x9;
	_ =	swait.ge [sflag:s22], $0x800  }
0x6e: {  	s5 =	sor.u32 $0x100, s20;
	[sflag:s22] =	ssyncset.done $0x0  }
0x6f: {  	s6 =	sadd.s32 s3, s5;
	[sflag:s22] =	ssyncadd.s32 $0xFFFFF800  }
0x70: {  	[tilespmem:s23], [sflag:$0x2] =	stream.linear.gather [hbm4b:s6+s2], $0x800, $0x38;
	[tilespmem:$0x16000] =	vst v63  }
0x71: {  	s21 =	simm.s32 $0x14020;
	s5 =	sadd.s32 s4, s5  }
0x72: {  	[tilespmem:s24], [sflag:$0x2] =	stream.linear.gather [hbm4b:s5+s2], $0x800, $0x38;
	[tilespmem:$0x16000] =	vst v63  }
0x73: {  	v3 =	vld [tilespmem:s21+$0x10];
	_ =	sdelay $0x1  }
0x74: {  	v8 =	vld [tilespmem:s21+$0xFFFFFFE0]  }
0x75: {  	v4 =	vld [tilespmem:s21+$0xFFFFFFF0]  }
0x76: {  	v9 =	vld [tilespmem:s21+$0x0]  }
0x77: {  	v12 =	vand.u32 $0x3FFF, v3  }
0x78: {  	s21 =	simm.s32 $0x15020  }
0x79: {  	v11 =	vld [tilespmem:s21+$0x10];
	v2 =	vand.u32 $0x3FFF, v8  }
0x7a: {  	v7 =	vld [tilespmem:s21+$0xFFFFFFE0];
	v1 =	vand.u32 $0x3FFF, v4  }
0x7b: {  	v5 =	vld [tilespmem:s21+$0xFFFFFFF0];
	v6 =	vand.u32 $0x3FFF, v9  }
0x7c: {  	v13 =	vld.idx.msk [tilespmem:v12+s2+$0x0], $0xffff  }
0x7d: {  	v10 =	vshrl.u32 v3, $0xE;
	v3 =	vshrl.u32 v8, $0xE;
	v8 =	vld [tilespmem:s21+$0x0]  }
0x7e: {  	v15 =	vld.idx.msk [tilespmem:v2+s2+$0x0], $0xffff  }
0x7f: {  	v14 =	vld.idx.msk [tilespmem:v1+s2+$0x0], $0xffff  }
0x80: {  	v16 =	vld.idx.msk [tilespmem:v6+s2+$0x0], $0xffff  }
0x81: {  	v4 =	vshrl.u32 v4, $0xE;
	v13 =	vmul.f32 v13, v11  }
0x82: {  	v9 =	vshrl.u32 v9, $0xE  }
0x83: {  	v15 =	vmul.f32 v15, v7;
	[tilespmem:v10+s25+$0x0] =	vst.idx.add.f32.msk $0xffff, v13  }
0x84: {  	v14 =	vmul.f32 v14, v5;
	v13 =	vld.idx.msk [tilespmem:v12+s16+$0x0], $0xffff  }
0x85: {  	v16 =	vmul.f32 v16, v8;
	[tilespmem:v3+s25+$0x0] =	vst.idx.add.f32.msk $0xffff, v15  }
0x86: {  	[tilespmem:v4+s25+$0x0] =	vst.idx.add.f32.msk $0xffff, v14  }
0x87: {  	[tilespmem:v9+s25+$0x0] =	vst.idx.add.f32.msk $0xffff, v16  }
0x88: {  	v15 =	vld.idx.msk [tilespmem:v1+s16+$0x0], $0xffff  }
0x89: {  	v14 =	vld.idx.msk [tilespmem:v2+s16+$0x0], $0xffff;
	v13 =	vmul.f32 v13, v11  }
0x8a: {  	v16 =	vld.idx.msk [tilespmem:v6+s16+$0x0], $0xffff  }
0x8b: {  	[tilespmem:v10+s26+$0x0] =	vst.idx.add.f32.msk $0xffff, v13  }
0x8c: {  	v13 =	vld.idx.msk [tilespmem:v12+s17+$0x0], $0xffff  }
0x8d: {  	v15 =	vmul.f32 v15, v5  }
0x8e: {  	v14 =	vmul.f32 v14, v7  }
0x8f: {  	[tilespmem:v4+s26+$0x0] =	vst.idx.add.f32.msk $0xffff, v15;
	v15 =	vmul.f32 v16, v8  }
0x90: {  	[tilespmem:v3+s26+$0x0] =	vst.idx.add.f32.msk $0xffff, v14  }
0x91: {  	[tilespmem:v9+s26+$0x0] =	vst.idx.add.f32.msk $0xffff, v15;
	v14 =	vmul.f32 v13, v11  }
0x92: {  	v13 =	vld.idx.msk [tilespmem:v2+s17+$0x0], $0xffff  }
0x93: {  	[tilespmem:v10+s28+$0x0] =	vst.idx.add.f32.msk $0xffff, v14  }
0x94: {  	v12 =	vld.idx.msk [tilespmem:v12+s18+$0x0], $0xffff  }
0x95: {  	s6 =	simm.s32 $0x14060;
	s5 =	simm.s32 $0x0;
	v14 =	vld.idx.msk [tilespmem:v1+s17+$0x0], $0xffff  }
.LBB2_11:
0x96: {  	v15 =	vld [tilespmem:s6+$0x10];
	s5 =	sadd.s32 $0x4, s5  }
0x97: {  	v13 =	vmul.f32 v13, v7;
	v16 =	vld [tilespmem:s6+$0xFFFFFFF0];
	p0 =	slt.u32 s5, $0x7C  }
0x98: {  	v17 =	vld [tilespmem:s6+$0x0]  }
0x99: {  	v11 =	vmul.f32 v12, v11;
	v18 =	vld [tilespmem:s6+$0xFFFFFFE0]  }
0x9a: {  	v12 =	vld.idx.msk [tilespmem:v6+s17+$0x0], $0xffff  }
0x9b: {  	v14 =	vmul.f32 v14, v5;
	v19 =	vand.u32 $0x3FFF, v15;
	[tilespmem:v10+s29+$0x0] =	vst.idx.add.f32.msk $0xffff, v11  }
0x9c: {  	v20 =	vshrl.u32 v16, $0xE;
	v10 =	vand.u32 $0x3FFF, v16;
	[tilespmem:v3+s28+$0x0] =	vst.idx.add.f32.msk $0xffff, v13  }
0x9d: {  	v13 =	vshrl.u32 v17, $0xE;
	v16 =	vand.u32 $0x3FFF, v17;
	[tilespmem:v4+s28+$0x0] =	vst.idx.add.f32.msk $0xffff, v14  }
0x9e: {  	v14 =	vshrl.u32 v18, $0xE;
	v17 =	vld.idx.msk [tilespmem:v2+s18+$0x0], $0xffff;
	v2 =	vand.u32 $0x3FFF, v18  }
0x9f: {  	v18 =	vld.idx.msk [tilespmem:v1+s18+$0x0], $0xffff;
	v1 =	vmov v10  }
0xa0: {  	s21 =	sadd.s32 $0x40, s21;
	v12 =	vmul.f32 v12, v8;
	v21 =	vld.idx.msk [tilespmem:v19+s2+$0x0], $0xffff  }
0xa1: {  	v11 =	vld [tilespmem:s21+$0x10]  }
0xa2: {  	v22 =	vld.idx.msk [tilespmem:v10+s2+$0x0], $0xffff  }
0xa3: {  	v10 =	vshrl.u32 v15, $0xE;
	v23 =	vld.idx.msk [tilespmem:v2+s2+$0x0], $0xffff  }
0xa4: {  	v17 =	vmul.f32 v17, v7;
	v15 =	vld.idx.msk [tilespmem:v16+s2+$0x0], $0xffff  }
0xa5: {  	v18 =	vmul.f32 v18, v5;
	v7 =	vld [tilespmem:s21+$0xFFFFFFE0]  }
0xa6: {  	v5 =	vld [tilespmem:s21+$0xFFFFFFF0];
	v21 =	vmul.f32 v21, v11  }
0xa7: {  	v24 =	vld [tilespmem:s21+$0x0]  }
0xa8: {  	[tilespmem:v10+s25+$0x0] =	vst.idx.add.f32.msk $0xffff, v21  }
0xa9: {  	v21 =	vld.idx.msk [tilespmem:v19+s16+$0x0], $0xffff  }
0xaa: {  	v23 =	vmul.f32 v23, v7;
	[tilespmem:v9+s28+$0x0] =	vst.idx.add.f32.msk $0xffff, v12  }
0xab: {  	v12 =	vmul.f32 v22, v5;
	v22 =	vld.idx.msk [tilespmem:v6+s18+$0x0], $0xffff;
	v6 =	vmov v16  }
0xac: {  	[tilespmem:v14+s25+$0x0] =	vst.idx.add.f32.msk $0xffff, v23;
	v15 =	vmul.f32 v15, v24  }
0xad: {  	[tilespmem:v20+s25+$0x0] =	vst.idx.add.f32.msk $0xffff, v12  }
0xae: {  	[tilespmem:v13+s25+$0x0] =	vst.idx.add.f32.msk $0xffff, v15  }
0xaf: {  	v15 =	vmul.f32 v21, v11;
	v12 =	vld.idx.msk [tilespmem:v2+s16+$0x0], $0xffff  }
0xb0: {  	v16 =	vld.idx.msk [tilespmem:v1+s16+$0x0], $0xffff  }
0xb1: {  	[tilespmem:v10+s26+$0x0] =	vst.idx.add.f32.msk $0xffff, v15;
	v15 =	vmul.f32 v22, v8;
	v8 =	vmov v24  }
0xb2: {  	v21 =	vld.idx.msk [tilespmem:v19+s17+$0x0], $0xffff  }
0xb3: {  	v22 =	vld.idx.msk [tilespmem:v6+s16+$0x0], $0xffff  }
0xb4: {  	[tilespmem:v3+s29+$0x0] =	vst.idx.add.f32.msk $0xffff, v17;
	v3 =	vmov v14  }
0xb5: {  	v12 =	vmul.f32 v12, v7;
	[tilespmem:v4+s29+$0x0] =	vst.idx.add.f32.msk $0xffff, v18;
	v4 =	vmov v20  }
0xb6: {  	v16 =	vmul.f32 v16, v5;
	[tilespmem:v9+s29+$0x0] =	vst.idx.add.f32.msk $0xffff, v15;
	v9 =	vmov v13  }
0xb7: {  	[tilespmem:v14+s26+$0x0] =	vst.idx.add.f32.msk $0xffff, v12  }
0xb8: {  	v12 =	vmul.f32 v21, v11;
	[tilespmem:v20+s26+$0x0] =	vst.idx.add.f32.msk $0xffff, v16  }
.Ltmp4:
0xb9: {  	v14 =	vmul.f32 v22, v8;
	v13 =	vld.idx.msk [tilespmem:v2+s17+$0x0], $0xffff;
	(pc) =	sbr.rel @p0 .LBB2_11-.Ltmp4, $4  }
0xba: {  	[tilespmem:v10+s28+$0x0] =	vst.idx.add.f32.msk $0xffff, v12  }
0xbb: {  	v12 =	vld.idx.msk [tilespmem:v19+s18+$0x0], $0xffff  }
0xbc: {  	[tilespmem:v9+s26+$0x0] =	vst.idx.add.f32.msk $0xffff, v14  }
0xbd: {  	s6 =	sadd.s32 $0x40, s6;
	v14 =	vld.idx.msk [tilespmem:v1+s17+$0x0], $0xffff  }
0xbe: {  	_ =	sdelay $0x3  }
0xbf: {  	v15 =	vld.idx.msk [tilespmem:v6+s17+$0x0], $0xffff  }
0xc0: {  	v13 =	vmul.f32 v13, v7;
	_ =	sdelay $0x1  }
0xc1: {  	[tilespmem:v3+s28+$0x0] =	vst.idx.add.f32.msk $0xffff, v13;
	v14 =	vmul.f32 v14, v5  }
0xc2: {  	v2 =	vld.idx.msk [tilespmem:v2+s18+$0x0], $0xffff  }
0xc3: {  	v13 =	vmul.f32 v15, v8;
	[tilespmem:v4+s28+$0x0] =	vst.idx.add.f32.msk $0xffff, v14  }
0xc4: {  	v1 =	vld.idx.msk [tilespmem:v1+s18+$0x0], $0xffff  }
0xc5: {  	[tilespmem:v9+s28+$0x0] =	vst.idx.add.f32.msk $0xffff, v13  }
0xc6: {  	v6 =	vld.idx.msk [tilespmem:v6+s18+$0x0], $0xffff;
	_ =	sdelay $0x1  }
0xc7: {  	v11 =	vmul.f32 v12, v11  }
0xc8: {  	v2 =	vmul.f32 v2, v7  }
0xc9: {  	[tilespmem:v10+s29+$0x0] =	vst.idx.add.f32.msk $0xffff, v11;
	v1 =	vmul.f32 v1, v5  }
0xca: {  	[tilespmem:v3+s29+$0x0] =	vst.idx.add.f32.msk $0xffff, v2;
	v5 =	vmul.f32 v6, v8  }
0xcb: {  	[tilespmem:v4+s29+$0x0] =	vst.idx.add.f32.msk $0xffff, v1  }
0xcc: {  	[tilespmem:v9+s29+$0x0] =	vst.idx.add.f32.msk $0xffff, v5  }
0xcd: {  	_ =	swait.ge [sflag:s30], $0x800  }
0xce: {  	[sflag:s30] =	ssyncset.done $0x0  }
0xcf: {  	[sflag:s30] =	ssyncadd.s32 $0xFFFFF800  }
0xd0: {  	p0 =	seq.s32 s1, $0x4E;
	_ =	swait.ge [sflag:s30], $0x800  }
0xd1: {  	s5 =	sadd.s32 @!p0 $0x200, s20;
	s20 =	simm.s32 @!p0 $0x0;
	[sflag:s30] =	ssyncset.done $0x0  }
0xd2: {  	s21 =	simm.s32 @!p0 $0x14000;
	s6 =	sadd.s32 @!p0 s3, s5;
	[sflag:s30] =	ssyncadd.s32 $0xFFFFF800  }
0xd3: {  	[tilespmem:s21], [sflag:$0x1] =	stream.linear.gather @!p0 [hbm4b:s6+s20], $0x800, $0x38;
	[tilespmem:$0x16000] =	vst v63  }
0xd4: {  	s5 =	sadd.s32 @!p0 s4, s5;
	s6 =	simm.s32 @!p0 $0x15000;
	s21 =	simm.s32 $0x14820  }
0xd5: {  	[tilespmem:s6], [sflag:$0x1] =	stream.linear.gather @!p0 [hbm4b:s5+s20], $0x800, $0x38;
	[tilespmem:$0x16000] =	vst v63  }
0xd6: {  	v2 =	vld [tilespmem:s21+$0x10];
	_ =	sdelay $0x2  }
0xd7: {  	v4 =	vld [tilespmem:s21+$0xFFFFFFE0];
	_ =	sdelay $0x1  }
0xd8: {  	v8 =	vld [tilespmem:s21+$0xFFFFFFF0];
	v12 =	vand.u32 $0x3FFF, v2  }
0xd9: {  	v13 =	vld [tilespmem:s21+$0x0];
	_ =	sdelay $0x1  }
0xda: {  	s20 =	simm.s32 $0x15820;
	v3 =	vand.u32 $0x3FFF, v4  }
0xdb: {  	v11 =	vld [tilespmem:s20+$0x10]  }
0xdc: {  	v1 =	vand.u32 $0x3FFF, v8;
	v9 =	vld.idx.msk [tilespmem:v12+s2+$0x0], $0xffff  }
0xdd: {  	v6 =	vand.u32 $0x3FFF, v13  }
0xde: {  	v7 =	vld [tilespmem:s20+$0xFFFFFFE0];
	v10 =	vshrl.u32 v2, $0xE  }
0xdf: {  	v15 =	vld.idx.msk [tilespmem:v3+s2+$0x0], $0xffff  }
0xe0: {  	v5 =	vld [tilespmem:s20+$0xFFFFFFF0]  }
0xe1: {  	v4 =	vshrl.u32 v4, $0xE;
	v14 =	vld.idx.msk [tilespmem:v1+s2+$0x0], $0xffff;
	v9 =	vmul.f32 v9, v11  }
0xe2: {  	v17 =	vld.idx.msk [tilespmem:v6+s2+$0x0], $0xffff  }
0xe3: {  	v2 =	vshrl.u32 v8, $0xE;
	[tilespmem:v10+s25+$0x0] =	vst.idx.add.f32.msk $0xffff, v9  }
0xe4: {  	v8 =	vmul.f32 v15, v7;
	v9 =	vld [tilespmem:s20+$0x0]  }
0xe5: {  	v16 =	vld.idx.msk [tilespmem:v12+s16+$0x0], $0xffff  }
0xe6: {  	v14 =	vmul.f32 v14, v5;
	[tilespmem:v4+s25+$0x0] =	vst.idx.add.f32.msk $0xffff, v8;
	v8 =	vshrl.u32 v13, $0xE;
	_ =	sdelay $0x1  }
0xe7: {  	[tilespmem:v2+s25+$0x0] =	vst.idx.add.f32.msk $0xffff, v14  }
0xe8: {  	v13 =	vld.idx.msk [tilespmem:v3+s16+$0x0], $0xffff;
	v63 =	vmul.f32 v17, v9  }
0xe9: {  	v15 =	vld.idx.msk [tilespmem:v1+s16+$0x0], $0xffff;
	v14 =	vmul.f32 v16, v11  }
0xea: {  	[tilespmem:v8+s25+$0x0] =	vst.idx.add.f32.msk $0xffff, v63  }
0xeb: {  	[tilespmem:v10+s26+$0x0] =	vst.idx.add.f32.msk $0xffff, v14  }
0xec: {  	v16 =	vld.idx.msk [tilespmem:v6+s16+$0x0], $0xffff  }
0xed: {  	v14 =	vld.idx.msk [tilespmem:v12+s17+$0x0], $0xffff  }
0xee: {  	v13 =	vmul.f32 v13, v7  }
0xef: {  	v15 =	vmul.f32 v15, v5  }
0xf0: {  	[tilespmem:v4+s26+$0x0] =	vst.idx.add.f32.msk $0xffff, v13  }
0xf1: {  	[tilespmem:v2+s26+$0x0] =	vst.idx.add.f32.msk $0xffff, v15;
	v15 =	vmul.f32 v16, v9  }
0xf2: {  	v13 =	vld.idx.msk [tilespmem:v3+s17+$0x0], $0xffff;
	v14 =	vmul.f32 v14, v11  }
0xf3: {  	[tilespmem:v8+s26+$0x0] =	vst.idx.add.f32.msk $0xffff, v15  }
0xf4: {  	[tilespmem:v10+s28+$0x0] =	vst.idx.add.f32.msk $0xffff, v14  }
0xf5: {  	v12 =	vld.idx.msk [tilespmem:v12+s18+$0x0], $0xffff  }
0xf6: {  	s5 =	simm.s32 $0x0;
	s6 =	simm.s32 $0x14860;
	v14 =	vld.idx.msk [tilespmem:v1+s17+$0x0], $0xffff  }
.LBB2_13:
0xf7: {  	v15 =	vld [tilespmem:s6+$0x10];
	s5 =	sadd.s32 $0x4, s5  }
0xf8: {  	v13 =	vmul.f32 v13, v7;
	v16 =	vld [tilespmem:s6+$0xFFFFFFF0];
	p0 =	slt.u32 s5, $0x7C  }
0xf9: {  	v17 =	vld [tilespmem:s6+$0x0]  }
0xfa: {  	v11 =	vmul.f32 v12, v11;
	v18 =	vld [tilespmem:s6+$0xFFFFFFE0]  }
0xfb: {  	v12 =	vld.idx.msk [tilespmem:v6+s17+$0x0], $0xffff  }
0xfc: {  	v14 =	vmul.f32 v14, v5;
	v19 =	vand.u32 $0x3FFF, v15;
	[tilespmem:v10+s29+$0x0] =	vst.idx.add.f32.msk $0xffff, v11  }
0xfd: {  	v20 =	vshrl.u32 v16, $0xE;
	v10 =	vand.u32 $0x3FFF, v16;
	[tilespmem:v4+s28+$0x0] =	vst.idx.add.f32.msk $0xffff, v13  }
0xfe: {  	v13 =	vshrl.u32 v17, $0xE;
	v16 =	vand.u32 $0x3FFF, v17;
	[tilespmem:v2+s28+$0x0] =	vst.idx.add.f32.msk $0xffff, v14  }
0xff: {  	v14 =	vshrl.u32 v18, $0xE;
	v17 =	vld.idx.msk [tilespmem:v3+s18+$0x0], $0xffff;
	v3 =	vand.u32 $0x3FFF, v18  }
0x100: {  	v18 =	vld.idx.msk [tilespmem:v1+s18+$0x0], $0xffff;
	v1 =	vmov v10  }
0x101: {  	s20 =	sadd.s32 $0x40, s20;
	v12 =	vmul.f32 v12, v9;
	v21 =	vld.idx.msk [tilespmem:v19+s2+$0x0], $0xffff  }
0x102: {  	v11 =	vld [tilespmem:s20+$0x10]  }
0x103: {  	v22 =	vld.idx.msk [tilespmem:v10+s2+$0x0], $0xffff  }
0x104: {  	v10 =	vshrl.u32 v15, $0xE;
	v23 =	vld.idx.msk [tilespmem:v3+s2+$0x0], $0xffff  }
0x105: {  	v17 =	vmul.f32 v17, v7;
	v15 =	vld.idx.msk [tilespmem:v16+s2+$0x0], $0xffff  }
0x106: {  	v18 =	vmul.f32 v18, v5;
	v7 =	vld [tilespmem:s20+$0xFFFFFFE0]  }
0x107: {  	v5 =	vld [tilespmem:s20+$0xFFFFFFF0];
	v21 =	vmul.f32 v21, v11  }
0x108: {  	v24 =	vld [tilespmem:s20+$0x0]  }
0x109: {  	[tilespmem:v10+s25+$0x0] =	vst.idx.add.f32.msk $0xffff, v21  }
0x10a: {  	v21 =	vld.idx.msk [tilespmem:v19+s16+$0x0], $0xffff  }
0x10b: {  	v23 =	vmul.f32 v23, v7;
	[tilespmem:v8+s28+$0x0] =	vst.idx.add.f32.msk $0xffff, v12  }
0x10c: {  	v12 =	vmul.f32 v22, v5;
	v22 =	vld.idx.msk [tilespmem:v6+s18+$0x0], $0xffff;
	v6 =	vmov v16  }
0x10d: {  	[tilespmem:v14+s25+$0x0] =	vst.idx.add.f32.msk $0xffff, v23;
	v15 =	vmul.f32 v15, v24  }
0x10e: {  	[tilespmem:v20+s25+$0x0] =	vst.idx.add.f32.msk $0xffff, v12  }
0x10f: {  	[tilespmem:v13+s25+$0x0] =	vst.idx.add.f32.msk $0xffff, v15  }
0x110: {  	v15 =	vmul.f32 v21, v11;
	v12 =	vld.idx.msk [tilespmem:v3+s16+$0x0], $0xffff  }
0x111: {  	v16 =	vld.idx.msk [tilespmem:v1+s16+$0x0], $0xffff  }
0x112: {  	[tilespmem:v10+s26+$0x0] =	vst.idx.add.f32.msk $0xffff, v15;
	v15 =	vmul.f32 v22, v9;
	v9 =	vmov v24  }
0x113: {  	v21 =	vld.idx.msk [tilespmem:v19+s17+$0x0], $0xffff  }
0x114: {  	v22 =	vld.idx.msk [tilespmem:v6+s16+$0x0], $0xffff  }
0x115: {  	[tilespmem:v4+s29+$0x0] =	vst.idx.add.f32.msk $0xffff, v17;
	v4 =	vmov v14  }
0x116: {  	v12 =	vmul.f32 v12, v7;
	[tilespmem:v2+s29+$0x0] =	vst.idx.add.f32.msk $0xffff, v18;
	v2 =	vmov v20  }
0x117: {  	v16 =	vmul.f32 v16, v5;
	[tilespmem:v8+s29+$0x0] =	vst.idx.add.f32.msk $0xffff, v15;
	v8 =	vmov v13  }
0x118: {  	[tilespmem:v14+s26+$0x0] =	vst.idx.add.f32.msk $0xffff, v12  }
0x119: {  	v12 =	vmul.f32 v21, v11;
	[tilespmem:v20+s26+$0x0] =	vst.idx.add.f32.msk $0xffff, v16  }
.Ltmp5:
0x11a: {  	v14 =	vmul.f32 v22, v9;
	v13 =	vld.idx.msk [tilespmem:v3+s17+$0x0], $0xffff;
	(pc) =	sbr.rel @p0 .LBB2_13-.Ltmp5, $4  }
0x11b: {  	[tilespmem:v10+s28+$0x0] =	vst.idx.add.f32.msk $0xffff, v12  }
0x11c: {  	v12 =	vld.idx.msk [tilespmem:v19+s18+$0x0], $0xffff  }
0x11d: {  	[tilespmem:v8+s26+$0x0] =	vst.idx.add.f32.msk $0xffff, v14  }
0x11e: {  	s6 =	sadd.s32 $0x40, s6;
	v14 =	vld.idx.msk [tilespmem:v1+s17+$0x0], $0xffff  }
0x11f: {  	_ =	sdelay $0x3  }
0x120: {  	v15 =	vld.idx.msk [tilespmem:v6+s17+$0x0], $0xffff  }
0x121: {  	v13 =	vmul.f32 v13, v7;
	_ =	sdelay $0x1  }
0x122: {  	[tilespmem:v4+s28+$0x0] =	vst.idx.add.f32.msk $0xffff, v13;
	v14 =	vmul.f32 v14, v5  }
0x123: {  	v3 =	vld.idx.msk [tilespmem:v3+s18+$0x0], $0xffff  }
0x124: {  	v61 =	vmul.f32 v15, v9;
	[tilespmem:v2+s28+$0x0] =	vst.idx.add.f32.msk $0xffff, v14  }
0x125: {  	v1 =	vld.idx.msk [tilespmem:v1+s18+$0x0], $0xffff  }
0x126: {  	[tilespmem:v8+s28+$0x0] =	vst.idx.add.f32.msk $0xffff, v61  }
0x127: {  	v62 =	vld.idx.msk [tilespmem:v6+s18+$0x0], $0xffff  }
0x128: {  	s1 =	sadd.s32 $0x1, s1  }
0x129: {  	p0 =	sne.s32 s1, $0x4F;
	v11 =	vmul.f32 v12, v11  }
.Ltmp6:
0x12a: {  	v3 =	vmul.f32 v3, v7;
	(pc) =	sbr.rel @p0 .LBB2_10-.Ltmp6, $4  }
0x12b: {  	[tilespmem:v10+s29+$0x0] =	vst.idx.add.f32.msk $0xffff, v11;
	v1 =	vmul.f32 v1, v5  }
0x12c: {  	[tilespmem:v4+s29+$0x0] =	vst.idx.add.f32.msk $0xffff, v3;
	v63 =	vmul.f32 v62, v9  }
0x12d: {  	[tilespmem:v2+s29+$0x0] =	vst.idx.add.f32.msk $0xffff, v1  }
0x12e: {  	[tilespmem:v8+s29+$0x0] =	vst.idx.add.f32.msk $0xffff, v63  }
0x12f: {  	[hbm4b:s9+s14] =	stream.strided.scatter [tilespmem:s25], [sflag:$0x4], $0x2800, s15, s14, $0x38;
	[tilespmem:$0x16000] =	vst v63  }
0x130: {  	_ =	swait.ge [sflag:s31], $0x2800  }
0x131: {  	[sflag:s31] =	ssyncset.done $0x0  }
0x132: {  	[sflag:s31] =	ssyncadd.s32 $0xFFFFD800  }
0x133: {  	[hbm4b:s10+s14] =	stream.strided.scatter [tilespmem:s26], [sflag:$0x4], $0x2800, s15, s14, $0x38;
	[tilespmem:$0x16000] =	vst v63  }
0x134: {  	_ =	swait.ge [sflag:s31], $0x2800  }
0x135: {  	[sflag:s31] =	ssyncset.done $0x0  }
0x136: {  	[sflag:s31] =	ssyncadd.s32 $0xFFFFD800  }
0x137: {  	[hbm4b:s11+s14] =	stream.strided.scatter [tilespmem:s28], [sflag:$0x4], $0x2800, s15, s14, $0x38;
	[tilespmem:$0x16000] =	vst v63  }
0x138: {  	s0 =	sadd.s32 $0x1, s0;
	_ =	swait.ge [sflag:s31], $0x2800  }
0x139: {  	p0 =	sne.s32 s0, s13;
	[sflag:s31] =	ssyncset.done $0x0  }
.Ltmp7:
0x13a: {  	[sflag:s31] =	ssyncadd.s32 $0xFFFFD800;
	(pc) =	sbr.rel @p0 .LBB2_1-.Ltmp7, $4  }
0x13b: {  	[hbm4b:s12+s14] =	stream.strided.scatter [tilespmem:s29], [sflag:$0x4], $0x2800, s15, s14, $0x38;
	[tilespmem:$0x16000] =	vst v63  }
0x13c: {  	_ =	swait.ge [sflag:s31], $0x2800  }
0x13d: {  	[sflag:s31] =	ssyncset.done $0x0  }
0x13e: {  	[sflag:s31] =	ssyncadd.s32 $0xFFFFD800  }
0x13f: {  	_ =	sfence.sel $0x180000  }
0x140: {  	[bflag:$0x0] =	sbarrier.arrive $0xFFFF  }
0x141: {  	_ =	strace $0x9000004A  }
0x142: {  	s0 =	stileid.u32;
	[bflag:$0x2] =	sbarrier.arrive $0xFFFF  }
0x143: {  	p0 =	sne.s32 s0, $0x0;
	s0 =	rddreg [dreg:$0x1]  }
0x144: {  	s0 =	sadd.s32 @!p0 $0x100000, s0  }
0x145: {  	[sflag:s0] =	ssyncadd.tile.s32 @!p0 $0x1;
	_ =	shalt  }
.Lfunc_end2:
_tile_overlayer_lowered:
.L_overlay_start_2:
0x146: {  	(tag) =	ssettag $0x2  }
0x147: {  	s0 =	rddreg [dreg:$0x0];
	s2 =	stileid.u32  }
0x148: {  	s1 =	rddreg [dreg:$0x1];
	p0 =	sne.s32 s2, $0x0  }
0x149: {  	s3 =	rddreg [dreg:$0x2];
	[bflag:$0x3] =	sbarrier.arrive $0xFFFF;
	s2 =	simm.s32 @!p0 $0x1C04  }
0x14a: {  	[timem:s3], [sflag:s2] =	dma.local @!p0 [hbm:s0], s1  }
0x14b: {  	s0 =	simm.s32 @!p0 $0x4  }
0x14c: {  	_ =	swait.ge @!p0 [sflag:s0], s1  }
0x14d: {  	s1 =	ssub.s32 @!p0 $0x0, s1;
	[sflag:s0] =	ssyncset.done @!p0 $0x0  }
0x14e: {  	[sflag:s0] =	ssyncadd.s32 @!p0 s1  }
0x14f: {  	[bflag:$0x3] =	sbarrier.arrive $0xFFFF  }
0x150: {  	_ =	shalt  }

// kernel: kernel.14.cloned.1.call-start
scs
__scs_entry_jumppad:
0x0: {  	(pc) =	sbr.rel $0x88, $3  }
0x1: {  	(tag) =	ssettag $0x0;
	lr =	simm.s32 $0x1  }
0x2: {  	[smem:$0x3F9A] =	sst lr;
	_ =	strace $0xD0000000  }
0x3: {  	_ = 	snop  }
0x4: {  	_ = 	snop  }
0x5: {  	_ = 	snop  }
0x6: {  	_ = 	snop  }
0x7: {  	_ = 	snop  }
__scs_overlays_trampoline_lowered:
0x8: {  	[smem:$0x3FA9] =	sst s0  }
0x9: {  	[smem:$0x3FAA] =	sst s1  }
0xa: {  	[smem:$0x3FAB] =	sst s2  }
0xb: {  	[smem:$0x3FAC] =	sst s3  }
0xc: {  	[smem:$0x3FAD] =	sst s4  }
0xd: {  	[smem:$0x3FAE] =	sst s5  }
0xe: {  	[smem:$0x3FAF] =	sst s6  }
0xf: {  	[smem:$0x3FB0] =	sst s7  }
0x10: {  	[smem:$0x3FB1] =	sst s8  }
0x11: {  	[smem:$0x3FB2] =	sst s9;
	s0 =	simm.s32 @!p0 $0x0  }
0x12: {  	s1 =	sld [smem:$0x3F98];
	s0 =	simm.s32 @p0 $0x1  }
0x13: {  	[smem:$0x3FB3] =	sst s0;
	s0 =	simm.s32 @!p1 $0x0  }
0x14: {  	s2 =	sld [smem:$0x3F97];
	s0 =	simm.s32 @p1 $0x1  }
0x15: {  	[smem:$0x3FB4] =	sst s0;
	s0 =	simm.s32 @!p2 $0x0  }
0x16: {  	s3 =	sld [smem:$0x3FDB];
	s0 =	simm.s32 @p2 $0x1  }
0x17: {  	s4 =	simm.s32 $0x1BF5;
	[smem:$0x3FB6] =	sst s0  }
0x18: {  	s0 =	sld [smem:$0x3F99];
	_ =	swait.ge [sflag:s4], $0x0  }
0x19: {  	s7 =	sld [smem:$0x3F9A]  }
0x1a: {  	s8 =	sadd.s32 $0xFFFFE003, lr  }
0x1b: {  	s9 =	sadd.s32 $0xFFFFFEF7, lr;
	s5 =	simm.s32 $0xFFFFFFFF;
	p2 =	slt.u32 s8, $0xFFFFF086  }
0x1c: {  	p1 =	slt.u32 s9, $0xF7A;
	s5 =	simm.s32 @!p2 $0x0  }
0x1d: {  	s5 =	simm.s32 @p1 $0x1;
	p0 =	seq.s32 s7, s2  }
0x1e: {  	s7 =	smul.u32 @!p0 $0xF7A, s2;
	p2 =	seq.s32 @!p0 s5, $0x0  }
0x1f: {  	s9 =	smul.u32 $0xF7A, s1;
	s8 =	simm.s32 @!p0 $0x1BF5;
	p2 =	por !p2, p0  }
0x20: {  	[sflag:s8] =	ssyncset.s32 @!p0 $0xFFFFF086;
	s6 =	sadd.s32 @!p0 s3, s7;
	s7 =	simm.s32 @!p0 $0x108  }
0x21: {  	s3 =	sadd.s32 s3, s9;
	s6 =	sadd.s32 @!p0 $0x88, s6;
	s7 =	simm.s32 @p2 $0x1082  }
0x22: {  	[simem:s7], [sflag:s8] =	dma.local @!p0 [hbm:s6], $0xF7A  }
0x23: {  	s9 =	sor.u32 $0xD0000000, s2;
	s6 =	simm.s32 $0x108;
	_ =	swait.ge @!p0 [sflag:s8], $0x0  }
0x24: {  	s3 =	sadd.s32 $0x88, s3;
	s6 =	simm.s32 @!p1 $0x1082;
	[sflag:s4] =	ssyncset.s32 $0xFFFFF086  }
0x25: {  	[simem:s6], [sflag:s4] =	dma.local [hbm:s3], $0xF7A  }
0x26: {  	[smem:$0x3F9A] =	sst s1;
	(tag) =	ssettag s2;
	_ =	strace s9  }
0x27: {  	s1 =	sld [smem:$0x3FAA]  }
0x28: {  	s2 =	sld [smem:$0x3FAB]  }
0x29: {  	s4 =	sld [smem:$0x3FAD]  }
0x2a: {  	p0 =	seq.s32 s5, $0x0;
	s5 =	sld [smem:$0x3FAE]  }
0x2b: {  	s6 =	sld [smem:$0x3FAF]  }
0x2c: {  	s7 =	sld [smem:$0x3FB0]  }
0x2d: {  	s3 =	simm.s32 $0x108;
	s8 =	sld [smem:$0x3FB1]  }
0x2e: {  	s3 =	simm.s32 @!p0 $0x1082;
	s9 =	sld [smem:$0x3FB2]  }
0x2f: {  	lr =	sadd.s32 s0, s3;
	s0 =	sld [smem:$0x3FA9]  }
0x30: {  	s3 =	sld [smem:$0x3FAC]  }
0x31: {  	[smem:$0x3FB5] =	sst s10  }
0x32: {  	s10 =	sld [smem:$0x3FB3];
	_ =	sdelay $0x3  }
0x33: {  	p0 =	seq.s32 s10, $0x1;
	s10 =	sld [smem:$0x3FB5];
	_ =	sdelay $0x3  }
0x34: {  	[smem:$0x3FB5] =	sst s10  }
0x35: {  	s10 =	sld [smem:$0x3FB4];
	_ =	sdelay $0x3  }
0x36: {  	p1 =	seq.s32 s10, $0x1;
	s10 =	sld [smem:$0x3FB5];
	_ =	sdelay $0x3  }
0x37: {  	[smem:$0x3FB5] =	sst s10  }
0x38: {  	s10 =	sld [smem:$0x3FB6]  }
0x39: {  	_ = 	snop;
	(pc) =	sbr.ind lr, $3  }
0x3a: {  	_ = 	snop  }
0x3b: {  	_ = 	snop  }
0x3c: {  	p2 =	seq.s32 s10, $0x1;
	s10 =	sld [smem:$0x3FB5]  }
0x3d: {  	_ =	shalt  }
0x3e: {  	_ =	shalt  }
0x3f: {  	_ =	shalt  }
0x40: {  	_ =	shalt  }
0x41: {  	_ =	shalt  }
0x42: {  	_ =	shalt  }
0x43: {  	_ =	shalt  }
0x44: {  	_ =	shalt  }
0x45: {  	_ =	shalt  }
0x46: {  	_ =	shalt  }
0x47: {  	_ =	shalt  }
0x48: {  	_ =	shalt  }
0x49: {  	_ =	shalt  }
0x4a: {  	_ =	shalt  }
0x4b: {  	_ =	shalt  }
0x4c: {  	_ =	shalt  }
0x4d: {  	_ =	shalt  }
0x4e: {  	_ =	shalt  }
0x4f: {  	_ =	shalt  }
0x50: {  	_ =	shalt  }
0x51: {  	_ =	shalt  }
0x52: {  	_ =	shalt  }
0x53: {  	_ =	shalt  }
0x54: {  	_ =	shalt  }
0x55: {  	_ =	shalt  }
0x56: {  	_ =	shalt  }
0x57: {  	_ =	shalt  }
0x58: {  	_ =	shalt  }
0x59: {  	_ =	shalt  }
0x5a: {  	_ =	shalt  }
0x5b: {  	_ =	shalt  }
0x5c: {  	_ =	shalt  }
0x5d: {  	_ =	shalt  }
0x5e: {  	_ =	shalt  }
0x5f: {  	_ =	shalt  }
0x60: {  	_ =	shalt  }
0x61: {  	_ =	shalt  }
0x62: {  	_ =	shalt  }
0x63: {  	_ =	shalt  }
0x64: {  	_ =	shalt  }
0x65: {  	_ =	shalt  }
0x66: {  	_ =	shalt  }
0x67: {  	_ =	shalt  }
0x68: {  	_ =	shalt  }
0x69: {  	_ =	shalt  }
0x6a: {  	_ =	shalt  }
0x6b: {  	_ =	shalt  }
0x6c: {  	_ =	shalt  }
0x6d: {  	_ =	shalt  }
0x6e: {  	_ =	shalt  }
0x6f: {  	_ =	shalt  }
0x70: {  	_ =	shalt  }
0x71: {  	_ =	shalt  }
0x72: {  	_ =	shalt  }
0x73: {  	_ =	shalt  }
0x74: {  	_ =	shalt  }
0x75: {  	_ =	shalt  }
0x76: {  	_ =	shalt  }
0x77: {  	_ =	shalt  }
0x78: {  	_ =	shalt  }
0x79: {  	_ =	shalt  }
0x7a: {  	_ =	shalt  }
0x7b: {  	_ =	shalt  }
0x7c: {  	_ =	shalt  }
0x7d: {  	_ =	shalt  }
0x7e: {  	_ =	shalt  }
0x7f: {  	_ =	shalt  }
0x80: {  	_ =	shalt  }
0x81: {  	_ =	shalt  }
0x82: {  	_ =	shalt  }
0x83: {  	_ =	shalt  }
0x84: {  	_ =	shalt  }
0x85: {  	_ =	shalt  }
0x86: {  	_ =	shalt  }
0x87: {  	_ =	shalt  }
.Lfunc_end0:
.L_simem_size_0:
called_computation.2_lowered:
.L_overlay_start_0:
0x88: {  	s2 =	sld [smem:$0x3FD9]  }
0x89: {  	s3 =	sld [smem:$0x3FFE];
	_ =	sdelay $0x1  }
0x8a: {  	s1 =	srdreg.scid  }
0x8b: {  	s0 =	sand.u32 $0x1, s1  }
0x8c: {  	s16 =	sshll.u32 s0, $0xA;
	s2 =	sadd.s32 s3, s2  }
0x8d: {  	s2 =	sadd.s32 s2, s16  }
0x8e: {  	[smem:$0x3FC1] =	sst s2  }
0x8f: {  	_ = 	snop  }
0x90: {  	(tm) =	ssettm $0x1  }
0x91: {  	s17 =	sld [smem:$0x3FFB];
	_ =	sdelay $0x3  }
0x92: {  	_ =	strace s17  }
0x93: {  	s2 =	sld [smem:$0x3FFC];
	_ =	sdelay $0x3  }
0x94: {  	_ =	strace s2  }
0x95: {  	s2 =	sld [smem:$0x3FFD];
	_ =	sdelay $0x3  }
0x96: {  	_ =	strace s2  }
0x97: {  	_ =	strace $0x8FFFFFFF  }
0x98: {  	s18 =	sld [smem:$0x3FDB];
	_ =	sdelay $0x1  }
0x99: {  	s19 =	simm.s32 $_scs_section_size  }
0x9a: {  	s4 =	simm.s32 $_size__tile_overlayer_lowered;
	s5 =	simm.s32 $_tile_overlayer_lowered  }
0x9b: {  	s22 =	simm.s32 $0x1BFF;
	s21 =	sshll.u32 s5, $0x1;
	s2 =	sadd.s32 s19, s18  }
0x9c: {  	s6 =	simm.s32 $0x0;
	s20 =	sshll.u32 s4, $0x1;
	s4 =	sadd.s32 s21, s2  }
0x9d: {  	[timem:s6], [sflag:s22] =	dma.local [hbm:s4], s20  }
0x9e: {  	_ =	swait.ge [sflag:s22], s20  }
0x9f: {  	s3 =	ssub.s32 $0x0, s20;
	[sflag:s22] =	ssyncset.done $0x0  }
0xa0: {  	[sflag:s22] =	ssyncadd.s32 s3;
	_ =	sdelay $0x1  }
0xa1: {  	s23 =	simm.s32 $0x1B8B  }
0xa2: {  	_ =	swait.ge [sflag:s23], $0x1  }
0xa3: {  	[sflag:s23] =	ssyncset.done $0x0  }
0xa4: {  	s25 =	simm.s32 $0x1B8E;
	s24 =	sld [smem:$0x3FFE];
	[sflag:s23] =	ssyncadd.s32 $0xFFFFFFFF  }
0xa5: {  	s26 =	simm.s32 $execute0_lowered;
	[smem:$0x3FD2] =	sst s25  }
0xa6: {  	s4 =	sshll.u32 s26, $0x1;
	_ =	strace $0x8000004C;
	[dreg:$0x1] =	wrdreg $0xFFFFFFFF  }
0xa7: {  	s28 =	simm.s32 $_size_execute0_lowered;
	s2 =	sadd.s32 s2, s4;
	[dreg:$0x0] =	wrdreg $0x0  }
0xa8: {  	s4 =	sshll.u32 s28, $0x1;
	[dreg:$0x2] =	wrdreg s2  }
0xa9: {  	[dreg:$0x3] =	wrdreg s4  }
0xaa: {  	[dreg:$0x4] =	wrdreg $0xC0  }
0xab: {  	_ =	task [dreg:s6], $0x5FFFF  }
0xac: {  	[dreg:$0x1] =	wrdreg $0xFFFFFFFF  }
0xad: {  	[dreg:$0x0] =	wrdreg $0x60  }
0xae: {  	[dreg:$0x2] =	wrdreg s24  }
0xaf: {  	[dreg:$0x3] =	wrdreg $0x9  }
0xb0: {  	_ =	task.clear_ibuf [dreg:s6], $0x4FFFF;
	_ =	strace $0x9000004C  }
0xb1: {  	s29 =	simm.s32 $0x9;
	_ =	strace $0x8000004E  }
0xb2: {  	_ =	swait.ge [sflag:s29], $0x1  }
0xb3: {  	[sflag:s29] =	ssyncadd.s32 $0xFFFFFFFF  }
0xb4: {  	_ =	strace $0x9000004E  }
0xb5: {  	_ =	sfence  }
0xb6: {  	s30 =	sld [smem:$0x0];
	_ =	sdelay $0x2  }
0xb7: {  	s31 =	sshll.u32 s1, $0xD;
	s1 =	sshrl.u32 s1, $0x2  }
0xb8: {  	s3 =	sand.u32 $0x4000, s31;
	s1 =	sadd.s32 s1, s30  }
0xb9: {  	s0 =	sor.u32 s3, s0;
	s1 =	sshll.u32 s1, $0x11  }
0xba: {  	s0 =	sor.u32 s1, s0  }
0xbb: {  	s0 =	sadd.s32 $0x8F2B, s0  }
0xbc: {  	[sflag:s0] =	ssyncadd.remote.s32 $0x1  }
0xbd: {  	_ =	sfence.sel $0xFFFF  }
0xbe: {  	[dreg:$0x0] =	wrdreg $0xFFFFFFFF;
	(pc) =	sbr.abs _section_cstart, $3  }
0xbf: {  	[dreg:$0x1] =	wrdreg $0xFFFFFFFF  }
0xc0: {  	_ =	task.clear_ibuf [dreg:s6], $0x2FFFF;
	_ =	strace $0x9FFFFFFF  }
0xc1: {  	(tm) =	ssettm $0x7FFFFFFF  }
tec
execute0_lowered:
.L_overlay_start_1:
0x0: {  	(tag) =	ssettag $0x1  }
0x1: {  	s0 =	rddreg [dreg:$0x0];
	s1 =	srdreg.scid  }
0x2: {  	s7 =	stileid.u32;
	s2 =	simm.s32 $0x0;
	s14 =	simm.s32 $0x80  }
0x3: {  	s15 =	simm.s32 $0x400;
	s16 =	simm.s32 $0x2800;
	s17 =	simm.s32 $0x5000  }
0x4: {  	s18 =	simm.s32 $0x7800;
	s19 =	simm.s32 $0x3;
	s22 =	simm.s32 $0x1  }
0x5: {  	s23 =	simm.s32 $0x14800;
	s28 =	simm.s32 $0xF000;
	s1 =	sand.u32 $0x1, s1  }
0x6: {  	s29 =	simm.s32 $0x11800;
	s4 =	sshll.u32 s7, $0x2;
	s3 =	sshll.u32 s1, $0x6  }
0x7: {  	s30 =	simm.s32 $0x2;
	s31 =	simm.s32 $0x4;
	s3 =	sor.u32 s4, s3  }
0x8: {  	[smem:$0x7FF] =	sst s2;
	s5 =	sadd.s32 $0x20600, s0;
	s3 =	sshrl.u32 s3, $0x3  }
0x9: {  	s24 =	sshll.u32 s7, $0x9;
	_ =	strace $0x8000004D;
	s6 =	smul.u32 $0x14000, s3  }
0xa: {  	s1 =	ssub.s32 $0x2, s1;
	s7 =	sand.u32 $0x200, s24;
	s24 =	simm.s32 $0x15800  }
0xb: {  	s4 =	sadd.s32 $0x16800, s0;
	s8 =	sshrl.u32 s1, $0x1;
	s6 =	sor.u32 s7, s6  }
0xc: {  	s1 =	ssub.s32 s1, s8;
	s3 =	sadd.s32 $0xCA00, s0;
	s6 =	sshrl.u32 s6, $0x3  }
0xd: {  	s0 =	sadd.s32 $0x48600, s0;
	s13 =	smax.u32 s1, $0x1;
	s25 =	sadd.s32 s5, s6  }
0xe: {  	s10 =	sor.u32 $0x10, s6;
	s11 =	sor.u32 $0x20, s6;
	s12 =	sor.u32 $0x30, s6  }
0xf: {  	s9 =	sadd.s32 s0, s6;
	[dreg:$0x2] =	wrdreg s25;
	s26 =	sadd.s32 s5, s10  }
0x10: {  	s7 =	sadd.s32 s5, s11;
	s8 =	sadd.s32 s5, s12;
	s10 =	sadd.s32 s0, s10  }
0x11: {  	s11 =	sadd.s32 s0, s11;
	s12 =	sadd.s32 s0, s12;
	s25 =	simm.s32 $0xA000  }
0x12: {  	v0 =	vimm.f32 $0.0e+00;
	s0 =	simm.s32 $0x0;
	[dreg:$0x3] =	wrdreg s26;
	s26 =	simm.s32 $0xC800  }
.LBB2_1:
0x13: {  	s1 =	rddreg [dreg:$0x2]  }
0x14: {  	[tilespmem:s2], [sflag:$0x3] =	stream.strided.gather [hbm4b:s1+s14], $0x2800, s15, s14, $0x38;
	[tilespmem:$0x16000] =	vst v63  }
0x15: {  	s21 =	rddreg [dreg:$0x3]  }
0x16: {  	[tilespmem:s16], [sflag:$0x3] =	stream.strided.gather [hbm4b:s21+s14], $0x2800, s15, s14, $0x38;
	[tilespmem:$0x16000] =	vst v63  }
0x17: {  	_ = 	snop  }
0x18: {  	[tilespmem:s17], [sflag:$0x3] =	stream.strided.gather [hbm4b:s7+s14], $0x2800, s15, s14, $0x38;
	[tilespmem:$0x16000] =	vst v63  }
0x19: {  	s1 =	simm.s32 $0xA040  }
0x1a: {  	[tilespmem:s18], [sflag:$0x3] =	stream.strided.gather [hbm4b:s8+s14], $0x2800, s15, s14, $0x38;
	[tilespmem:$0x16000] =	vst v63  }
0x1b: {  	[tilespmem:s1+$0xFFFFFFC0] =	vst v0  }
0x1c: {  	[tilespmem:s1+$0x30] =	vst v0  }
0x1d: {  	[tilespmem:s1+$0x20] =	vst v0  }
0x1e: {  	[tilespmem:s1+$0x10] =	vst v0  }
0x1f: {  	[tilespmem:s1+$0x0] =	vst v0  }
0x20: {  	[tilespmem:s1+$0xFFFFFFF0] =	vst v0  }
0x21: {  	s6 =	simm.s32 $0x0;
	[tilespmem:s1+$0xFFFFFFE0] =	vst v0  }
.LBB2_2:
0x22: {  	s6 =	sadd.s32 $0x8, s6;
	[tilespmem:s1+$0xFFFFFFD0] =	vst v0;
	s1 =	sadd.s32 $0x80, s1;
	s5 =	simm.s32 $0xC840  }
0x23: {  	[tilespmem:s1+$0xFFFFFFC0] =	vst v0;
	p0 =	slt.u32 s6, $0x278  }
0x24: {  	[tilespmem:s1+$0x30] =	vst v0  }
.Ltmp0:
0x25: {  	[tilespmem:s1+$0x20] =	vst v0;
	(pc) =	sbr.rel @p0 .LBB2_2-.Ltmp0, $4  }
0x26: {  	[tilespmem:s1+$0x10] =	vst v0  }
0x27: {  	[tilespmem:s1+$0x0] =	vst v0  }
0x28: {  	[tilespmem:s1+$0xFFFFFFF0] =	vst v0  }
0x29: {  	[tilespmem:s1+$0xFFFFFFE0] =	vst v0  }
0x2a: {  	[tilespmem:s1+$0xFFFFFFD0] =	vst v0  }
0x2b: {  	[tilespmem:s5+$0xFFFFFFC0] =	vst v0  }
0x2c: {  	[tilespmem:s5+$0x30] =	vst v0  }
0x2d: {  	[tilespmem:s5+$0x20] =	vst v0  }
0x2e: {  	[tilespmem:s5+$0x10] =	vst v0  }
0x2f: {  	[tilespmem:s5+$0x0] =	vst v0  }
0x30: {  	[tilespmem:s5+$0xFFFFFFF0] =	vst v0  }
0x31: {  	s6 =	simm.s32 $0x0;
	s1 =	simm.s32 $0xF040;
	[tilespmem:s5+$0xFFFFFFE0] =	vst v0  }
.LBB2_4:
0x32: {  	s6 =	sadd.s32 $0x8, s6;
	[tilespmem:s5+$0xFFFFFFD0] =	vst v0;
	s5 =	sadd.s32 $0x80, s5  }
0x33: {  	[tilespmem:s5+$0xFFFFFFC0] =	vst v0;
	p0 =	slt.u32 s6, $0x278  }
0x34: {  	[tilespmem:s5+$0x30] =	vst v0  }
.Ltmp1:
0x35: {  	[tilespmem:s5+$0x20] =	vst v0;
	(pc) =	sbr.rel @p0 .LBB2_4-.Ltmp1, $4  }
0x36: {  	[tilespmem:s5+$0x10] =	vst v0  }
0x37: {  	[tilespmem:s5+$0x0] =	vst v0  }
0x38: {  	[tilespmem:s5+$0xFFFFFFF0] =	vst v0  }
0x39: {  	[tilespmem:s5+$0xFFFFFFE0] =	vst v0  }
0x3a: {  	[tilespmem:s5+$0xFFFFFFD0] =	vst v0  }
0x3b: {  	[tilespmem:s1+$0xFFFFFFC0] =	vst v0  }
0x3c: {  	[tilespmem:s1+$0x30] =	vst v0  }
0x3d: {  	[tilespmem:s1+$0x20] =	vst v0  }
0x3e: {  	[tilespmem:s1+$0x10] =	vst v0  }
0x3f: {  	[tilespmem:s1+$0x0] =	vst v0  }
0x40: {  	[tilespmem:s1+$0xFFFFFFF0] =	vst v0  }
0x41: {  	s6 =	simm.s32 $0x0;
	[tilespmem:s1+$0xFFFFFFE0] =	vst v0  }
.LBB2_6:
0x42: {  	s6 =	sadd.s32 $0x8, s6;
	[tilespmem:s1+$0xFFFFFFD0] =	vst v0;
	s1 =	sadd.s32 $0x80, s1;
	s5 =	simm.s32 $0x11840  }
0x43: {  	[tilespmem:s1+$0xFFFFFFC0] =	vst v0;
	p0 =	slt.u32 s6, $0x278  }
0x44: {  	[tilespmem:s1+$0x30] =	vst v0  }
.Ltmp2:
0x45: {  	[tilespmem:s1+$0x20] =	vst v0;
	(pc) =	sbr.rel @p0 .LBB2_6-.Ltmp2, $4  }
0x46: {  	[tilespmem:s1+$0x10] =	vst v0  }
0x47: {  	[tilespmem:s1+$0x0] =	vst v0  }
0x48: {  	[tilespmem:s1+$0xFFFFFFF0] =	vst v0  }
0x49: {  	[tilespmem:s1+$0xFFFFFFE0] =	vst v0  }
0x4a: {  	[tilespmem:s1+$0xFFFFFFD0] =	vst v0  }
0x4b: {  	[tilespmem:s5+$0xFFFFFFC0] =	vst v0  }
0x4c: {  	[tilespmem:s5+$0x30] =	vst v0  }
0x4d: {  	[tilespmem:s5+$0x20] =	vst v0  }
0x4e: {  	[tilespmem:s5+$0x10] =	vst v0  }
0x4f: {  	[tilespmem:s5+$0x0] =	vst v0  }
0x50: {  	[tilespmem:s5+$0xFFFFFFF0] =	vst v0  }
0x51: {  	s1 =	simm.s32 $0x0;
	[tilespmem:s5+$0xFFFFFFE0] =	vst v0  }
.LBB2_8:
0x52: {  	s1 =	sadd.s32 $0x8, s1;
	[tilespmem:s5+$0xFFFFFFD0] =	vst v0;
	s5 =	sadd.s32 $0x80, s5  }
0x53: {  	[tilespmem:s5+$0xFFFFFFC0] =	vst v0;
	p0 =	slt.u32 s1, $0x278  }
0x54: {  	[tilespmem:s5+$0x30] =	vst v0  }
.Ltmp3:
0x55: {  	[tilespmem:s5+$0x20] =	vst v0;
	(pc) =	sbr.rel @p0 .LBB2_8-.Ltmp3, $4  }
0x56: {  	[tilespmem:s5+$0x10] =	vst v0  }
0x57: {  	[tilespmem:s5+$0x0] =	vst v0  }
0x58: {  	[tilespmem:s5+$0xFFFFFFF0] =	vst v0  }
0x59: {  	[tilespmem:s5+$0xFFFFFFE0] =	vst v0  }
0x5a: {  	[tilespmem:s5+$0xFFFFFFD0] =	vst v0  }
0x5b: {  	_ =	swait.ge [sflag:s19], $0x2800  }
0x5c: {  	[sflag:s19] =	ssyncset.done $0x0  }
0x5d: {  	[sflag:s19] =	ssyncadd.s32 $0xFFFFD800  }
0x5e: {  	_ =	swait.ge [sflag:s19], $0x2800  }
0x5f: {  	[sflag:s19] =	ssyncset.done $0x0  }
0x60: {  	[sflag:s19] =	ssyncadd.s32 $0xFFFFD800  }
0x61: {  	_ =	swait.ge [sflag:s19], $0x2800  }
0x62: {  	[sflag:s19] =	ssyncset.done $0x0  }
0x63: {  	[sflag:s19] =	ssyncadd.s32 $0xFFFFD800  }
0x64: {  	_ =	swait.ge [sflag:s19], $0x2800  }
0x65: {  	[sflag:s19] =	ssyncset.done $0x0  }
0x66: {  	s1 =	simm.s32 $0x0;
	s20 =	simm.s32 $0x14000;
	[sflag:s19] =	ssyncadd.s32 $0xFFFFD800  }
0x67: {  	[tilespmem:s20], [sflag:$0x1] =	stream.linear.gather [hbm4b:s3+s1], $0x800, $0x38;
	[tilespmem:$0x16000] =	vst v63  }
0x68: {  	s21 =	simm.s32 $0x15000  }
0x69: {  	[tilespmem:s21], [sflag:$0x1] =	stream.linear.gather [hbm4b:s4+s1], $0x800, $0x38;
	[tilespmem:$0x16000] =	vst v63  }
.LBB2_10:
0x6a: {  	_ =	swait.ge [sflag:s22], $0x800  }
0x6b: {  	[sflag:s22] =	ssyncset.done $0x0  }
0x6c: {  	[sflag:s22] =	ssyncadd.s32 $0xFFFFF800  }
0x6d: {  	s20 =	sshll.u32 s1, $0x9;
	_ =	swait.ge [sflag:s22], $0x800  }
0x6e: {  	s5 =	sor.u32 $0x100, s20;
	[sflag:s22] =	ssyncset.done $0x0  }
0x6f: {  	s6 =	sadd.s32 s3, s5;
	[sflag:s22] =	ssyncadd.s32 $0xFFFFF800  }
0x70: {  	[tilespmem:s23], [sflag:$0x2] =	stream.linear.gather [hbm4b:s6+s2], $0x800, $0x38;
	[tilespmem:$0x16000] =	vst v63  }
0x71: {  	s21 =	simm.s32 $0x14020;
	s5 =	sadd.s32 s4, s5  }
0x72: {  	[tilespmem:s24], [sflag:$0x2] =	stream.linear.gather [hbm4b:s5+s2], $0x800, $0x38;
	[tilespmem:$0x16000] =	vst v63  }
0x73: {  	v3 =	vld [tilespmem:s21+$0x10];
	_ =	sdelay $0x1  }
0x74: {  	v8 =	vld [tilespmem:s21+$0xFFFFFFE0]  }
0x75: {  	v4 =	vld [tilespmem:s21+$0xFFFFFFF0]  }
0x76: {  	v9 =	vld [tilespmem:s21+$0x0]  }
0x77: {  	v12 =	vand.u32 $0x3FFF, v3  }
0x78: {  	s21 =	simm.s32 $0x15020  }
0x79: {  	v11 =	vld [tilespmem:s21+$0x10];
	v2 =	vand.u32 $0x3FFF, v8  }
0x7a: {  	v7 =	vld [tilespmem:s21+$0xFFFFFFE0];
	v1 =	vand.u32 $0x3FFF, v4  }
0x7b: {  	v5 =	vld [tilespmem:s21+$0xFFFFFFF0];
	v6 =	vand.u32 $0x3FFF, v9  }
0x7c: {  	v13 =	vld.idx.msk [tilespmem:v12+s2+$0x0], $0xffff  }
0x7d: {  	v10 =	vshrl.u32 v3, $0xE;
	v3 =	vshrl.u32 v8, $0xE;
	v8 =	vld [tilespmem:s21+$0x0]  }
0x7e: {  	v15 =	vld.idx.msk [tilespmem:v2+s2+$0x0], $0xffff  }
0x7f: {  	v14 =	vld.idx.msk [tilespmem:v1+s2+$0x0], $0xffff  }
0x80: {  	v16 =	vld.idx.msk [tilespmem:v6+s2+$0x0], $0xffff  }
0x81: {  	v4 =	vshrl.u32 v4, $0xE;
	v13 =	vmul.f32 v13, v11  }
0x82: {  	v9 =	vshrl.u32 v9, $0xE  }
0x83: {  	v15 =	vmul.f32 v15, v7;
	[tilespmem:v10+s25+$0x0] =	vst.idx.add.f32.msk $0xffff, v13  }
0x84: {  	v14 =	vmul.f32 v14, v5;
	v13 =	vld.idx.msk [tilespmem:v12+s16+$0x0], $0xffff  }
0x85: {  	v16 =	vmul.f32 v16, v8;
	[tilespmem:v3+s25+$0x0] =	vst.idx.add.f32.msk $0xffff, v15  }
0x86: {  	[tilespmem:v4+s25+$0x0] =	vst.idx.add.f32.msk $0xffff, v14  }
0x87: {  	[tilespmem:v9+s25+$0x0] =	vst.idx.add.f32.msk $0xffff, v16  }
0x88: {  	v15 =	vld.idx.msk [tilespmem:v1+s16+$0x0], $0xffff  }
0x89: {  	v14 =	vld.idx.msk [tilespmem:v2+s16+$0x0], $0xffff;
	v13 =	vmul.f32 v13, v11  }
0x8a: {  	v16 =	vld.idx.msk [tilespmem:v6+s16+$0x0], $0xffff  }
0x8b: {  	[tilespmem:v10+s26+$0x0] =	vst.idx.add.f32.msk $0xffff, v13  }
0x8c: {  	v13 =	vld.idx.msk [tilespmem:v12+s17+$0x0], $0xffff  }
0x8d: {  	v15 =	vmul.f32 v15, v5  }
0x8e: {  	v14 =	vmul.f32 v14, v7  }
0x8f: {  	[tilespmem:v4+s26+$0x0] =	vst.idx.add.f32.msk $0xffff, v15;
	v15 =	vmul.f32 v16, v8  }
0x90: {  	[tilespmem:v3+s26+$0x0] =	vst.idx.add.f32.msk $0xffff, v14  }
0x91: {  	[tilespmem:v9+s26+$0x0] =	vst.idx.add.f32.msk $0xffff, v15;
	v14 =	vmul.f32 v13, v11  }
0x92: {  	v13 =	vld.idx.msk [tilespmem:v2+s17+$0x0], $0xffff  }
0x93: {  	[tilespmem:v10+s28+$0x0] =	vst.idx.add.f32.msk $0xffff, v14  }
0x94: {  	v12 =	vld.idx.msk [tilespmem:v12+s18+$0x0], $0xffff  }
0x95: {  	s6 =	simm.s32 $0x14060;
	s5 =	simm.s32 $0x0;
	v14 =	vld.idx.msk [tilespmem:v1+s17+$0x0], $0xffff  }
.LBB2_11:
0x96: {  	v15 =	vld [tilespmem:s6+$0x10];
	s5 =	sadd.s32 $0x4, s5  }
0x97: {  	v13 =	vmul.f32 v13, v7;
	v16 =	vld [tilespmem:s6+$0xFFFFFFF0];
	p0 =	slt.u32 s5, $0x7C  }
0x98: {  	v17 =	vld [tilespmem:s6+$0x0]  }
0x99: {  	v11 =	vmul.f32 v12, v11;
	v18 =	vld [tilespmem:s6+$0xFFFFFFE0]  }
0x9a: {  	v12 =	vld.idx.msk [tilespmem:v6+s17+$0x0], $0xffff  }
0x9b: {  	v14 =	vmul.f32 v14, v5;
	v19 =	vand.u32 $0x3FFF, v15;
	[tilespmem:v10+s29+$0x0] =	vst.idx.add.f32.msk $0xffff, v11  }
0x9c: {  	v20 =	vshrl.u32 v16, $0xE;
	v10 =	vand.u32 $0x3FFF, v16;
	[tilespmem:v3+s28+$0x0] =	vst.idx.add.f32.msk $0xffff, v13  }
0x9d: {  	v13 =	vshrl.u32 v17, $0xE;
	v16 =	vand.u32 $0x3FFF, v17;
	[tilespmem:v4+s28+$0x0] =	vst.idx.add.f32.msk $0xffff, v14  }
0x9e: {  	v14 =	vshrl.u32 v18, $0xE;
	v17 =	vld.idx.msk [tilespmem:v2+s18+$0x0], $0xffff;
	v2 =	vand.u32 $0x3FFF, v18  }
0x9f: {  	v18 =	vld.idx.msk [tilespmem:v1+s18+$0x0], $0xffff;
	v1 =	vmov v10  }
0xa0: {  	s21 =	sadd.s32 $0x40, s21;
	v12 =	vmul.f32 v12, v8;
	v21 =	vld.idx.msk [tilespmem:v19+s2+$0x0], $0xffff  }
0xa1: {  	v11 =	vld [tilespmem:s21+$0x10]  }
0xa2: {  	v22 =	vld.idx.msk [tilespmem:v10+s2+$0x0], $0xffff  }
0xa3: {  	v10 =	vshrl.u32 v15, $0xE;
	v23 =	vld.idx.msk [tilespmem:v2+s2+$0x0], $0xffff  }
0xa4: {  	v17 =	vmul.f32 v17, v7;
	v15 =	vld.idx.msk [tilespmem:v16+s2+$0x0], $0xffff  }
0xa5: {  	v18 =	vmul.f32 v18, v5;
	v7 =	vld [tilespmem:s21+$0xFFFFFFE0]  }
0xa6: {  	v5 =	vld [tilespmem:s21+$0xFFFFFFF0];
	v21 =	vmul.f32 v21, v11  }
0xa7: {  	v24 =	vld [tilespmem:s21+$0x0]  }
0xa8: {  	[tilespmem:v10+s25+$0x0] =	vst.idx.add.f32.msk $0xffff, v21  }
0xa9: {  	v21 =	vld.idx.msk [tilespmem:v19+s16+$0x0], $0xffff  }
0xaa: {  	v23 =	vmul.f32 v23, v7;
	[tilespmem:v9+s28+$0x0] =	vst.idx.add.f32.msk $0xffff, v12  }
0xab: {  	v12 =	vmul.f32 v22, v5;
	v22 =	vld.idx.msk [tilespmem:v6+s18+$0x0], $0xffff;
	v6 =	vmov v16  }
0xac: {  	[tilespmem:v14+s25+$0x0] =	vst.idx.add.f32.msk $0xffff, v23;
	v15 =	vmul.f32 v15, v24  }
0xad: {  	[tilespmem:v20+s25+$0x0] =	vst.idx.add.f32.msk $0xffff, v12  }
0xae: {  	[tilespmem:v13+s25+$0x0] =	vst.idx.add.f32.msk $0xffff, v15  }
0xaf: {  	v15 =	vmul.f32 v21, v11;
	v12 =	vld.idx.msk [tilespmem:v2+s16+$0x0], $0xffff  }
0xb0: {  	v16 =	vld.idx.msk [tilespmem:v1+s16+$0x0], $0xffff  }
0xb1: {  	[tilespmem:v10+s26+$0x0] =	vst.idx.add.f32.msk $0xffff, v15;
	v15 =	vmul.f32 v22, v8;
	v8 =	vmov v24  }
0xb2: {  	v21 =	vld.idx.msk [tilespmem:v19+s17+$0x0], $0xffff  }
0xb3: {  	v22 =	vld.idx.msk [tilespmem:v6+s16+$0x0], $0xffff  }
0xb4: {  	[tilespmem:v3+s29+$0x0] =	vst.idx.add.f32.msk $0xffff, v17;
	v3 =	vmov v14  }
0xb5: {  	v12 =	vmul.f32 v12, v7;
	[tilespmem:v4+s29+$0x0] =	vst.idx.add.f32.msk $0xffff, v18;
	v4 =	vmov v20  }
0xb6: {  	v16 =	vmul.f32 v16, v5;
	[tilespmem:v9+s29+$0x0] =	vst.idx.add.f32.msk $0xffff, v15;
	v9 =	vmov v13  }
0xb7: {  	[tilespmem:v14+s26+$0x0] =	vst.idx.add.f32.msk $0xffff, v12  }
0xb8: {  	v12 =	vmul.f32 v21, v11;
	[tilespmem:v20+s26+$0x0] =	vst.idx.add.f32.msk $0xffff, v16  }
.Ltmp4:
0xb9: {  	v14 =	vmul.f32 v22, v8;
	v13 =	vld.idx.msk [tilespmem:v2+s17+$0x0], $0xffff;
	(pc) =	sbr.rel @p0 .LBB2_11-.Ltmp4, $4  }
0xba: {  	[tilespmem:v10+s28+$0x0] =	vst.idx.add.f32.msk $0xffff, v12  }
0xbb: {  	v12 =	vld.idx.msk [tilespmem:v19+s18+$0x0], $0xffff  }
0xbc: {  	[tilespmem:v9+s26+$0x0] =	vst.idx.add.f32.msk $0xffff, v14  }
0xbd: {  	s6 =	sadd.s32 $0x40, s6;
	v14 =	vld.idx.msk [tilespmem:v1+s17+$0x0], $0xffff  }
0xbe: {  	_ =	sdelay $0x3  }
0xbf: {  	v15 =	vld.idx.msk [tilespmem:v6+s17+$0x0], $0xffff  }
0xc0: {  	v13 =	vmul.f32 v13, v7;
	_ =	sdelay $0x1  }
0xc1: {  	[tilespmem:v3+s28+$0x0] =	vst.idx.add.f32.msk $0xffff, v13;
	v14 =	vmul.f32 v14, v5  }
0xc2: {  	v2 =	vld.idx.msk [tilespmem:v2+s18+$0x0], $0xffff  }
0xc3: {  	v13 =	vmul.f32 v15, v8;
	[tilespmem:v4+s28+$0x0] =	vst.idx.add.f32.msk $0xffff, v14  }
0xc4: {  	v1 =	vld.idx.msk [tilespmem:v1+s18+$0x0], $0xffff  }
0xc5: {  	[tilespmem:v9+s28+$0x0] =	vst.idx.add.f32.msk $0xffff, v13  }
0xc6: {  	v6 =	vld.idx.msk [tilespmem:v6+s18+$0x0], $0xffff;
	_ =	sdelay $0x1  }
0xc7: {  	v11 =	vmul.f32 v12, v11  }
0xc8: {  	v2 =	vmul.f32 v2, v7  }
0xc9: {  	[tilespmem:v10+s29+$0x0] =	vst.idx.add.f32.msk $0xffff, v11;
	v1 =	vmul.f32 v1, v5  }
0xca: {  	[tilespmem:v3+s29+$0x0] =	vst.idx.add.f32.msk $0xffff, v2;
	v5 =	vmul.f32 v6, v8  }
0xcb: {  	[tilespmem:v4+s29+$0x0] =	vst.idx.add.f32.msk $0xffff, v1  }
0xcc: {  	[tilespmem:v9+s29+$0x0] =	vst.idx.add.f32.msk $0xffff, v5  }
0xcd: {  	_ =	swait.ge [sflag:s30], $0x800  }
0xce: {  	[sflag:s30] =	ssyncset.done $0x0  }
0xcf: {  	[sflag:s30] =	ssyncadd.s32 $0xFFFFF800  }
0xd0: {  	p0 =	seq.s32 s1, $0x4E;
	_ =	swait.ge [sflag:s30], $0x800  }
0xd1: {  	s5 =	sadd.s32 @!p0 $0x200, s20;
	s20 =	simm.s32 @!p0 $0x0;
	[sflag:s30] =	ssyncset.done $0x0  }
0xd2: {  	s21 =	simm.s32 @!p0 $0x14000;
	s6 =	sadd.s32 @!p0 s3, s5;
	[sflag:s30] =	ssyncadd.s32 $0xFFFFF800  }
0xd3: {  	[tilespmem:s21], [sflag:$0x1] =	stream.linear.gather @!p0 [hbm4b:s6+s20], $0x800, $0x38;
	[tilespmem:$0x16000] =	vst v63  }
0xd4: {  	s5 =	sadd.s32 @!p0 s4, s5;
	s6 =	simm.s32 @!p0 $0x15000;
	s21 =	simm.s32 $0x14820  }
0xd5: {  	[tilespmem:s6], [sflag:$0x1] =	stream.linear.gather @!p0 [hbm4b:s5+s20], $0x800, $0x38;
	[tilespmem:$0x16000] =	vst v63  }
0xd6: {  	v2 =	vld [tilespmem:s21+$0x10];
	_ =	sdelay $0x2  }
0xd7: {  	v4 =	vld [tilespmem:s21+$0xFFFFFFE0];
	_ =	sdelay $0x1  }
0xd8: {  	v8 =	vld [tilespmem:s21+$0xFFFFFFF0];
	v12 =	vand.u32 $0x3FFF, v2  }
0xd9: {  	v13 =	vld [tilespmem:s21+$0x0];
	_ =	sdelay $0x1  }
0xda: {  	s20 =	simm.s32 $0x15820;
	v3 =	vand.u32 $0x3FFF, v4  }
0xdb: {  	v11 =	vld [tilespmem:s20+$0x10]  }
0xdc: {  	v1 =	vand.u32 $0x3FFF, v8;
	v9 =	vld.idx.msk [tilespmem:v12+s2+$0x0], $0xffff  }
0xdd: {  	v6 =	vand.u32 $0x3FFF, v13  }
0xde: {  	v7 =	vld [tilespmem:s20+$0xFFFFFFE0];
	v10 =	vshrl.u32 v2, $0xE  }
0xdf: {  	v15 =	vld.idx.msk [tilespmem:v3+s2+$0x0], $0xffff  }
0xe0: {  	v5 =	vld [tilespmem:s20+$0xFFFFFFF0]  }
0xe1: {  	v4 =	vshrl.u32 v4, $0xE;
	v14 =	vld.idx.msk [tilespmem:v1+s2+$0x0], $0xffff;
	v9 =	vmul.f32 v9, v11  }
0xe2: {  	v17 =	vld.idx.msk [tilespmem:v6+s2+$0x0], $0xffff  }
0xe3: {  	v2 =	vshrl.u32 v8, $0xE;
	[tilespmem:v10+s25+$0x0] =	vst.idx.add.f32.msk $0xffff, v9  }
0xe4: {  	v8 =	vmul.f32 v15, v7;
	v9 =	vld [tilespmem:s20+$0x0]  }
0xe5: {  	v16 =	vld.idx.msk [tilespmem:v12+s16+$0x0], $0xffff  }
0xe6: {  	v14 =	vmul.f32 v14, v5;
	[tilespmem:v4+s25+$0x0] =	vst.idx.add.f32.msk $0xffff, v8;
	v8 =	vshrl.u32 v13, $0xE;
	_ =	sdelay $0x1  }
0xe7: {  	[tilespmem:v2+s25+$0x0] =	vst.idx.add.f32.msk $0xffff, v14  }
0xe8: {  	v13 =	vld.idx.msk [tilespmem:v3+s16+$0x0], $0xffff;
	v63 =	vmul.f32 v17, v9  }
0xe9: {  	v15 =	vld.idx.msk [tilespmem:v1+s16+$0x0], $0xffff;
	v14 =	vmul.f32 v16, v11  }
0xea: {  	[tilespmem:v8+s25+$0x0] =	vst.idx.add.f32.msk $0xffff, v63  }
0xeb: {  	[tilespmem:v10+s26+$0x0] =	vst.idx.add.f32.msk $0xffff, v14  }
0xec: {  	v16 =	vld.idx.msk [tilespmem:v6+s16+$0x0], $0xffff  }
0xed: {  	v14 =	vld.idx.msk [tilespmem:v12+s17+$0x0], $0xffff  }
0xee: {  	v13 =	vmul.f32 v13, v7  }
0xef: {  	v15 =	vmul.f32 v15, v5  }
0xf0: {  	[tilespmem:v4+s26+$0x0] =	vst.idx.add.f32.msk $0xffff, v13  }
0xf1: {  	[tilespmem:v2+s26+$0x0] =	vst.idx.add.f32.msk $0xffff, v15;
	v15 =	vmul.f32 v16, v9  }
0xf2: {  	v13 =	vld.idx.msk [tilespmem:v3+s17+$0x0], $0xffff;
	v14 =	vmul.f32 v14, v11  }
0xf3: {  	[tilespmem:v8+s26+$0x0] =	vst.idx.add.f32.msk $0xffff, v15  }
0xf4: {  	[tilespmem:v10+s28+$0x0] =	vst.idx.add.f32.msk $0xffff, v14  }
0xf5: {  	v12 =	vld.idx.msk [tilespmem:v12+s18+$0x0], $0xffff  }
0xf6: {  	s5 =	simm.s32 $0x0;
	s6 =	simm.s32 $0x14860;
	v14 =	vld.idx.msk [tilespmem:v1+s17+$0x0], $0xffff  }
.LBB2_13:
0xf7: {  	v15 =	vld [tilespmem:s6+$0x10];
	s5 =	sadd.s32 $0x4, s5  }
0xf8: {  	v13 =	vmul.f32 v13, v7;
	v16 =	vld [tilespmem:s6+$0xFFFFFFF0];
	p0 =	slt.u32 s5, $0x7C  }
0xf9: {  	v17 =	vld [tilespmem:s6+$0x0]  }
0xfa: {  	v11 =	vmul.f32 v12, v11;
	v18 =	vld [tilespmem:s6+$0xFFFFFFE0]  }
0xfb: {  	v12 =	vld.idx.msk [tilespmem:v6+s17+$0x0], $0xffff  }
0xfc: {  	v14 =	vmul.f32 v14, v5;
	v19 =	vand.u32 $0x3FFF, v15;
	[tilespmem:v10+s29+$0x0] =	vst.idx.add.f32.msk $0xffff, v11  }
0xfd: {  	v20 =	vshrl.u32 v16, $0xE;
	v10 =	vand.u32 $0x3FFF, v16;
	[tilespmem:v4+s28+$0x0] =	vst.idx.add.f32.msk $0xffff, v13  }
0xfe: {  	v13 =	vshrl.u32 v17, $0xE;
	v16 =	vand.u32 $0x3FFF, v17;
	[tilespmem:v2+s28+$0x0] =	vst.idx.add.f32.msk $0xffff, v14  }
0xff: {  	v14 =	vshrl.u32 v18, $0xE;
	v17 =	vld.idx.msk [tilespmem:v3+s18+$0x0], $0xffff;
	v3 =	vand.u32 $0x3FFF, v18  }
0x100: {  	v18 =	vld.idx.msk [tilespmem:v1+s18+$0x0], $0xffff;
	v1 =	vmov v10  }
0x101: {  	s20 =	sadd.s32 $0x40, s20;
	v12 =	vmul.f32 v12, v9;
	v21 =	vld.idx.msk [tilespmem:v19+s2+$0x0], $0xffff  }
0x102: {  	v11 =	vld [tilespmem:s20+$0x10]  }
0x103: {  	v22 =	vld.idx.msk [tilespmem:v10+s2+$0x0], $0xffff  }
0x104: {  	v10 =	vshrl.u32 v15, $0xE;
	v23 =	vld.idx.msk [tilespmem:v3+s2+$0x0], $0xffff  }
0x105: {  	v17 =	vmul.f32 v17, v7;
	v15 =	vld.idx.msk [tilespmem:v16+s2+$0x0], $0xffff  }
0x106: {  	v18 =	vmul.f32 v18, v5;
	v7 =	vld [tilespmem:s20+$0xFFFFFFE0]  }
0x107: {  	v5 =	vld [tilespmem:s20+$0xFFFFFFF0];
	v21 =	vmul.f32 v21, v11  }
0x108: {  	v24 =	vld [tilespmem:s20+$0x0]  }
0x109: {  	[tilespmem:v10+s25+$0x0] =	vst.idx.add.f32.msk $0xffff, v21  }
0x10a: {  	v21 =	vld.idx.msk [tilespmem:v19+s16+$0x0], $0xffff  }
0x10b: {  	v23 =	vmul.f32 v23, v7;
	[tilespmem:v8+s28+$0x0] =	vst.idx.add.f32.msk $0xffff, v12  }
0x10c: {  	v12 =	vmul.f32 v22, v5;
	v22 =	vld.idx.msk [tilespmem:v6+s18+$0x0], $0xffff;
	v6 =	vmov v16  }
0x10d: {  	[tilespmem:v14+s25+$0x0] =	vst.idx.add.f32.msk $0xffff, v23;
	v15 =	vmul.f32 v15, v24  }
0x10e: {  	[tilespmem:v20+s25+$0x0] =	vst.idx.add.f32.msk $0xffff, v12  }
0x10f: {  	[tilespmem:v13+s25+$0x0] =	vst.idx.add.f32.msk $0xffff, v15  }
0x110: {  	v15 =	vmul.f32 v21, v11;
	v12 =	vld.idx.msk [tilespmem:v3+s16+$0x0], $0xffff  }
0x111: {  	v16 =	vld.idx.msk [tilespmem:v1+s16+$0x0], $0xffff  }
0x112: {  	[tilespmem:v10+s26+$0x0] =	vst.idx.add.f32.msk $0xffff, v15;
	v15 =	vmul.f32 v22, v9;
	v9 =	vmov v24  }
0x113: {  	v21 =	vld.idx.msk [tilespmem:v19+s17+$0x0], $0xffff  }
0x114: {  	v22 =	vld.idx.msk [tilespmem:v6+s16+$0x0], $0xffff  }
0x115: {  	[tilespmem:v4+s29+$0x0] =	vst.idx.add.f32.msk $0xffff, v17;
	v4 =	vmov v14  }
0x116: {  	v12 =	vmul.f32 v12, v7;
	[tilespmem:v2+s29+$0x0] =	vst.idx.add.f32.msk $0xffff, v18;
	v2 =	vmov v20  }
0x117: {  	v16 =	vmul.f32 v16, v5;
	[tilespmem:v8+s29+$0x0] =	vst.idx.add.f32.msk $0xffff, v15;
	v8 =	vmov v13  }
0x118: {  	[tilespmem:v14+s26+$0x0] =	vst.idx.add.f32.msk $0xffff, v12  }
0x119: {  	v12 =	vmul.f32 v21, v11;
	[tilespmem:v20+s26+$0x0] =	vst.idx.add.f32.msk $0xffff, v16  }
.Ltmp5:
0x11a: {  	v14 =	vmul.f32 v22, v9;
	v13 =	vld.idx.msk [tilespmem:v3+s17+$0x0], $0xffff;
	(pc) =	sbr.rel @p0 .LBB2_13-.Ltmp5, $4  }
0x11b: {  	[tilespmem:v10+s28+$0x0] =	vst.idx.add.f32.msk $0xffff, v12  }
0x11c: {  	v12 =	vld.idx.msk [tilespmem:v19+s18+$0x0], $0xffff  }
0x11d: {  	[tilespmem:v8+s26+$0x0] =	vst.idx.add.f32.msk $0xffff, v14  }
0x11e: {  	s6 =	sadd.s32 $0x40, s6;
	v14 =	vld.idx.msk [tilespmem:v1+s17+$0x0], $0xffff  }
0x11f: {  	_ =	sdelay $0x3  }
0x120: {  	v15 =	vld.idx.msk [tilespmem:v6+s17+$0x0], $0xffff  }
0x121: {  	v13 =	vmul.f32 v13, v7;
	_ =	sdelay $0x1  }
0x122: {  	[tilespmem:v4+s28+$0x0] =	vst.idx.add.f32.msk $0xffff, v13;
	v14 =	vmul.f32 v14, v5  }
0x123: {  	v3 =	vld.idx.msk [tilespmem:v3+s18+$0x0], $0xffff  }
0x124: {  	v61 =	vmul.f32 v15, v9;
	[tilespmem:v2+s28+$0x0] =	vst.idx.add.f32.msk $0xffff, v14  }
0x125: {  	v1 =	vld.idx.msk [tilespmem:v1+s18+$0x0], $0xffff  }
0x126: {  	[tilespmem:v8+s28+$0x0] =	vst.idx.add.f32.msk $0xffff, v61  }
0x127: {  	v62 =	vld.idx.msk [tilespmem:v6+s18+$0x0], $0xffff  }
0x128: {  	s1 =	sadd.s32 $0x1, s1  }
0x129: {  	p0 =	sne.s32 s1, $0x4F;
	v11 =	vmul.f32 v12, v11  }
.Ltmp6:
0x12a: {  	v3 =	vmul.f32 v3, v7;
	(pc) =	sbr.rel @p0 .LBB2_10-.Ltmp6, $4  }
0x12b: {  	[tilespmem:v10+s29+$0x0] =	vst.idx.add.f32.msk $0xffff, v11;
	v1 =	vmul.f32 v1, v5  }
0x12c: {  	[tilespmem:v4+s29+$0x0] =	vst.idx.add.f32.msk $0xffff, v3;
	v63 =	vmul.f32 v62, v9  }
0x12d: {  	[tilespmem:v2+s29+$0x0] =	vst.idx.add.f32.msk $0xffff, v1  }
0x12e: {  	[tilespmem:v8+s29+$0x0] =	vst.idx.add.f32.msk $0xffff, v63  }
0x12f: {  	[hbm4b:s9+s14] =	stream.strided.scatter [tilespmem:s25], [sflag:$0x4], $0x2800, s15, s14, $0x38;
	[tilespmem:$0x16000] =	vst v63  }
0x130: {  	_ =	swait.ge [sflag:s31], $0x2800  }
0x131: {  	[sflag:s31] =	ssyncset.done $0x0  }
0x132: {  	[sflag:s31] =	ssyncadd.s32 $0xFFFFD800  }
0x133: {  	[hbm4b:s10+s14] =	stream.strided.scatter [tilespmem:s26], [sflag:$0x4], $0x2800, s15, s14, $0x38;
	[tilespmem:$0x16000] =	vst v63  }
0x134: {  	_ =	swait.ge [sflag:s31], $0x2800  }
0x135: {  	[sflag:s31] =	ssyncset.done $0x0  }
0x136: {  	[sflag:s31] =	ssyncadd.s32 $0xFFFFD800  }
0x137: {  	[hbm4b:s11+s14] =	stream.strided.scatter [tilespmem:s28], [sflag:$0x4], $0x2800, s15, s14, $0x38;
	[tilespmem:$0x16000] =	vst v63  }
0x138: {  	s0 =	sadd.s32 $0x1, s0;
	_ =	swait.ge [sflag:s31], $0x2800  }
0x139: {  	p0 =	sne.s32 s0, s13;
	[sflag:s31] =	ssyncset.done $0x0  }
.Ltmp7:
0x13a: {  	[sflag:s31] =	ssyncadd.s32 $0xFFFFD800;
	(pc) =	sbr.rel @p0 .LBB2_1-.Ltmp7, $4  }
0x13b: {  	[hbm4b:s12+s14] =	stream.strided.scatter [tilespmem:s29], [sflag:$0x4], $0x2800, s15, s14, $0x38;
	[tilespmem:$0x16000] =	vst v63  }
0x13c: {  	_ =	swait.ge [sflag:s31], $0x2800  }
0x13d: {  	[sflag:s31] =	ssyncset.done $0x0  }
0x13e: {  	[sflag:s31] =	ssyncadd.s32 $0xFFFFD800  }
0x13f: {  	_ =	sfence.sel $0x180000  }
0x140: {  	[bflag:$0x0] =	sbarrier.arrive $0xFFFF  }
0x141: {  	_ =	strace $0x9000004D  }
0x142: {  	s0 =	stileid.u32;
	[bflag:$0x2] =	sbarrier.arrive $0xFFFF  }
0x143: {  	p0 =	sne.s32 s0, $0x0;
	s0 =	rddreg [dreg:$0x1]  }
0x144: {  	s0 =	sadd.s32 @!p0 $0x100000, s0  }
0x145: {  	[sflag:s0] =	ssyncadd.tile.s32 @!p0 $0x1;
	_ =	shalt  }
.Lfunc_end2:
_tile_overlayer_lowered:
.L_overlay_start_2:
0x146: {  	(tag) =	ssettag $0x2  }
0x147: {  	s0 =	rddreg [dreg:$0x0];
	s2 =	stileid.u32  }
0x148: {  	s1 =	rddreg [dreg:$0x1];
	p0 =	sne.s32 s2, $0x0  }
0x149: {  	s3 =	rddreg [dreg:$0x2];
	[bflag:$0x3] =	sbarrier.arrive $0xFFFF;
	s2 =	simm.s32 @!p0 $0x1C04  }
0x14a: {  	[timem:s3], [sflag:s2] =	dma.local @!p0 [hbm:s0], s1  }
0x14b: {  	s0 =	simm.s32 @!p0 $0x4  }
0x14c: {  	_ =	swait.ge @!p0 [sflag:s0], s1  }
0x14d: {  	s1 =	ssub.s32 @!p0 $0x0, s1;
	[sflag:s0] =	ssyncset.done @!p0 $0x0  }
0x14e: {  	[sflag:s0] =	ssyncadd.s32 @!p0 s1  }
0x14f: {  	[bflag:$0x3] =	sbarrier.arrive $0xFFFF  }
0x150: {  	_ =	shalt  }

// kernel: kernel.8.cloned.1.call-start
scs
__scs_entry_jumppad:
0x0: {  	(pc) =	sbr.rel $0x88, $3  }
0x1: {  	(tag) =	ssettag $0x0;
	lr =	simm.s32 $0x1  }
0x2: {  	[smem:$0x3F9A] =	sst lr;
	_ =	strace $0xD0000000  }
0x3: {  	_ = 	snop  }
0x4: {  	_ = 	snop  }
0x5: {  	_ = 	snop  }
0x6: {  	_ = 	snop  }
0x7: {  	_ = 	snop  }
__scs_overlays_trampoline_lowered:
0x8: {  	[smem:$0x3FA9] =	sst s0  }
0x9: {  	[smem:$0x3FAA] =	sst s1  }
0xa: {  	[smem:$0x3FAB] =	sst s2  }
0xb: {  	[smem:$0x3FAC] =	sst s3  }
0xc: {  	[smem:$0x3FAD] =	sst s4  }
0xd: {  	[smem:$0x3FAE] =	sst s5  }
0xe: {  	[smem:$0x3FAF] =	sst s6  }
0xf: {  	[smem:$0x3FB0] =	sst s7  }
0x10: {  	[smem:$0x3FB1] =	sst s8  }
0x11: {  	[smem:$0x3FB2] =	sst s9;
	s0 =	simm.s32 @!p0 $0x0  }
0x12: {  	s1 =	sld [smem:$0x3F98];
	s0 =	simm.s32 @p0 $0x1  }
0x13: {  	[smem:$0x3FB3] =	sst s0;
	s0 =	simm.s32 @!p1 $0x0  }
0x14: {  	s2 =	sld [smem:$0x3F97];
	s0 =	simm.s32 @p1 $0x1  }
0x15: {  	[smem:$0x3FB4] =	sst s0;
	s0 =	simm.s32 @!p2 $0x0  }
0x16: {  	s3 =	sld [smem:$0x3FDB];
	s0 =	simm.s32 @p2 $0x1  }
0x17: {  	s4 =	simm.s32 $0x1BF5;
	[smem:$0x3FB6] =	sst s0  }
0x18: {  	s0 =	sld [smem:$0x3F99];
	_ =	swait.ge [sflag:s4], $0x0  }
0x19: {  	s7 =	sld [smem:$0x3F9A]  }
0x1a: {  	s8 =	sadd.s32 $0xFFFFE003, lr  }
0x1b: {  	s9 =	sadd.s32 $0xFFFFFEF7, lr;
	s5 =	simm.s32 $0xFFFFFFFF;
	p2 =	slt.u32 s8, $0xFFFFF086  }
0x1c: {  	p1 =	slt.u32 s9, $0xF7A;
	s5 =	simm.s32 @!p2 $0x0  }
0x1d: {  	s5 =	simm.s32 @p1 $0x1;
	p0 =	seq.s32 s7, s2  }
0x1e: {  	s7 =	smul.u32 @!p0 $0xF7A, s2;
	p2 =	seq.s32 @!p0 s5, $0x0  }
0x1f: {  	s9 =	smul.u32 $0xF7A, s1;
	s8 =	simm.s32 @!p0 $0x1BF5;
	p2 =	por !p2, p0  }
0x20: {  	[sflag:s8] =	ssyncset.s32 @!p0 $0xFFFFF086;
	s6 =	sadd.s32 @!p0 s3, s7;
	s7 =	simm.s32 @!p0 $0x108  }
0x21: {  	s3 =	sadd.s32 s3, s9;
	s6 =	sadd.s32 @!p0 $0x88, s6;
	s7 =	simm.s32 @p2 $0x1082  }
0x22: {  	[simem:s7], [sflag:s8] =	dma.local @!p0 [hbm:s6], $0xF7A  }
0x23: {  	s9 =	sor.u32 $0xD0000000, s2;
	s6 =	simm.s32 $0x108;
	_ =	swait.ge @!p0 [sflag:s8], $0x0  }
0x24: {  	s3 =	sadd.s32 $0x88, s3;
	s6 =	simm.s32 @!p1 $0x1082;
	[sflag:s4] =	ssyncset.s32 $0xFFFFF086  }
0x25: {  	[simem:s6], [sflag:s4] =	dma.local [hbm:s3], $0xF7A  }
0x26: {  	[smem:$0x3F9A] =	sst s1;
	(tag) =	ssettag s2;
	_ =	strace s9  }
0x27: {  	s1 =	sld [smem:$0x3FAA]  }
0x28: {  	s2 =	sld [smem:$0x3FAB]  }
0x29: {  	s4 =	sld [smem:$0x3FAD]  }
0x2a: {  	p0 =	seq.s32 s5, $0x0;
	s5 =	sld [smem:$0x3FAE]  }
0x2b: {  	s6 =	sld [smem:$0x3FAF]  }
0x2c: {  	s7 =	sld [smem:$0x3FB0]  }
0x2d: {  	s3 =	simm.s32 $0x108;
	s8 =	sld [smem:$0x3FB1]  }
0x2e: {  	s3 =	simm.s32 @!p0 $0x1082;
	s9 =	sld [smem:$0x3FB2]  }
0x2f: {  	lr =	sadd.s32 s0, s3;
	s0 =	sld [smem:$0x3FA9]  }
0x30: {  	s3 =	sld [smem:$0x3FAC]  }
0x31: {  	[smem:$0x3FB5] =	sst s10  }
0x32: {  	s10 =	sld [smem:$0x3FB3];
	_ =	sdelay $0x3  }
0x33: {  	p0 =	seq.s32 s10, $0x1;
	s10 =	sld [smem:$0x3FB5];
	_ =	sdelay $0x3  }
0x34: {  	[smem:$0x3FB5] =	sst s10  }
0x35: {  	s10 =	sld [smem:$0x3FB4];
	_ =	sdelay $0x3  }
0x36: {  	p1 =	seq.s32 s10, $0x1;
	s10 =	sld [smem:$0x3FB5];
	_ =	sdelay $0x3  }
0x37: {  	[smem:$0x3FB5] =	sst s10  }
0x38: {  	s10 =	sld [smem:$0x3FB6]  }
0x39: {  	_ = 	snop;
	(pc) =	sbr.ind lr, $3  }
0x3a: {  	_ = 	snop  }
0x3b: {  	_ = 	snop  }
0x3c: {  	p2 =	seq.s32 s10, $0x1;
	s10 =	sld [smem:$0x3FB5]  }
0x3d: {  	_ =	shalt  }
0x3e: {  	_ =	shalt  }
0x3f: {  	_ =	shalt  }
0x40: {  	_ =	shalt  }
0x41: {  	_ =	shalt  }
0x42: {  	_ =	shalt  }
0x43: {  	_ =	shalt  }
0x44: {  	_ =	shalt  }
0x45: {  	_ =	shalt  }
0x46: {  	_ =	shalt  }
0x47: {  	_ =	shalt  }
0x48: {  	_ =	shalt  }
0x49: {  	_ =	shalt  }
0x4a: {  	_ =	shalt  }
0x4b: {  	_ =	shalt  }
0x4c: {  	_ =	shalt  }
0x4d: {  	_ =	shalt  }
0x4e: {  	_ =	shalt  }
0x4f: {  	_ =	shalt  }
0x50: {  	_ =	shalt  }
0x51: {  	_ =	shalt  }
0x52: {  	_ =	shalt  }
0x53: {  	_ =	shalt  }
0x54: {  	_ =	shalt  }
0x55: {  	_ =	shalt  }
0x56: {  	_ =	shalt  }
0x57: {  	_ =	shalt  }
0x58: {  	_ =	shalt  }
0x59: {  	_ =	shalt  }
0x5a: {  	_ =	shalt  }
0x5b: {  	_ =	shalt  }
0x5c: {  	_ =	shalt  }
0x5d: {  	_ =	shalt  }
0x5e: {  	_ =	shalt  }
0x5f: {  	_ =	shalt  }
0x60: {  	_ =	shalt  }
0x61: {  	_ =	shalt  }
0x62: {  	_ =	shalt  }
0x63: {  	_ =	shalt  }
0x64: {  	_ =	shalt  }
0x65: {  	_ =	shalt  }
0x66: {  	_ =	shalt  }
0x67: {  	_ =	shalt  }
0x68: {  	_ =	shalt  }
0x69: {  	_ =	shalt  }
0x6a: {  	_ =	shalt  }
0x6b: {  	_ =	shalt  }
0x6c: {  	_ =	shalt  }
0x6d: {  	_ =	shalt  }
0x6e: {  	_ =	shalt  }
0x6f: {  	_ =	shalt  }
0x70: {  	_ =	shalt  }
0x71: {  	_ =	shalt  }
0x72: {  	_ =	shalt  }
0x73: {  	_ =	shalt  }
0x74: {  	_ =	shalt  }
0x75: {  	_ =	shalt  }
0x76: {  	_ =	shalt  }
0x77: {  	_ =	shalt  }
0x78: {  	_ =	shalt  }
0x79: {  	_ =	shalt  }
0x7a: {  	_ =	shalt  }
0x7b: {  	_ =	shalt  }
0x7c: {  	_ =	shalt  }
0x7d: {  	_ =	shalt  }
0x7e: {  	_ =	shalt  }
0x7f: {  	_ =	shalt  }
0x80: {  	_ =	shalt  }
0x81: {  	_ =	shalt  }
0x82: {  	_ =	shalt  }
0x83: {  	_ =	shalt  }
0x84: {  	_ =	shalt  }
0x85: {  	_ =	shalt  }
0x86: {  	_ =	shalt  }
0x87: {  	_ =	shalt  }
.Lfunc_end0:
.L_simem_size_0:
called_computation_lowered:
.L_overlay_start_0:
0x88: {  	s2 =	sld [smem:$0x3FD9]  }
0x89: {  	s3 =	sld [smem:$0x3FFE];
	_ =	sdelay $0x1  }
0x8a: {  	s1 =	srdreg.scid  }
0x8b: {  	s0 =	sand.u32 $0x1, s1  }
0x8c: {  	s17 =	sshll.u32 s0, $0xA;
	s2 =	sadd.s32 s3, s2  }
0x8d: {  	s2 =	sadd.s32 s2, s17  }
0x8e: {  	[smem:$0x3FC1] =	sst s2  }
0x8f: {  	_ = 	snop  }
0x90: {  	s2 =	sld [smem:$0x3FD0];
	(tm) =	ssettm $0x1  }
0x91: {  	s18 =	sld [smem:$0x3FFB];
	_ =	sdelay $0x3  }
0x92: {  	_ =	strace s18  }
0x93: {  	s3 =	sld [smem:$0x3FFC];
	_ =	sdelay $0x3  }
0x94: {  	_ =	strace s3  }
0x95: {  	s3 =	sld [smem:$0x3FFD];
	_ =	sdelay $0x3  }
0x96: {  	_ =	strace s3  }
0x97: {  	_ =	strace $0x8FFFFFFF  }
0x98: {  	s19 =	sld [smem:$0x3FDB];
	_ =	sdelay $0x1  }
0x99: {  	s4 =	simm.s32 $_scs_section_size  }
0x9a: {  	s5 =	simm.s32 $_size__tile_overlayer_lowered;
	s6 =	simm.s32 $_tile_overlayer_lowered  }
0x9b: {  	s22 =	simm.s32 $0x1BFF;
	s21 =	sshll.u32 s6, $0x1;
	s3 =	sadd.s32 s4, s19  }
0x9c: {  	s7 =	simm.s32 $0x0;
	s20 =	sshll.u32 s5, $0x1;
	s5 =	sadd.s32 s21, s3  }
0x9d: {  	[timem:s7], [sflag:s22] =	dma.local [hbm:s5], s20  }
0x9e: {  	_ =	swait.ge [sflag:s22], s20  }
0x9f: {  	s4 =	ssub.s32 $0x0, s20;
	[sflag:s22] =	ssyncset.done $0x0  }
0xa0: {  	[sflag:s22] =	ssyncadd.s32 s4;
	_ =	sdelay $0x1  }
0xa1: {  	s23 =	simm.s32 $0x1B8B  }
0xa2: {  	_ =	swait.ge [sflag:s23], $0x1  }
0xa3: {  	[sflag:s23] =	ssyncset.done $0x0  }
0xa4: {  	s25 =	simm.s32 $0x1B8E;
	s24 =	sld [smem:$0x3FFE];
	[sflag:s23] =	ssyncadd.s32 $0xFFFFFFFF  }
0xa5: {  	s26 =	simm.s32 $execute0_lowered;
	[smem:$0x3FD2] =	sst s25  }
0xa6: {  	s5 =	sshll.u32 s26, $0x1;
	_ =	strace $0x80000046;
	[dreg:$0x1] =	wrdreg $0xFFFFFFFF  }
0xa7: {  	s28 =	simm.s32 $_size_execute0_lowered;
	s3 =	sadd.s32 s3, s5;
	[dreg:$0x0] =	wrdreg $0x0  }
0xa8: {  	s5 =	sshll.u32 s28, $0x1;
	[dreg:$0x2] =	wrdreg s3  }
0xa9: {  	[dreg:$0x3] =	wrdreg s5  }
0xaa: {  	[dreg:$0x4] =	wrdreg $0xC0  }
0xab: {  	_ =	task [dreg:s7], $0x5FFFF  }
0xac: {  	[dreg:$0x1] =	wrdreg $0xFFFFFFFF  }
0xad: {  	[dreg:$0x0] =	wrdreg $0x60  }
0xae: {  	[dreg:$0x2] =	wrdreg s24  }
0xaf: {  	[dreg:$0x3] =	wrdreg s2  }
0xb0: {  	[dreg:$0x4] =	wrdreg $0x9  }
0xb1: {  	_ =	task.clear_ibuf [dreg:s7], $0x5FFFF;
	_ =	strace $0x90000046  }
0xb2: {  	s29 =	simm.s32 $0x9;
	_ =	strace $0x80000048  }
0xb3: {  	_ =	swait.ge [sflag:s29], $0x1  }
0xb4: {  	[sflag:s29] =	ssyncadd.s32 $0xFFFFFFFF  }
0xb5: {  	_ =	strace $0x90000048  }
0xb6: {  	_ =	sfence  }
0xb7: {  	s30 =	sld [smem:$0x0];
	_ =	sdelay $0x2  }
0xb8: {  	s31 =	sshll.u32 s1, $0xD;
	s1 =	sshrl.u32 s1, $0x2  }
0xb9: {  	s3 =	sand.u32 $0x4000, s31;
	s1 =	sadd.s32 s1, s30  }
0xba: {  	s0 =	sor.u32 s3, s0;
	s1 =	sshll.u32 s1, $0x11  }
0xbb: {  	s0 =	sor.u32 s1, s0  }
0xbc: {  	s0 =	sadd.s32 $0x8F2B, s0  }
0xbd: {  	[sflag:s0] =	ssyncadd.remote.s32 $0x1  }
0xbe: {  	_ =	sfence.sel $0xFFFF  }
0xbf: {  	[dreg:$0x0] =	wrdreg $0xFFFFFFFF;
	(pc) =	sbr.abs _section_cstart, $3  }
0xc0: {  	[dreg:$0x1] =	wrdreg $0xFFFFFFFF  }
0xc1: {  	_ =	task.clear_ibuf [dreg:s7], $0x2FFFF;
	_ =	strace $0x9FFFFFFF  }
0xc2: {  	(tm) =	ssettm $0x7FFFFFFF  }
0xc3: {  	_ =	shalt  }
tec
execute0_lowered:
.L_overlay_start_1:
0x0: {  	(tag) =	ssettag $0x1  }
0x1: {  	s0 =	srdreg.scid;
	s3 =	rddreg [dreg:$0x0]  }
0x2: {  	s5 =	rddreg [dreg:$0x1];
	s1 =	stileid.u32;
	s9 =	simm.s32 $0x4F00  }
0x3: {  	s10 =	simm.s32 $0x80;
	s11 =	simm.s32 $0x400;
	s4 =	sand.u32 $0x1, s0  }
0x4: {  	s12 =	simm.s32 $0x0;
	s0 =	rddreg [dreg:$0x2];
	s2 =	sshll.u32 s4, $0x4  }
0x5: {  	s8 =	sshll.u32 s1, $0x7;
	s4 =	ssub.s32 $0x2, s4;
	s6 =	sor.u32 s1, s2  }
0x6: {  	s8 =	sand.u32 $0x380, s8;
	s7 =	smul.u32 $0x4F0, s6;
	s6 =	sshrl.u32 s6, $0x3  }
0x7: {  	s2 =	simm.s32 $0x0;
	s30 =	sshrl.u32 s4, $0x1;
	s6 =	smul.u32 $0x14000, s6  }
0x8: {  	[smem:$0x7FF] =	sst s2;
	s31 =	ssub.s32 s4, s30;
	s7 =	sadd.s32 s7, s3  }
0x9: {  	_ =	strace $0x80000047;
	s6 =	sor.u32 s8, s6;
	s3 =	sadd.s32 $0x2C00, s7  }
0xa: {  	s4 =	sadd.s32 $0x16800, s7;
	s7 =	simm.s32 $0x1;
	s6 =	sshrl.u32 s6, $0x3  }
0xb: {  	v0 =	vimm.f32 $0.0e+00;
	s8 =	simm.s32 $0x2780;
	s5 =	sadd.s32 s5, s6;
	s6 =	smax.u32 s31, $0x1  }
.LBB2_1:
0xc: {  	s13 =	simm.s32 $0x4F40  }
0xd: {  	[tilespmem:s13+$0xFFFFFFC0] =	vst v0  }
0xe: {  	[tilespmem:s13+$0x30] =	vst v0  }
0xf: {  	[tilespmem:s13+$0x20] =	vst v0  }
0x10: {  	[tilespmem:s13+$0x10] =	vst v0  }
0x11: {  	[tilespmem:s13+$0x0] =	vst v0  }
0x12: {  	[tilespmem:s13+$0xFFFFFFF0] =	vst v0  }
0x13: {  	s14 =	simm.s32 $0x0;
	[tilespmem:s13+$0xFFFFFFE0] =	vst v0  }
.LBB2_2:
0x14: {  	s14 =	sadd.s32 $0x8, s14;
	[tilespmem:s13+$0xFFFFFFD0] =	vst v0;
	s13 =	sadd.s32 $0x80, s13  }
0x15: {  	[tilespmem:s13+$0xFFFFFFC0] =	vst v0;
	p0 =	slt.u32 s14, $0x278  }
0x16: {  	[tilespmem:s13+$0x30] =	vst v0  }
.Ltmp0:
0x17: {  	[tilespmem:s13+$0x20] =	vst v0;
	(pc) =	sbr.rel @p0 .LBB2_2-.Ltmp0, $4  }
0x18: {  	[tilespmem:s13+$0x10] =	vst v0  }
0x19: {  	[tilespmem:s13+$0x0] =	vst v0  }
0x1a: {  	[tilespmem:s13+$0xFFFFFFF0] =	vst v0  }
0x1b: {  	[tilespmem:s13+$0xFFFFFFE0] =	vst v0  }
0x1c: {  	[tilespmem:s13+$0xFFFFFFD0] =	vst v0  }
0x1d: {  	[tilespmem:s2], [sflag:$0x1] =	stream.linear.gather [hbm4b:s3+s2], $0x2780, $0x38;
	[tilespmem:$0x7700] =	vst v63  }
0x1e: {  	_ =	swait.ge [sflag:s7], $0x2780  }
0x1f: {  	[sflag:s7] =	ssyncset.done $0x0  }
0x20: {  	[sflag:s7] =	ssyncadd.s32 $0xFFFFD880  }
0x21: {  	[tilespmem:s8], [sflag:$0x1] =	stream.linear.gather [hbm4b:s4+s2], $0x2780, $0x38;
	[tilespmem:$0x7700] =	vst v63  }
0x22: {  	_ =	swait.ge [sflag:s7], $0x2780  }
0x23: {  	s13 =	simm.s32 $0xFFFFFFFC;
	[sflag:s7] =	ssyncset.done $0x0  }
0x24: {  	s14 =	simm.s32 $0x27A0;
	s15 =	simm.s32 $0x20;
	[sflag:s7] =	ssyncadd.s32 $0xFFFFD880  }
.LBB2_4:
0x25: {  	v1 =	vld [tilespmem:s15+$0xFFFFFFE0];
	_ =	sdelay $0x2  }
0x26: {  	v2 =	vld [tilespmem:s14+$0xFFFFFFE0];
	_ =	sdelay $0x4  }
0x27: {  	[tilespmem:v1+s9+$0x0] =	vst.idx.add.f32.msk $0xffff, v2  }
0x28: {  	v1 =	vld [tilespmem:s15+$0xFFFFFFF0];
	_ =	sdelay $0x2  }
0x29: {  	v2 =	vld [tilespmem:s14+$0xFFFFFFF0];
	_ =	sdelay $0x4  }
0x2a: {  	[tilespmem:v1+s9+$0x0] =	vst.idx.add.f32.msk $0xffff, v2  }
0x2b: {  	v1 =	vld [tilespmem:s15+$0x0];
	_ =	sdelay $0x2  }
0x2c: {  	v2 =	vld [tilespmem:s14+$0x0];
	_ =	sdelay $0x4  }
0x2d: {  	[tilespmem:v1+s9+$0x0] =	vst.idx.add.f32.msk $0xffff, v2  }
0x2e: {  	v1 =	vld [tilespmem:s15+$0x10];
	_ =	sdelay $0x1  }
0x2f: {  	s13 =	sadd.s32 $0x4, s13  }
0x30: {  	p0 =	slt.u32 s13, $0x274;
	v2 =	vld [tilespmem:s14+$0x10]  }
.Ltmp1:
0x31: {  	_ = 	snop;
	(pc) =	sbr.rel @p0 .LBB2_4-.Ltmp1, $2  }
0x32: {  	_ =	sdelay $0x2  }
0x33: {  	s14 =	sadd.s32 $0x40, s14;
	s15 =	sadd.s32 $0x40, s15;
	[tilespmem:v1+s9+$0x0] =	vst.idx.add.f32.msk $0xffff, v2  }
0x34: {  	s12 =	sadd.s32 $0x1, s12  }
0x35: {  	p0 =	sne.s32 s12, s6  }
.Ltmp2:
0x36: {  	_ = 	snop;
	(pc) =	sbr.rel @p0 .LBB2_1-.Ltmp2, $4  }
0x37: {  	[hbm4b:s5+s10] =	stream.strided.scatter [tilespmem:s9], [sflag:$0x1], $0x2800, s11, s10, $0x38;
	[tilespmem:$0x7700] =	vst v63  }
0x38: {  	_ =	swait.ge [sflag:s7], $0x2800  }
0x39: {  	[sflag:s7] =	ssyncset.done $0x0  }
0x3a: {  	[sflag:s7] =	ssyncadd.s32 $0xFFFFD800  }
0x3b: {  	_ =	sfence.sel $0x180000  }
0x3c: {  	[bflag:$0x0] =	sbarrier.arrive $0xFFFF  }
0x3d: {  	p0 =	sne.s32 s1, $0x0;
	_ =	strace $0x90000047  }
0x3e: {  	s0 =	sadd.s32 @!p0 $0x100000, s0;
	[bflag:$0x2] =	sbarrier.arrive $0xFFFF  }
0x3f: {  	[sflag:s0] =	ssyncadd.tile.s32 @!p0 $0x1;
	_ =	shalt  }
.Lfunc_end2:
_tile_overlayer_lowered:
.L_overlay_start_2:
0x40: {  	(tag) =	ssettag $0x2  }
0x41: {  	s0 =	rddreg [dreg:$0x0];
	s2 =	stileid.u32  }
0x42: {  	s1 =	rddreg [dreg:$0x1];
	p0 =	sne.s32 s2, $0x0  }
0x43: {  	s3 =	rddreg [dreg:$0x2];
	[bflag:$0x3] =	sbarrier.arrive $0xFFFF;
	s2 =	simm.s32 @!p0 $0x1C01  }
0x44: {  	[timem:s3], [sflag:s2] =	dma.local @!p0 [hbm:s0], s1  }
0x45: {  	s0 =	simm.s32 @!p0 $0x1  }
0x46: {  	_ =	swait.ge @!p0 [sflag:s0], s1  }
0x47: {  	s1 =	ssub.s32 @!p0 $0x0, s1;
	[sflag:s0] =	ssyncset.done @!p0 $0x0  }
0x48: {  	[sflag:s0] =	ssyncadd.s32 @!p0 s1  }
0x49: {  	[bflag:$0x3] =	sbarrier.arrive $0xFFFF  }
0x4a: {  	_ =	shalt  }

</sc_bundles>
